<compile_context>
chip_gen: v7x
topology: tpu7x:2x2x1
jax: 0.10.2.dev20260603
libtpu: 0.0.44.dev20260713+nightly
codegen_flags: <defaults>
</compile_context>

<pallas_src>
import functools

import jax
import jax.numpy as jnp
from jax import lax
from jax.experimental import pallas as pl
from jax.experimental.pallas import tpu as pltpu
from jax.experimental.pallas import tpu_sc as plsc

N = 10000
E = 320000
DIN = 128
DH = 16
DOUT = 64

NC, NS, L = 2, 16, 16
NW = NC * NS
NP = 10240
RP = NP // 8
ROWS_S = NP // NS
CK = 125
ECH = E // CK
WCH = ECH // NW
GRID = 8
RB = RP // GRID

_f32 = jnp.float32
_mesh = plsc.VectorSubcoreMesh(core_axis_name="c", subcore_axis_name="s",
                               num_cores=NC, num_subcores=NS)
_sc_params = pltpu.CompilerParams(use_tc_tiling_on_sc=False)


def _zero_acc_slice(stage_v, acc_sh, sid):
    def zrow(i, c):
        stage_v[i, :] = jnp.zeros((L,), _f32)
        return c
    lax.fori_loop(0, ROWS_S, zrow, 0)
    pltpu.sync_copy(stage_v, acc_sh.at[pl.ds(sid * ROWS_S, ROWS_S)])


def _writeout(acc_sh, out0_hbm, out1_hbm, cid, sid):
    sl = pl.ds(sid * ROWS_S, ROWS_S)

    @pl.when(cid == 0)
    def _():
        pltpu.sync_copy(acc_sh.at[sl], out0_hbm.at[sl])

    @pl.when(cid == 1)
    def _():
        pltpu.sync_copy(acc_sh.at[sl], out1_hbm.at[sl])



@functools.partial(
    pl.kernel,
    out_type=(jax.ShapeDtypeStruct((NP, L), _f32),
              jax.ShapeDtypeStruct((NP, L), _f32)),
    mesh=_mesh,
    compiler_params=_sc_params,
    scratch_types=[
        pltpu.VMEM((WCH, CK), jnp.int32),
        pltpu.VMEM((CK, L), _f32),
        pltpu.VMEM((ROWS_S, L), _f32),
        pltpu.VMEM_SHARED((NP, L), _f32),
    ],
)
def _deg(edge_hbm, out0_hbm, out1_hbm, dst_v, ones_v, stage_v, acc_sh):
    cid = lax.axis_index("c")
    sid = lax.axis_index("s")
    wid = cid * NS + sid

    _zero_acc_slice(stage_v, acc_sh, sid)

    def orow(i, c):
        ones_v[i, :] = jnp.ones((L,), _f32)
        return c
    lax.fori_loop(0, CK, orow, 0)
    pltpu.sync_copy(edge_hbm.at[1, pl.ds(wid * WCH, WCH)], dst_v)
    plsc.subcore_barrier()

    def step(j, c):
        pltpu.sync_copy(ones_v, acc_sh.at[dst_v.at[j]], add=True)
        return c
    lax.fori_loop(0, WCH, step, 0)

    plsc.subcore_barrier()
    _writeout(acc_sh, out0_hbm, out1_hbm, cid, sid)



@functools.partial(
    pl.kernel,
    out_type=(jax.ShapeDtypeStruct((NP, L), _f32),
              jax.ShapeDtypeStruct((NP, L), _f32)),
    mesh=_mesh,
    compiler_params=_sc_params,
    scratch_types=[
        pltpu.VMEM((WCH, CK), jnp.int32),
        pltpu.VMEM((WCH, CK), jnp.int32),
        pltpu.VMEM((4, CK, L), _f32),
        pltpu.VMEM((ROWS_S, L), _f32),
        pltpu.VMEM_SHARED((NP, L), _f32),
        pltpu.VMEM_SHARED((NP, L), _f32),
        pltpu.SemaphoreType.DMA,
        pltpu.SemaphoreType.DMA,
    ],
)
def _agg(tab_hbm, edge_hbm, out0_hbm, out1_hbm,
         src_v, dst_v, rows_v, stage_v, acc_sh, tab_sh, gsem, ssem):
    cid = lax.axis_index("c")
    sid = lax.axis_index("s")
    wid = cid * NS + sid
    sl = pl.ds(sid * ROWS_S, ROWS_S)

    _zero_acc_slice(stage_v, acc_sh, sid)
    pltpu.sync_copy(tab_hbm.at[sl], tab_sh.at[sl])
    pltpu.sync_copy(edge_hbm.at[0, pl.ds(wid * WCH, WCH)], src_v)
    pltpu.sync_copy(edge_hbm.at[1, pl.ds(wid * WCH, WCH)], dst_v)
    plsc.subcore_barrier()

    pltpu.async_copy(tab_sh.at[src_v.at[0]], rows_v.at[0], gsem)
    pltpu.async_copy(tab_sh.at[src_v.at[1]], rows_v.at[1], gsem)

    def step(j, c):
        b = lax.rem(j, 4)
        pltpu.make_async_copy(tab_sh.at[src_v.at[j]], rows_v.at[b], gsem).wait()
        pltpu.async_copy(rows_v.at[b], acc_sh.at[dst_v.at[j]], ssem, add=True)

        @pl.when(j >= 2)
        def _():
            pltpu.make_async_copy(
                rows_v.at[lax.rem(j + 2, 4)],
                acc_sh.at[dst_v.at[j - 2]], ssem).wait()

        @pl.when(j + 2 < WCH)
        def _():
            pltpu.async_copy(tab_sh.at[src_v.at[j + 2]],
                             rows_v.at[lax.rem(j + 2, 4)], gsem)
        return c
    lax.fori_loop(0, WCH, step, 0)

    pltpu.make_async_copy(rows_v.at[lax.rem(WCH - 2, 4)],
                          acc_sh.at[dst_v.at[WCH - 2]], ssem).wait()
    pltpu.make_async_copy(rows_v.at[lax.rem(WCH - 1, 4)],
                          acc_sh.at[dst_v.at[WCH - 1]], ssem).wait()

    plsc.subcore_barrier()
    _writeout(acc_sh, out0_hbm, out1_hbm, cid, sid)



def _prepa_body(xk_ref, w0_ref, wr0_ref, wr1_ref, p_ref, kall_v):
    @pl.when(pl.program_id(0) == 0)
    def _():
        kall_v[...] = jnp.zeros((8 * DIN, 384), _f32)
        for a in range(8):
            r = pl.ds(a * DIN, DIN)
            kall_v[r, pl.ds(a * DH, DH)] = w0_ref[...]
            kall_v[r, pl.ds(128 + a * DH, DH)] = wr0_ref[...]
            kall_v[r, pl.ds(256 + a * DH, DH)] = wr1_ref[...]

    p_ref[...] = jnp.dot(xk_ref[...], kall_v[...], preferred_element_type=_f32)


def _prepb_body(p_ref, b0_ref, b1_ref, dg0_ref, dg1_ref,
                v0_ref, r0_ref, r1_ref, d_ref):
    deg = dg0_ref[...] + dg1_ref[...] + 1.0
    dinv = lax.rsqrt(deg)
    d_ref[...] = dinv
    p = p_ref[...]
    tb0 = jnp.tile(b0_ref[...], (1, 8))
    tb1 = jnp.tile(b1_ref[...], (1, 8))
    v0_ref[...] = dinv * p[:, :128]
    r0_ref[...] = p[:, 128:256] + tb0
    r1_ref[...] = p[:, 256:384] + tb1


def _mid_body(last, a0_ref, a1_ref, v_ref, d_ref, h0_ref, b_ref, gwa_ref,
              gwb_ref, w1_ref, vout_ref, kga_v, kgb_v, kb8_v, kw1_v):
    @pl.when(pl.program_id(0) == 0)
    def _():
        kga_v[...] = jnp.zeros((128, 8), _f32)
        kgb_v[...] = jnp.zeros((128, 8), _f32)
        kb8_v[...] = jnp.zeros((8, 128), _f32)
        kw1_v[...] = jnp.zeros((128, 128), _f32)
        for a in range(8):
            r = pl.ds(a * DH, DH)
            kga_v[r, pl.ds(a, 1)] = gwa_ref[...]
            kgb_v[r, pl.ds(a, 1)] = gwb_ref[...]
            kb8_v[pl.ds(a, 1), r] = jnp.ones((1, DH), _f32)
            kw1_v[r, r] = w1_ref[...]

    d = d_ref[...]
    h1 = jnp.maximum(
        d * (a0_ref[...] + a1_ref[...] + v_ref[...])
        + jnp.tile(b_ref[...], (1, 8)), 0.0)
    h0 = h0_ref[...]
    if last:
        gwa, gwb = gwa_ref[...], gwb_ref[...]
        scale = lax.rsqrt(jnp.sum(gwa * gwa) + jnp.sum(gwb * gwb))
    else:
        scale = 1.0
    zz = (jnp.dot(h1, kga_v[...], preferred_element_type=_f32)
          + jnp.dot(h0, kgb_v[...], preferred_element_type=_f32)) * scale
    g = jax.nn.sigmoid(zz)
    gp = jnp.dot(g, kb8_v[...], preferred_element_type=_f32)
    h = gp * h1 + (1.0 - gp) * h0
    if last:
        vout_ref[...] = d * h
    else:
        vout_ref[...] = d * jnp.dot(h, kw1_v[...], preferred_element_type=_f32)


def _final_body(a0_ref, a1_ref, v_ref, d_ref, w2_ref, b2_ref, out_ref, kw2_v):
    @pl.when(pl.program_id(0) == 0)
    def _():
        kw2_v[...] = jnp.zeros((128, 8 * DOUT), _f32)
        for a in range(8):
            kw2_v[pl.ds(a * DH, DH), pl.ds(a * DOUT, DOUT)] = w2_ref[...]

    a2 = d_ref[...] * (a0_ref[...] + a1_ref[...] + v_ref[...])
    o = (jnp.dot(a2, kw2_v[...], preferred_element_type=_f32)
         + jnp.tile(b2_ref[...], (1, 8)))
    o3 = o.reshape(o.shape[0], 8, DOUT)
    m = jnp.max(o3, axis=2, keepdims=True)
    e = o3 - m
    ls = jnp.log(jnp.sum(jnp.exp(e), axis=2, keepdims=True))
    out_ref[...] = (e - ls).reshape(o.shape[0] * 8, DOUT)


def _rows(i):
    return (i, 0)


def _whole(i):
    return (0, 0)


def _pk(shape=(RB, 128)):
    return pl.BlockSpec(shape, _rows)


def _w(shape):
    return pl.BlockSpec(shape, _whole)


def kernel(x, edge_index, gcn_W0, gcn_b0, gcn_W1, gcn_b1, gcn_W2, gcn_b2,
           red_W0, red_b0, red_W1, red_b1, gate_W0, gate_W1):
    x = x.astype(_f32)
    e3 = edge_index.astype(jnp.int32).reshape(2, ECH, CK)
    xk = jnp.pad(x, ((0, NP - N), (0, 0))).reshape(RP, 8 * DIN)
    praw = pl.pallas_call(
        _prepa_body,
        grid=(GRID,),
        in_specs=[_pk((RB, 8 * DIN)), _w((DIN, DH)), _w((DIN, DH)),
                  _w((DIN, DH))],
        out_specs=_pk((RB, 384)),
        out_shape=jax.ShapeDtypeStruct((RP, 384), _f32),
        scratch_shapes=[pltpu.VMEM((8 * DIN, 384), _f32)],
    )(xk, gcn_W0, red_W0, red_W1)

    dg0, dg1 = _deg(e3)

    v0p, r0p, r1p, dp = pl.pallas_call(
        _prepb_body,
        grid=(GRID,),
        in_specs=[_pk((RB, 384)), _w((1, DH)), _w((1, DH)), _pk(), _pk()],
        out_specs=(_pk(), _pk(), _pk(), _pk()),
        out_shape=tuple(jax.ShapeDtypeStruct((RP, 128), _f32) for _ in range(4)),
    )(praw, red_b0.reshape(1, DH), red_b1.reshape(1, DH),
      dg0.reshape(RP, 128), dg1.reshape(RP, 128))

    def mid(last, a0, a1, vp, h0p, b, gw, w1):
        return pl.pallas_call(
            functools.partial(_mid_body, last),
            grid=(GRID,),
            in_specs=[_pk(), _pk(), _pk(), _pk(), _pk(), _w((1, DH)),
                      _w((DH, 1)), _w((DH, 1)), _w((DH, DH))],
            out_specs=_pk(),
            out_shape=jax.ShapeDtypeStruct((RP, 128), _f32),
            scratch_shapes=[pltpu.VMEM((128, 8), _f32),
                            pltpu.VMEM((128, 8), _f32),
                            pltpu.VMEM((8, 128), _f32),
                            pltpu.VMEM((128, 128), _f32)],
        )(a0.reshape(RP, 128), a1.reshape(RP, 128), vp, dp, h0p,
          b.reshape(1, DH), gw[:DH], gw[DH:], w1)

    a0, a1 = _agg(v0p.reshape(NP, L), e3)
    v1p = mid(False, a0, a1, v0p, r0p, gcn_b0, gate_W0, gcn_W1)

    a0, a1 = _agg(v1p.reshape(NP, L), e3)
    v2p = mid(True, a0, a1, v1p, r1p, gcn_b1, gate_W1, gcn_W1)

    a0, a1 = _agg(v2p.reshape(NP, L), e3)
    out = pl.pallas_call(
        _final_body,
        grid=(GRID,),
        in_specs=[_pk(), _pk(), _pk(), _pk(), _w((DH, DOUT)), _w((1, DOUT))],
        out_specs=pl.BlockSpec((RB * 8, DOUT), _rows),
        out_shape=jax.ShapeDtypeStruct((N, DOUT), _f32),
        scratch_shapes=[pltpu.VMEM((128, 8 * DOUT), _f32)],
    )(a0.reshape(RP, 128), a1.reshape(RP, 128), v2p, dp,
      gcn_W2, gcn_b2.reshape(1, DOUT))

    return out

# --- scband reference (transcript-rebuilt; emitter-appended) ---
"""Pipeline reference for scband-magcn-24283745091827 (READ-ONLY COPY).

The authoritative reference and input builder live on the scoring server;
editing this copy changes nothing except your own understanding.
"""

import jax, jax.numpy as jnp
import numpy as np

N = 10000
E = 320000
DIN = 128
DH = 16
DOUT = 64


def _gcn_conv(x, src, dst, W, b, num_nodes):
    # PyG GCNConv: x @ W, symmetric normalization with self-loops (added by caller), sum-aggregate, + bias
    h = x @ W
    deg = jnp.zeros((num_nodes,), x.dtype).at[dst].add(1.0)
    dinv = jnp.where(deg > 0, 1.0 / jnp.sqrt(deg), 0.0)
    norm = dinv[src] * dinv[dst]
    msg = jnp.take(h, src, axis=0) * norm[:, None]
    out = jax.ops.segment_sum(msg, dst, num_segments=num_nodes)
    return out + b


def setup_inputs(seed: int = 0) -> dict:
    key = jax.random.key(seed)
    ks = jax.random.split(key, 16)
    x = jax.random.normal(ks[0], (N, DIN), dtype=jnp.float32)
    edge_index = jax.random.randint(ks[1], (2, E), 0, N, dtype=jnp.int64)
    s = 0.1
    params = {
        'gcn_W0': jax.random.normal(ks[2], (DIN, DH), dtype=jnp.float32) * s,
        'gcn_b0': jnp.zeros((DH,), jnp.float32),
        'gcn_W1': jax.random.normal(ks[3], (DH, DH), dtype=jnp.float32) * s,
        'gcn_b1': jnp.zeros((DH,), jnp.float32),
        'gcn_W2': jax.random.normal(ks[4], (DH, DOUT), dtype=jnp.float32) * s,
        'gcn_b2': jnp.zeros((DOUT,), jnp.float32),
        'red_W0': jax.random.normal(ks[5], (DIN, DH), dtype=jnp.float32) * s,
        'red_b0': jnp.zeros((DH,), jnp.float32),
        'red_W1': jax.random.normal(ks[6], (DIN, DH), dtype=jnp.float32) * s,
        'red_b1': jnp.zeros((DH,), jnp.float32),
        'gate_W0': jax.random.normal(ks[7], (2 * DH, 1), dtype=jnp.float32) * s,
        'gate_W1': jax.random.normal(ks[8], (2 * DH, 1), dtype=jnp.float32) * s,
    }
    return {'x': x, 'edge_index': edge_index, **params}


def reference(x, edge_index, gcn_W0, gcn_b0, gcn_W1, gcn_b1, gcn_W2, gcn_b2,
              red_W0, red_b0, red_W1, red_b1, gate_W0, gate_W1):
    # add self loops once
    loop = jnp.arange(N, dtype=edge_index.dtype)
    src = jnp.concatenate([edge_index[0], loop])
    dst = jnp.concatenate([edge_index[1], loop])
    h = x
    # layer 0
    h0 = x @ red_W0 + red_b0
    h1 = jax.nn.relu(_gcn_conv(h, src, dst, gcn_W0, gcn_b0, N))
    g = jax.nn.sigmoid(jnp.concatenate([h1, h0], axis=1) @ gate_W0)
    h = g * h1 + (1.0 - g) * h0
    # layer 1 (model_num - 2 = 1 iteration); dropout is identity in eval mode
    h0 = x @ red_W1 + red_b1
    h1 = jax.nn.relu(_gcn_conv(h, src, dst, gcn_W1, gcn_b1, N))
    wnorm = jnp.linalg.norm(gate_W1)
    g = jax.nn.sigmoid((jnp.concatenate([h1, h0], axis=1) @ gate_W1) / wnorm)
    h = g * h1 + (1.0 - g) * h0
    # final layer + log_softmax (node_classify)
    out = _gcn_conv(h, src, dst, gcn_W2, gcn_b2, N)
    return jax.nn.log_softmax(out, axis=1)

if __name__ == "__main__":
    import jax
    _d = setup_inputs()
    print(jax.jit(kernel)(*tuple(_d.values())))

</pallas_src>

<mosaic_0001>
#map = affine_map<(d0, d1) -> (0, 0, 0)>
#map1 = affine_map<(d0, d1) -> (0, 0)>
module attributes {stable_mosaic.version = 14 : i64} {
  func.func @_deg(%arg0: i32, %arg1: i32, %arg2: memref<2x2560x125xi32, #tpu.memory_space<hbm>>, %arg3: memref<10240x16xf32, #tpu.memory_space<hbm>>, %arg4: memref<10240x16xf32, #tpu.memory_space<hbm>>, %arg5: memref<80x125xi32, #tpu.memory_space<vmem>>, %arg6: memref<125x16xf32, #tpu.memory_space<vmem>>, %arg7: memref<640x16xf32, #tpu.memory_space<vmem>>, %arg8: memref<10240x16xf32, #tpu.memory_space<vmem_shared>>) attributes {dimension_semantics = [#tpu.dimension_semantics<core_parallel>, #tpu.dimension_semantics<subcore_parallel>], iteration_bounds = array<i64: 2, 16>, scalar_prefetch = 0 : i64, scratch_operands = 4 : i64, tpu.core_type = #tpu.core_type<sc_vector_subcore>, window_params = [{transform_indices = #map}, {transform_indices = #map1}, {transform_indices = #map1}]} {
    %mul3A = arith.constant 16 : i32
    %mul3A_0 = arith.muli %arg0, %mul3A : i32
    %add3A = arith.addi %mul3A_0, %arg1 : i32
    %scan3A = arith.constant 0 : i32
    %scan3A_1 = arith.constant 0 : i32
    %scan3A_2 = arith.constant 640 : i32
    %scan3A_3 = arith.addi %scan3A_1, %scan3A_2 : i32
    %scan3A_4 = arith.constant 1 : i32
    scf.for %scan3A_32 = %scan3A_1 to %scan3A_3 step %scan3A_4  : i32 {
      %broadcast_in_dim3A = arith.constant 0.000000e+00 : f32
      %broadcast_in_dim3A_33 = vector.broadcast %broadcast_in_dim3A : f32 to vector<16xf32>
      %swap3A = arith.index_cast %scan3A_32 : i32 to index
      %swap3A_34 = arith.constant 0 : index
      %swap3A_35 = tpu.vector_load %arg7[%swap3A, %swap3A_34] {strides = array<i32>} : memref<640x16xf32, #tpu.memory_space<vmem>>, vector<1x16xf32>,
      %swap3A_36 = vector.shape_cast %swap3A_35 : vector<1x16xf32> to vector<16xf32>
      %swap3A_37 = vector.shape_cast %broadcast_in_dim3A_33 : vector<16xf32> to vector<1x16xf32>
      tpu.vector_store %arg7[%swap3A, %swap3A_34], %swap3A_37 {strides = array<i32>} : memref<640x16xf32, #tpu.memory_space<vmem>>, vector<1x16xf32>,
    }
    %scan3A_5 = arith.constant 640 : i32
    %mul3A_6 = arith.constant 640 : i32
    %mul3A_7 = arith.muli %arg1, %mul3A_6 : i32
    "tpu.region"() ({
      %run_scoped3A_32 = tpu.sem_alloc : memref<!tpu.dma_semaphore, #tpu.memory_space<semaphore_mem>>
      %dma_start3A = arith.constant 0 : i32
      %dma_start3A_33 = tpu.memref_slice %arg8[%mul3A_7, %dma_start3A] : memref<10240x16xf32, #tpu.memory_space<vmem_shared>> -> memref<640x16xf32, #tpu.memory_space<vmem_shared>>
      %dma_start3A_34 = arith.constant 0 : i32
      %dma_start3A_35 = tpu.memref_slice %arg8[%mul3A_7, %dma_start3A_34] : memref<10240x16xf32, #tpu.memory_space<vmem_shared>> -> memref<640x16xf32, #tpu.memory_space<vmem_shared>>
      tpu.enqueue_dma source(%arg7 : memref<640x16xf32, #tpu.memory_space<vmem>>) target(%dma_start3A_35 : memref<640x16xf32, #tpu.memory_space<vmem_shared>>) target_semaphore(%run_scoped3A_32 : memref<!tpu.dma_semaphore, #tpu.memory_space<semaphore_mem>>)
      %dma_wait3A = arith.constant 0 : i32
      %dma_wait3A_36 = tpu.memref_slice %arg8[%mul3A_7, %dma_wait3A] : memref<10240x16xf32, #tpu.memory_space<vmem_shared>> -> memref<640x16xf32, #tpu.memory_space<vmem_shared>>
      %dma_wait3A_37 = arith.constant 0 : i32
      %dma_wait3A_38 = tpu.memref_slice %arg8[%mul3A_7, %dma_wait3A_37] : memref<10240x16xf32, #tpu.memory_space<vmem_shared>> -> memref<640x16xf32, #tpu.memory_space<vmem_shared>>
      tpu.wait_dma2 semaphore(%run_scoped3A_32 : memref<!tpu.dma_semaphore, #tpu.memory_space<semaphore_mem>>) src(%arg7 : memref<640x16xf32, #tpu.memory_space<vmem>>) dst(%dma_wait3A_38 : memref<640x16xf32, #tpu.memory_space<vmem_shared>>)
      tpu.yield
    }) : () -> ()
    %scan3A_8 = arith.constant 0 : i32
    %scan3A_9 = arith.constant 0 : i32
    %scan3A_10 = arith.constant 125 : i32
    %scan3A_11 = arith.addi %scan3A_9, %scan3A_10 : i32
    %scan3A_12 = arith.constant 1 : i32
    scf.for %scan3A_32 = %scan3A_9 to %scan3A_11 step %scan3A_12  : i32 {
      %broadcast_in_dim3A = arith.constant 1.000000e+00 : f32
      %broadcast_in_dim3A_33 = vector.broadcast %broadcast_in_dim3A : f32 to vector<16xf32>
      %swap3A = arith.index_cast %scan3A_32 : i32 to index
      %swap3A_34 = arith.constant 0 : index
      %swap3A_35 = tpu.vector_load %arg6[%swap3A, %swap3A_34] {strides = array<i32>} : memref<125x16xf32, #tpu.memory_space<vmem>>, vector<1x16xf32>,
      %swap3A_36 = vector.shape_cast %swap3A_35 : vector<1x16xf32> to vector<16xf32>
      %swap3A_37 = vector.shape_cast %broadcast_in_dim3A_33 : vector<16xf32> to vector<1x16xf32>
      tpu.vector_store %arg6[%swap3A, %swap3A_34], %swap3A_37 {strides = array<i32>} : memref<125x16xf32, #tpu.memory_space<vmem>>, vector<1x16xf32>,
    }
    %scan3A_13 = arith.constant 125 : i32
    %mul3A_14 = arith.constant 80 : i32
    %mul3A_15 = arith.muli %add3A, %mul3A_14 : i32
    %run_scoped3A = arith.constant 1 : i32
    "tpu.region"() ({
      %run_scoped3A_32 = tpu.sem_alloc : memref<!tpu.dma_semaphore, #tpu.memory_space<semaphore_mem>>
      %dma_start3A = arith.constant 0 : i32
      %dma_start3A_33 = tpu.memref_slice %arg2[%run_scoped3A, %mul3A_15, %dma_start3A] : memref<2x2560x125xi32, #tpu.memory_space<hbm>> -> memref<1x80x125xi32, #tpu.memory_space<hbm>>
      %dma_start3A_34 = tpu.memref_squeeze %dma_start3A_33 : memref<1x80x125xi32, #tpu.memory_space<hbm>> -> memref<80x125xi32, #tpu.memory_space<hbm>>
      %dma_start3A_35 = arith.constant 0 : i32
      %dma_start3A_36 = tpu.memref_slice %arg2[%run_scoped3A, %mul3A_15, %dma_start3A_35] : memref<2x2560x125xi32, #tpu.memory_space<hbm>> -> memref<1x80x125xi32, #tpu.memory_space<hbm>>
      %dma_start3A_37 = tpu.memref_squeeze %dma_start3A_36 : memref<1x80x125xi32, #tpu.memory_space<hbm>> -> memref<80x125xi32, #tpu.memory_space<hbm>>
      tpu.enqueue_dma source(%dma_start3A_37 : memref<80x125xi32, #tpu.memory_space<hbm>>) target(%arg5 : memref<80x125xi32, #tpu.memory_space<vmem>>) target_semaphore(%run_scoped3A_32 : memref<!tpu.dma_semaphore, #tpu.memory_space<semaphore_mem>>)
      %dma_wait3A = arith.constant 0 : i32
      %dma_wait3A_38 = tpu.memref_slice %arg2[%run_scoped3A, %mul3A_15, %dma_wait3A] : memref<2x2560x125xi32, #tpu.memory_space<hbm>> -> memref<1x80x125xi32, #tpu.memory_space<hbm>>
      %dma_wait3A_39 = tpu.memref_squeeze %dma_wait3A_38 : memref<1x80x125xi32, #tpu.memory_space<hbm>> -> memref<80x125xi32, #tpu.memory_space<hbm>>
      %dma_wait3A_40 = arith.constant 0 : i32
      %dma_wait3A_41 = tpu.memref_slice %arg2[%run_scoped3A, %mul3A_15, %dma_wait3A_40] : memref<2x2560x125xi32, #tpu.memory_space<hbm>> -> memref<1x80x125xi32, #tpu.memory_space<hbm>>
      %dma_wait3A_42 = tpu.memref_squeeze %dma_wait3A_41 : memref<1x80x125xi32, #tpu.memory_space<hbm>> -> memref<80x125xi32, #tpu.memory_space<hbm>>
      tpu.wait_dma2 semaphore(%run_scoped3A_32 : memref<!tpu.dma_semaphore, #tpu.memory_space<semaphore_mem>>) src(%dma_wait3A_42 : memref<80x125xi32, #tpu.memory_space<hbm>>) dst(%arg5 : memref<80x125xi32, #tpu.memory_space<vmem>>)
      tpu.yield
    }) : () -> ()
    %barrier3A = arith.constant 0 : index
    tpu.barrier barrier_id(%barrier3A)
    %scan3A_16 = arith.constant 0 : i32
    %scan3A_17 = arith.constant 0 : i32
    %scan3A_18 = arith.constant 80 : i32
    %scan3A_19 = arith.addi %scan3A_17, %scan3A_18 : i32
    %scan3A_20 = arith.constant 1 : i32
    scf.for %scan3A_32 = %scan3A_17 to %scan3A_19 step %scan3A_20  : i32 {
      "tpu.region"() ({
        %run_scoped3A_33 = tpu.sem_alloc : memref<!tpu.dma_semaphore, #tpu.memory_space<semaphore_mem>>
        %dma_start3A = arith.constant 0 : i32
        %dma_start3A_34 = tpu.memref_slice %arg5[%scan3A_32, %dma_start3A] : memref<80x125xi32, #tpu.memory_space<vmem>> -> memref<1x125xi32, #tpu.memory_space<vmem>>
        %dma_start3A_35 = tpu.memref_squeeze %dma_start3A_34 : memref<1x125xi32, #tpu.memory_space<vmem>> -> memref<125xi32, #tpu.memory_space<vmem>>
        %dma_start3A_36 = arith.constant 0 : i32
        %dma_start3A_37 = arith.constant 0 : i32
        %dma_start3A_38 = tpu.memref_slice %arg8[%dma_start3A_36, %dma_start3A_37] : memref<10240x16xf32, #tpu.memory_space<vmem_shared>> -> memref<10240x16xf32, #tpu.memory_space<vmem_shared>>
        tpu.enqueue_indirect_dma source(%arg6 : memref<125x16xf32, #tpu.memory_space<vmem>>) target(%dma_start3A_38 : memref<10240x16xf32, #tpu.memory_space<vmem_shared>>) offsets(%dma_start3A_35 : memref<125xi32, #tpu.memory_space<vmem>>) semaphore(%run_scoped3A_33 : memref<!tpu.dma_semaphore, #tpu.memory_space<semaphore_mem>>) {add = true}
        %dma_wait3A = arith.constant 0 : i32
        %dma_wait3A_39 = tpu.memref_slice %arg5[%scan3A_32, %dma_wait3A] : memref<80x125xi32, #tpu.memory_space<vmem>> -> memref<1x125xi32, #tpu.memory_space<vmem>>
        %dma_wait3A_40 = tpu.memref_squeeze %dma_wait3A_39 : memref<1x125xi32, #tpu.memory_space<vmem>> -> memref<125xi32, #tpu.memory_space<vmem>>
        %dma_wait3A_41 = arith.constant 0 : i32
        %dma_wait3A_42 = arith.constant 0 : i32
        %dma_wait3A_43 = tpu.memref_slice %arg8[%dma_wait3A_41, %dma_wait3A_42] : memref<10240x16xf32, #tpu.memory_space<vmem_shared>> -> memref<10240x16xf32, #tpu.memory_space<vmem_shared>>
        tpu.wait_indirect_dma semaphore(%run_scoped3A_33 : memref<!tpu.dma_semaphore, #tpu.memory_space<semaphore_mem>>) src(%arg6 : memref<125x16xf32, #tpu.memory_space<vmem>>) dst(%dma_wait3A_43 : memref<10240x16xf32, #tpu.memory_space<vmem_shared>>)
        tpu.yield
      }) : () -> ()
    }
    %scan3A_21 = arith.constant 80 : i32
    %barrier3A_22 = arith.constant 0 : index
    tpu.barrier barrier_id(%barrier3A_22)
    %mul3A_23 = arith.constant 640 : i32
    %mul3A_24 = arith.muli %arg1, %mul3A_23 : i32
    %eq3A = arith.constant 0 : i32
    %eq3A_25 = arith.cmpi eq, %arg0, %eq3A : i32
    %convert_element_type3A = arith.extui %eq3A_25 : i1 to i32
    %cond3A = arith.constant 0 : i32
    %cond3A_26 = arith.cmpi ne, %convert_element_type3A, %cond3A : i32
    scf.if %cond3A_26 {
      "tpu.region"() ({
        %run_scoped3A_32 = tpu.sem_alloc : memref<!tpu.dma_semaphore, #tpu.memory_space<semaphore_mem>>
        %dma_start3A = arith.constant 0 : i32
        %dma_start3A_33 = tpu.memref_slice %arg3[%mul3A_24, %dma_start3A] : memref<10240x16xf32, #tpu.memory_space<hbm>> -> memref<640x16xf32, #tpu.memory_space<hbm>>
        %dma_start3A_34 = arith.constant 0 : i32
        %dma_start3A_35 = tpu.memref_slice %arg8[%mul3A_24, %dma_start3A_34] : memref<10240x16xf32, #tpu.memory_space<vmem_shared>> -> memref<640x16xf32, #tpu.memory_space<vmem_shared>>
        tpu.enqueue_dma source(%dma_start3A_35 : memref<640x16xf32, #tpu.memory_space<vmem_shared>>) target(%dma_start3A_33 : memref<640x16xf32, #tpu.memory_space<hbm>>) target_semaphore(%run_scoped3A_32 : memref<!tpu.dma_semaphore, #tpu.memory_space<semaphore_mem>>)
        %dma_wait3A = arith.constant 0 : i32
        %dma_wait3A_36 = tpu.memref_slice %arg3[%mul3A_24, %dma_wait3A] : memref<10240x16xf32, #tpu.memory_space<hbm>> -> memref<640x16xf32, #tpu.memory_space<hbm>>
        %dma_wait3A_37 = arith.constant 0 : i32
        %dma_wait3A_38 = tpu.memref_slice %arg8[%mul3A_24, %dma_wait3A_37] : memref<10240x16xf32, #tpu.memory_space<vmem_shared>> -> memref<640x16xf32, #tpu.memory_space<vmem_shared>>
        tpu.wait_dma2 semaphore(%run_scoped3A_32 : memref<!tpu.dma_semaphore, #tpu.memory_space<semaphore_mem>>) src(%dma_wait3A_38 : memref<640x16xf32, #tpu.memory_space<vmem_shared>>) dst(%dma_wait3A_36 : memref<640x16xf32, #tpu.memory_space<hbm>>)
        tpu.yield
      }) : () -> ()
    } else {
    }
    %eq3A_27 = arith.constant 1 : i32
    %eq3A_28 = arith.cmpi eq, %arg0, %eq3A_27 : i32
    %convert_element_type3A_29 = arith.extui %eq3A_28 : i1 to i32
    %cond3A_30 = arith.constant 0 : i32
    %cond3A_31 = arith.cmpi ne, %convert_element_type3A_29, %cond3A_30 : i32
    scf.if %cond3A_31 {
      "tpu.region"() ({
        %run_scoped3A_32 = tpu.sem_alloc : memref<!tpu.dma_semaphore, #tpu.memory_space<semaphore_mem>>
        %dma_start3A = arith.constant 0 : i32
        %dma_start3A_33 = tpu.memref_slice %arg4[%mul3A_24, %dma_start3A] : memref<10240x16xf32, #tpu.memory_space<hbm>> -> memref<640x16xf32, #tpu.memory_space<hbm>>
        %dma_start3A_34 = arith.constant 0 : i32
        %dma_start3A_35 = tpu.memref_slice %arg8[%mul3A_24, %dma_start3A_34] : memref<10240x16xf32, #tpu.memory_space<vmem_shared>> -> memref<640x16xf32, #tpu.memory_space<vmem_shared>>
        tpu.enqueue_dma source(%dma_start3A_35 : memref<640x16xf32, #tpu.memory_space<vmem_shared>>) target(%dma_start3A_33 : memref<640x16xf32, #tpu.memory_space<hbm>>) target_semaphore(%run_scoped3A_32 : memref<!tpu.dma_semaphore, #tpu.memory_space<semaphore_mem>>)
        %dma_wait3A = arith.constant 0 : i32
        %dma_wait3A_36 = tpu.memref_slice %arg4[%mul3A_24, %dma_wait3A] : memref<10240x16xf32, #tpu.memory_space<hbm>> -> memref<640x16xf32, #tpu.memory_space<hbm>>
        %dma_wait3A_37 = arith.constant 0 : i32
        %dma_wait3A_38 = tpu.memref_slice %arg8[%mul3A_24, %dma_wait3A_37] : memref<10240x16xf32, #tpu.memory_space<vmem_shared>> -> memref<640x16xf32, #tpu.memory_space<vmem_shared>>
        tpu.wait_dma2 semaphore(%run_scoped3A_32 : memref<!tpu.dma_semaphore, #tpu.memory_space<semaphore_mem>>) src(%dma_wait3A_38 : memref<640x16xf32, #tpu.memory_space<vmem_shared>>) dst(%dma_wait3A_36 : memref<640x16xf32, #tpu.memory_space<hbm>>)
        tpu.yield
      }) : () -> ()
    } else {
    }
    return
  }
}

#map = affine_map<(d0, d1) -> (0, 0)>
#map1 = affine_map<(d0, d1) -> (0, 0, 0)>
module attributes {stable_mosaic.version = 14 : i64} {
  func.func @_agg(%arg0: i32, %arg1: i32, %arg2: memref<10240x16xf32, #tpu.memory_space<hbm>>, %arg3: memref<2x2560x125xi32, #tpu.memory_space<hbm>>, %arg4: memref<10240x16xf32, #tpu.memory_space<hbm>>, %arg5: memref<10240x16xf32, #tpu.memory_space<hbm>>, %arg6: memref<80x125xi32, #tpu.memory_space<vmem>>, %arg7: memref<80x125xi32, #tpu.memory_space<vmem>>, %arg8: memref<4x125x16xf32, #tpu.memory_space<vmem>>, %arg9: memref<640x16xf32, #tpu.memory_space<vmem>>, %arg10: memref<10240x16xf32, #tpu.memory_space<vmem_shared>>, %arg11: memref<10240x16xf32, #tpu.memory_space<vmem_shared>>, %arg12: memref<!tpu.dma_semaphore, #tpu.memory_space<semaphore_mem>>, %arg13: memref<!tpu.dma_semaphore, #tpu.memory_space<semaphore_mem>>) attributes {dimension_semantics = [#tpu.dimension_semantics<core_parallel>, #tpu.dimension_semantics<subcore_parallel>], iteration_bounds = array<i64: 2, 16>, scalar_prefetch = 0 : i64, scratch_operands = 8 : i64, tpu.core_type = #tpu.core_type<sc_vector_subcore>, window_params = [{transform_indices = #map}, {transform_indices = #map1}, {transform_indices = #map}, {transform_indices = #map}]} {
    %mul3A = arith.constant 16 : i32
    %mul3A_0 = arith.muli %arg0, %mul3A : i32
    %add3A = arith.addi %mul3A_0, %arg1 : i32
    %mul3A_1 = arith.constant 640 : i32
    %mul3A_2 = arith.muli %arg1, %mul3A_1 : i32
    %scan3A = arith.constant 0 : i32
    %scan3A_3 = arith.constant 0 : i32
    %scan3A_4 = arith.constant 640 : i32
    %scan3A_5 = arith.addi %scan3A_3, %scan3A_4 : i32
    %scan3A_6 = arith.constant 1 : i32
    scf.for %scan3A_80 = %scan3A_3 to %scan3A_5 step %scan3A_6  : i32 {
      %broadcast_in_dim3A = arith.constant 0.000000e+00 : f32
      %broadcast_in_dim3A_81 = vector.broadcast %broadcast_in_dim3A : f32 to vector<16xf32>
      %swap3A = arith.index_cast %scan3A_80 : i32 to index
      %swap3A_82 = arith.constant 0 : index
      %swap3A_83 = tpu.vector_load %arg9[%swap3A, %swap3A_82] {strides = array<i32>} : memref<640x16xf32, #tpu.memory_space<vmem>>, vector<1x16xf32>,
      %swap3A_84 = vector.shape_cast %swap3A_83 : vector<1x16xf32> to vector<16xf32>
      %swap3A_85 = vector.shape_cast %broadcast_in_dim3A_81 : vector<16xf32> to vector<1x16xf32>
      tpu.vector_store %arg9[%swap3A, %swap3A_82], %swap3A_85 {strides = array<i32>} : memref<640x16xf32, #tpu.memory_space<vmem>>, vector<1x16xf32>,
    }
    %scan3A_7 = arith.constant 640 : i32
    %mul3A_8 = arith.constant 640 : i32
    %mul3A_9 = arith.muli %arg1, %mul3A_8 : i32
    "tpu.region"() ({
      %run_scoped3A_80 = tpu.sem_alloc : memref<!tpu.dma_semaphore, #tpu.memory_space<semaphore_mem>>
      %dma_start3A_81 = arith.constant 0 : i32
      %dma_start3A_82 = tpu.memref_slice %arg10[%mul3A_9, %dma_start3A_81] : memref<10240x16xf32, #tpu.memory_space<vmem_shared>> -> memref<640x16xf32, #tpu.memory_space<vmem_shared>>
      %dma_start3A_83 = arith.constant 0 : i32
      %dma_start3A_84 = tpu.memref_slice %arg10[%mul3A_9, %dma_start3A_83] : memref<10240x16xf32, #tpu.memory_space<vmem_shared>> -> memref<640x16xf32, #tpu.memory_space<vmem_shared>>
      tpu.enqueue_dma source(%arg9 : memref<640x16xf32, #tpu.memory_space<vmem>>) target(%dma_start3A_84 : memref<640x16xf32, #tpu.memory_space<vmem_shared>>) target_semaphore(%run_scoped3A_80 : memref<!tpu.dma_semaphore, #tpu.memory_space<semaphore_mem>>)
      %dma_wait3A_85 = arith.constant 0 : i32
      %dma_wait3A_86 = tpu.memref_slice %arg10[%mul3A_9, %dma_wait3A_85] : memref<10240x16xf32, #tpu.memory_space<vmem_shared>> -> memref<640x16xf32, #tpu.memory_space<vmem_shared>>
      %dma_wait3A_87 = arith.constant 0 : i32
      %dma_wait3A_88 = tpu.memref_slice %arg10[%mul3A_9, %dma_wait3A_87] : memref<10240x16xf32, #tpu.memory_space<vmem_shared>> -> memref<640x16xf32, #tpu.memory_space<vmem_shared>>
      tpu.wait_dma2 semaphore(%run_scoped3A_80 : memref<!tpu.dma_semaphore, #tpu.memory_space<semaphore_mem>>) src(%arg9 : memref<640x16xf32, #tpu.memory_space<vmem>>) dst(%dma_wait3A_88 : memref<640x16xf32, #tpu.memory_space<vmem_shared>>)
      tpu.yield
    }) : () -> ()
    "tpu.region"() ({
      %run_scoped3A_80 = tpu.sem_alloc : memref<!tpu.dma_semaphore, #tpu.memory_space<semaphore_mem>>
      %dma_start3A_81 = arith.constant 0 : i32
      %dma_start3A_82 = tpu.memref_slice %arg11[%mul3A_2, %dma_start3A_81] : memref<10240x16xf32, #tpu.memory_space<vmem_shared>> -> memref<640x16xf32, #tpu.memory_space<vmem_shared>>
      %dma_start3A_83 = arith.constant 0 : i32
      %dma_start3A_84 = tpu.memref_slice %arg2[%mul3A_2, %dma_start3A_83] : memref<10240x16xf32, #tpu.memory_space<hbm>> -> memref<640x16xf32, #tpu.memory_space<hbm>>
      tpu.enqueue_dma source(%dma_start3A_84 : memref<640x16xf32, #tpu.memory_space<hbm>>) target(%dma_start3A_82 : memref<640x16xf32, #tpu.memory_space<vmem_shared>>) target_semaphore(%run_scoped3A_80 : memref<!tpu.dma_semaphore, #tpu.memory_space<semaphore_mem>>)
      %dma_wait3A_85 = arith.constant 0 : i32
      %dma_wait3A_86 = tpu.memref_slice %arg11[%mul3A_2, %dma_wait3A_85] : memref<10240x16xf32, #tpu.memory_space<vmem_shared>> -> memref<640x16xf32, #tpu.memory_space<vmem_shared>>
      %dma_wait3A_87 = arith.constant 0 : i32
      %dma_wait3A_88 = tpu.memref_slice %arg2[%mul3A_2, %dma_wait3A_87] : memref<10240x16xf32, #tpu.memory_space<hbm>> -> memref<640x16xf32, #tpu.memory_space<hbm>>
      tpu.wait_dma2 semaphore(%run_scoped3A_80 : memref<!tpu.dma_semaphore, #tpu.memory_space<semaphore_mem>>) src(%dma_wait3A_88 : memref<640x16xf32, #tpu.memory_space<hbm>>) dst(%dma_wait3A_86 : memref<640x16xf32, #tpu.memory_space<vmem_shared>>)
      tpu.yield
    }) : () -> ()
    %mul3A_10 = arith.constant 80 : i32
    %mul3A_11 = arith.muli %add3A, %mul3A_10 : i32
    %run_scoped3A = arith.constant 0 : i32
    "tpu.region"() ({
      %run_scoped3A_80 = tpu.sem_alloc : memref<!tpu.dma_semaphore, #tpu.memory_space<semaphore_mem>>
      %dma_start3A_81 = arith.constant 0 : i32
      %dma_start3A_82 = tpu.memref_slice %arg3[%run_scoped3A, %mul3A_11, %dma_start3A_81] : memref<2x2560x125xi32, #tpu.memory_space<hbm>> -> memref<1x80x125xi32, #tpu.memory_space<hbm>>
      %dma_start3A_83 = tpu.memref_squeeze %dma_start3A_82 : memref<1x80x125xi32, #tpu.memory_space<hbm>> -> memref<80x125xi32, #tpu.memory_space<hbm>>
      %dma_start3A_84 = arith.constant 0 : i32
      %dma_start3A_85 = tpu.memref_slice %arg3[%run_scoped3A, %mul3A_11, %dma_start3A_84] : memref<2x2560x125xi32, #tpu.memory_space<hbm>> -> memref<1x80x125xi32, #tpu.memory_space<hbm>>
      %dma_start3A_86 = tpu.memref_squeeze %dma_start3A_85 : memref<1x80x125xi32, #tpu.memory_space<hbm>> -> memref<80x125xi32, #tpu.memory_space<hbm>>
      tpu.enqueue_dma source(%dma_start3A_86 : memref<80x125xi32, #tpu.memory_space<hbm>>) target(%arg6 : memref<80x125xi32, #tpu.memory_space<vmem>>) target_semaphore(%run_scoped3A_80 : memref<!tpu.dma_semaphore, #tpu.memory_space<semaphore_mem>>)
      %dma_wait3A_87 = arith.constant 0 : i32
      %dma_wait3A_88 = tpu.memref_slice %arg3[%run_scoped3A, %mul3A_11, %dma_wait3A_87] : memref<2x2560x125xi32, #tpu.memory_space<hbm>> -> memref<1x80x125xi32, #tpu.memory_space<hbm>>
      %dma_wait3A_89 = tpu.memref_squeeze %dma_wait3A_88 : memref<1x80x125xi32, #tpu.memory_space<hbm>> -> memref<80x125xi32, #tpu.memory_space<hbm>>
      %dma_wait3A_90 = arith.constant 0 : i32
      %dma_wait3A_91 = tpu.memref_slice %arg3[%run_scoped3A, %mul3A_11, %dma_wait3A_90] : memref<2x2560x125xi32, #tpu.memory_space<hbm>> -> memref<1x80x125xi32, #tpu.memory_space<hbm>>
      %dma_wait3A_92 = tpu.memref_squeeze %dma_wait3A_91 : memref<1x80x125xi32, #tpu.memory_space<hbm>> -> memref<80x125xi32, #tpu.memory_space<hbm>>
      tpu.wait_dma2 semaphore(%run_scoped3A_80 : memref<!tpu.dma_semaphore, #tpu.memory_space<semaphore_mem>>) src(%dma_wait3A_92 : memref<80x125xi32, #tpu.memory_space<hbm>>) dst(%arg6 : memref<80x125xi32, #tpu.memory_space<vmem>>)
      tpu.yield
    }) : () -> ()
    %mul3A_12 = arith.constant 80 : i32
    %mul3A_13 = arith.muli %add3A, %mul3A_12 : i32
    %run_scoped3A_14 = arith.constant 1 : i32
    "tpu.region"() ({
      %run_scoped3A_80 = tpu.sem_alloc : memref<!tpu.dma_semaphore, #tpu.memory_space<semaphore_mem>>
      %dma_start3A_81 = arith.constant 0 : i32
      %dma_start3A_82 = tpu.memref_slice %arg3[%run_scoped3A_14, %mul3A_13, %dma_start3A_81] : memref<2x2560x125xi32, #tpu.memory_space<hbm>> -> memref<1x80x125xi32, #tpu.memory_space<hbm>>
      %dma_start3A_83 = tpu.memref_squeeze %dma_start3A_82 : memref<1x80x125xi32, #tpu.memory_space<hbm>> -> memref<80x125xi32, #tpu.memory_space<hbm>>
      %dma_start3A_84 = arith.constant 0 : i32
      %dma_start3A_85 = tpu.memref_slice %arg3[%run_scoped3A_14, %mul3A_13, %dma_start3A_84] : memref<2x2560x125xi32, #tpu.memory_space<hbm>> -> memref<1x80x125xi32, #tpu.memory_space<hbm>>
      %dma_start3A_86 = tpu.memref_squeeze %dma_start3A_85 : memref<1x80x125xi32, #tpu.memory_space<hbm>> -> memref<80x125xi32, #tpu.memory_space<hbm>>
      tpu.enqueue_dma source(%dma_start3A_86 : memref<80x125xi32, #tpu.memory_space<hbm>>) target(%arg7 : memref<80x125xi32, #tpu.memory_space<vmem>>) target_semaphore(%run_scoped3A_80 : memref<!tpu.dma_semaphore, #tpu.memory_space<semaphore_mem>>)
      %dma_wait3A_87 = arith.constant 0 : i32
      %dma_wait3A_88 = tpu.memref_slice %arg3[%run_scoped3A_14, %mul3A_13, %dma_wait3A_87] : memref<2x2560x125xi32, #tpu.memory_space<hbm>> -> memref<1x80x125xi32, #tpu.memory_space<hbm>>
      %dma_wait3A_89 = tpu.memref_squeeze %dma_wait3A_88 : memref<1x80x125xi32, #tpu.memory_space<hbm>> -> memref<80x125xi32, #tpu.memory_space<hbm>>
      %dma_wait3A_90 = arith.constant 0 : i32
      %dma_wait3A_91 = tpu.memref_slice %arg3[%run_scoped3A_14, %mul3A_13, %dma_wait3A_90] : memref<2x2560x125xi32, #tpu.memory_space<hbm>> -> memref<1x80x125xi32, #tpu.memory_space<hbm>>
      %dma_wait3A_92 = tpu.memref_squeeze %dma_wait3A_91 : memref<1x80x125xi32, #tpu.memory_space<hbm>> -> memref<80x125xi32, #tpu.memory_space<hbm>>
      tpu.wait_dma2 semaphore(%run_scoped3A_80 : memref<!tpu.dma_semaphore, #tpu.memory_space<semaphore_mem>>) src(%dma_wait3A_92 : memref<80x125xi32, #tpu.memory_space<hbm>>) dst(%arg7 : memref<80x125xi32, #tpu.memory_space<vmem>>)
      tpu.yield
    }) : () -> ()
    %barrier3A = arith.constant 0 : index
    tpu.barrier barrier_id(%barrier3A)
    %dma_start3A = arith.constant 0 : i32
    %dma_start3A_15 = arith.constant 0 : i32
    %dma_start3A_16 = arith.constant 0 : i32
    %dma_start3A_17 = arith.constant 0 : i32
    %dma_start3A_18 = tpu.memref_slice %arg8[%dma_start3A_15, %dma_start3A_16, %dma_start3A_17] : memref<4x125x16xf32, #tpu.memory_space<vmem>> -> memref<1x125x16xf32, #tpu.memory_space<vmem>>
    %dma_start3A_19 = tpu.memref_squeeze %dma_start3A_18 : memref<1x125x16xf32, #tpu.memory_space<vmem>> -> memref<125x16xf32, #tpu.memory_space<vmem>>
    %dma_start3A_20 = arith.constant 0 : i32
    %dma_start3A_21 = tpu.memref_slice %arg6[%dma_start3A, %dma_start3A_20] : memref<80x125xi32, #tpu.memory_space<vmem>> -> memref<1x125xi32, #tpu.memory_space<vmem>>
    %dma_start3A_22 = tpu.memref_squeeze %dma_start3A_21 : memref<1x125xi32, #tpu.memory_space<vmem>> -> memref<125xi32, #tpu.memory_space<vmem>>
    %dma_start3A_23 = arith.constant 0 : i32
    %dma_start3A_24 = arith.constant 0 : i32
    %dma_start3A_25 = tpu.memref_slice %arg11[%dma_start3A_23, %dma_start3A_24] : memref<10240x16xf32, #tpu.memory_space<vmem_shared>> -> memref<10240x16xf32, #tpu.memory_space<vmem_shared>>
    tpu.enqueue_indirect_dma source(%dma_start3A_25 : memref<10240x16xf32, #tpu.memory_space<vmem_shared>>) target(%dma_start3A_19 : memref<125x16xf32, #tpu.memory_space<vmem>>) offsets(%dma_start3A_22 : memref<125xi32, #tpu.memory_space<vmem>>) semaphore(%arg12 : memref<!tpu.dma_semaphore, #tpu.memory_space<semaphore_mem>>)
    %dma_start3A_26 = arith.constant 1 : i32
    %dma_start3A_27 = arith.constant 1 : i32
    %dma_start3A_28 = arith.constant 0 : i32
    %dma_start3A_29 = arith.constant 0 : i32
    %dma_start3A_30 = tpu.memref_slice %arg8[%dma_start3A_27, %dma_start3A_28, %dma_start3A_29] : memref<4x125x16xf32, #tpu.memory_space<vmem>> -> memref<1x125x16xf32, #tpu.memory_space<vmem>>
    %dma_start3A_31 = tpu.memref_squeeze %dma_start3A_30 : memref<1x125x16xf32, #tpu.memory_space<vmem>> -> memref<125x16xf32, #tpu.memory_space<vmem>>
    %dma_start3A_32 = arith.constant 0 : i32
    %dma_start3A_33 = tpu.memref_slice %arg6[%dma_start3A_26, %dma_start3A_32] : memref<80x125xi32, #tpu.memory_space<vmem>> -> memref<1x125xi32, #tpu.memory_space<vmem>>
    %dma_start3A_34 = tpu.memref_squeeze %dma_start3A_33 : memref<1x125xi32, #tpu.memory_space<vmem>> -> memref<125xi32, #tpu.memory_space<vmem>>
    %dma_start3A_35 = arith.constant 0 : i32
    %dma_start3A_36 = arith.constant 0 : i32
    %dma_start3A_37 = tpu.memref_slice %arg11[%dma_start3A_35, %dma_start3A_36] : memref<10240x16xf32, #tpu.memory_space<vmem_shared>> -> memref<10240x16xf32, #tpu.memory_space<vmem_shared>>
    tpu.enqueue_indirect_dma source(%dma_start3A_37 : memref<10240x16xf32, #tpu.memory_space<vmem_shared>>) target(%dma_start3A_31 : memref<125x16xf32, #tpu.memory_space<vmem>>) offsets(%dma_start3A_34 : memref<125xi32, #tpu.memory_space<vmem>>) semaphore(%arg12 : memref<!tpu.dma_semaphore, #tpu.memory_space<semaphore_mem>>)
    %scan3A_38 = arith.constant 0 : i32
    %scan3A_39 = arith.constant 0 : i32
    %scan3A_40 = arith.constant 80 : i32
    %scan3A_41 = arith.addi %scan3A_39, %scan3A_40 : i32
    %scan3A_42 = arith.constant 1 : i32
    scf.for %scan3A_80 = %scan3A_39 to %scan3A_41 step %scan3A_42  : i32 {
      %rem3A_81 = arith.constant 4 : i32
      %rem3A_82 = arith.remsi %scan3A_80, %rem3A_81 : i32
      %dma_wait3A_83 = arith.constant 0 : i32
      %dma_wait3A_84 = arith.constant 0 : i32
      %dma_wait3A_85 = tpu.memref_slice %arg8[%rem3A_82, %dma_wait3A_83, %dma_wait3A_84] : memref<4x125x16xf32, #tpu.memory_space<vmem>> -> memref<1x125x16xf32, #tpu.memory_space<vmem>>
      %dma_wait3A_86 = tpu.memref_squeeze %dma_wait3A_85 : memref<1x125x16xf32, #tpu.memory_space<vmem>> -> memref<125x16xf32, #tpu.memory_space<vmem>>
      %dma_wait3A_87 = arith.constant 0 : i32
      %dma_wait3A_88 = tpu.memref_slice %arg6[%scan3A_80, %dma_wait3A_87] : memref<80x125xi32, #tpu.memory_space<vmem>> -> memref<1x125xi32, #tpu.memory_space<vmem>>
      %dma_wait3A_89 = tpu.memref_squeeze %dma_wait3A_88 : memref<1x125xi32, #tpu.memory_space<vmem>> -> memref<125xi32, #tpu.memory_space<vmem>>
      %dma_wait3A_90 = arith.constant 0 : i32
      %dma_wait3A_91 = arith.constant 0 : i32
      %dma_wait3A_92 = tpu.memref_slice %arg11[%dma_wait3A_90, %dma_wait3A_91] : memref<10240x16xf32, #tpu.memory_space<vmem_shared>> -> memref<10240x16xf32, #tpu.memory_space<vmem_shared>>
      tpu.wait_indirect_dma semaphore(%arg12 : memref<!tpu.dma_semaphore, #tpu.memory_space<semaphore_mem>>) src(%dma_wait3A_92 : memref<10240x16xf32, #tpu.memory_space<vmem_shared>>) dst(%dma_wait3A_86 : memref<125x16xf32, #tpu.memory_space<vmem>>)
      %dma_start3A_93 = arith.constant 0 : i32
      %dma_start3A_94 = arith.constant 0 : i32
      %dma_start3A_95 = tpu.memref_slice %arg8[%rem3A_82, %dma_start3A_93, %dma_start3A_94] : memref<4x125x16xf32, #tpu.memory_space<vmem>> -> memref<1x125x16xf32, #tpu.memory_space<vmem>>
      %dma_start3A_96 = tpu.memref_squeeze %dma_start3A_95 : memref<1x125x16xf32, #tpu.memory_space<vmem>> -> memref<125x16xf32, #tpu.memory_space<vmem>>
      %dma_start3A_97 = arith.constant 0 : i32
      %dma_start3A_98 = tpu.memref_slice %arg7[%scan3A_80, %dma_start3A_97] : memref<80x125xi32, #tpu.memory_space<vmem>> -> memref<1x125xi32, #tpu.memory_space<vmem>>
      %dma_start3A_99 = tpu.memref_squeeze %dma_start3A_98 : memref<1x125xi32, #tpu.memory_space<vmem>> -> memref<125xi32, #tpu.memory_space<vmem>>
      %dma_start3A_100 = arith.constant 0 : i32
      %dma_start3A_101 = arith.constant 0 : i32
      %dma_start3A_102 = tpu.memref_slice %arg10[%dma_start3A_100, %dma_start3A_101] : memref<10240x16xf32, #tpu.memory_space<vmem_shared>> -> memref<10240x16xf32, #tpu.memory_space<vmem_shared>>
      tpu.enqueue_indirect_dma source(%dma_start3A_96 : memref<125x16xf32, #tpu.memory_space<vmem>>) target(%dma_start3A_102 : memref<10240x16xf32, #tpu.memory_space<vmem_shared>>) offsets(%dma_start3A_99 : memref<125xi32, #tpu.memory_space<vmem>>) semaphore(%arg13 : memref<!tpu.dma_semaphore, #tpu.memory_space<semaphore_mem>>) {add = true}
      %ge3A = arith.constant 2 : i32
      %ge3A_103 = arith.cmpi sge, %scan3A_80, %ge3A : i32
      %convert_element_type3A_104 = arith.extui %ge3A_103 : i1 to i32
      %cond3A_105 = arith.constant 0 : i32
      %cond3A_106 = arith.cmpi ne, %convert_element_type3A_104, %cond3A_105 : i32
      scf.if %cond3A_106 {
        %add3A_113 = arith.constant 2 : i32
        %add3A_114 = arith.addi %scan3A_80, %add3A_113 : i32
        %rem3A_115 = arith.constant 4 : i32
        %rem3A_116 = arith.remsi %add3A_114, %rem3A_115 : i32
        %sub3A = arith.constant 2 : i32
        %sub3A_117 = arith.subi %scan3A_80, %sub3A : i32
        %dma_wait3A_118 = arith.constant 0 : i32
        %dma_wait3A_119 = arith.constant 0 : i32
        %dma_wait3A_120 = tpu.memref_slice %arg8[%rem3A_116, %dma_wait3A_118, %dma_wait3A_119] : memref<4x125x16xf32, #tpu.memory_space<vmem>> -> memref<1x125x16xf32, #tpu.memory_space<vmem>>
        %dma_wait3A_121 = tpu.memref_squeeze %dma_wait3A_120 : memref<1x125x16xf32, #tpu.memory_space<vmem>> -> memref<125x16xf32, #tpu.memory_space<vmem>>
        %dma_wait3A_122 = arith.constant 0 : i32
        %dma_wait3A_123 = tpu.memref_slice %arg7[%sub3A_117, %dma_wait3A_122] : memref<80x125xi32, #tpu.memory_space<vmem>> -> memref<1x125xi32, #tpu.memory_space<vmem>>
        %dma_wait3A_124 = tpu.memref_squeeze %dma_wait3A_123 : memref<1x125xi32, #tpu.memory_space<vmem>> -> memref<125xi32, #tpu.memory_space<vmem>>
        %dma_wait3A_125 = arith.constant 0 : i32
        %dma_wait3A_126 = arith.constant 0 : i32
        %dma_wait3A_127 = tpu.memref_slice %arg10[%dma_wait3A_125, %dma_wait3A_126] : memref<10240x16xf32, #tpu.memory_space<vmem_shared>> -> memref<10240x16xf32, #tpu.memory_space<vmem_shared>>
        tpu.wait_indirect_dma semaphore(%arg13 : memref<!tpu.dma_semaphore, #tpu.memory_space<semaphore_mem>>) src(%dma_wait3A_121 : memref<125x16xf32, #tpu.memory_space<vmem>>) dst(%dma_wait3A_127 : memref<10240x16xf32, #tpu.memory_space<vmem_shared>>)
      } else {
      }
      %add3A_107 = arith.constant 2 : i32
      %add3A_108 = arith.addi %scan3A_80, %add3A_107 : i32
      %lt3A = arith.constant 80 : i32
      %lt3A_109 = arith.cmpi slt, %add3A_108, %lt3A : i32
      %convert_element_type3A_110 = arith.extui %lt3A_109 : i1 to i32
      %cond3A_111 = arith.constant 0 : i32
      %cond3A_112 = arith.cmpi ne, %convert_element_type3A_110, %cond3A_111 : i32
      scf.if %cond3A_112 {
        %add3A_113 = arith.constant 2 : i32
        %add3A_114 = arith.addi %scan3A_80, %add3A_113 : i32
        %add3A_115 = arith.constant 2 : i32
        %add3A_116 = arith.addi %scan3A_80, %add3A_115 : i32
        %rem3A_117 = arith.constant 4 : i32
        %rem3A_118 = arith.remsi %add3A_116, %rem3A_117 : i32
        %dma_start3A_119 = arith.constant 0 : i32
        %dma_start3A_120 = arith.constant 0 : i32
        %dma_start3A_121 = tpu.memref_slice %arg8[%rem3A_118, %dma_start3A_119, %dma_start3A_120] : memref<4x125x16xf32, #tpu.memory_space<vmem>> -> memref<1x125x16xf32, #tpu.memory_space<vmem>>
        %dma_start3A_122 = tpu.memref_squeeze %dma_start3A_121 : memref<1x125x16xf32, #tpu.memory_space<vmem>> -> memref<125x16xf32, #tpu.memory_space<vmem>>
        %dma_start3A_123 = arith.constant 0 : i32
        %dma_start3A_124 = tpu.memref_slice %arg6[%add3A_114, %dma_start3A_123] : memref<80x125xi32, #tpu.memory_space<vmem>> -> memref<1x125xi32, #tpu.memory_space<vmem>>
        %dma_start3A_125 = tpu.memref_squeeze %dma_start3A_124 : memref<1x125xi32, #tpu.memory_space<vmem>> -> memref<125xi32, #tpu.memory_space<vmem>>
        %dma_start3A_126 = arith.constant 0 : i32
        %dma_start3A_127 = arith.constant 0 : i32
        %dma_start3A_128 = tpu.memref_slice %arg11[%dma_start3A_126, %dma_start3A_127] : memref<10240x16xf32, #tpu.memory_space<vmem_shared>> -> memref<10240x16xf32, #tpu.memory_space<vmem_shared>>
        tpu.enqueue_indirect_dma source(%dma_start3A_128 : memref<10240x16xf32, #tpu.memory_space<vmem_shared>>) target(%dma_start3A_122 : memref<125x16xf32, #tpu.memory_space<vmem>>) offsets(%dma_start3A_125 : memref<125xi32, #tpu.memory_space<vmem>>) semaphore(%arg12 : memref<!tpu.dma_semaphore, #tpu.memory_space<semaphore_mem>>)
      } else {
      }
    }
    %scan3A_43 = arith.constant 80 : i32
    %rem3A = arith.constant 78 : i32
    %rem3A_44 = arith.constant 4 : i32
    %rem3A_45 = arith.remsi %rem3A, %rem3A_44 : i32
    %dma_wait3A = arith.constant 78 : i32
    %dma_wait3A_46 = arith.constant 0 : i32
    %dma_wait3A_47 = arith.constant 0 : i32
    %dma_wait3A_48 = tpu.memref_slice %arg8[%rem3A_45, %dma_wait3A_46, %dma_wait3A_47] : memref<4x125x16xf32, #tpu.memory_space<vmem>> -> memref<1x125x16xf32, #tpu.memory_space<vmem>>
    %dma_wait3A_49 = tpu.memref_squeeze %dma_wait3A_48 : memref<1x125x16xf32, #tpu.memory_space<vmem>> -> memref<125x16xf32, #tpu.memory_space<vmem>>
    %dma_wait3A_50 = arith.constant 0 : i32
    %dma_wait3A_51 = tpu.memref_slice %arg7[%dma_wait3A, %dma_wait3A_50] : memref<80x125xi32, #tpu.memory_space<vmem>> -> memref<1x125xi32, #tpu.memory_space<vmem>>
    %dma_wait3A_52 = tpu.memref_squeeze %dma_wait3A_51 : memref<1x125xi32, #tpu.memory_space<vmem>> -> memref<125xi32, #tpu.memory_space<vmem>>
    %dma_wait3A_53 = arith.constant 0 : i32
    %dma_wait3A_54 = arith.constant 0 : i32
    %dma_wait3A_55 = tpu.memref_slice %arg10[%dma_wait3A_53, %dma_wait3A_54] : memref<10240x16xf32, #tpu.memory_space<vmem_shared>> -> memref<10240x16xf32, #tpu.memory_space<vmem_shared>>
    tpu.wait_indirect_dma semaphore(%arg13 : memref<!tpu.dma_semaphore, #tpu.memory_space<semaphore_mem>>) src(%dma_wait3A_49 : memref<125x16xf32, #tpu.memory_space<vmem>>) dst(%dma_wait3A_55 : memref<10240x16xf32, #tpu.memory_space<vmem_shared>>)
    %rem3A_56 = arith.constant 79 : i32
    %rem3A_57 = arith.constant 4 : i32
    %rem3A_58 = arith.remsi %rem3A_56, %rem3A_57 : i32
    %dma_wait3A_59 = arith.constant 79 : i32
    %dma_wait3A_60 = arith.constant 0 : i32
    %dma_wait3A_61 = arith.constant 0 : i32
    %dma_wait3A_62 = tpu.memref_slice %arg8[%rem3A_58, %dma_wait3A_60, %dma_wait3A_61] : memref<4x125x16xf32, #tpu.memory_space<vmem>> -> memref<1x125x16xf32, #tpu.memory_space<vmem>>
    %dma_wait3A_63 = tpu.memref_squeeze %dma_wait3A_62 : memref<1x125x16xf32, #tpu.memory_space<vmem>> -> memref<125x16xf32, #tpu.memory_space<vmem>>
    %dma_wait3A_64 = arith.constant 0 : i32
    %dma_wait3A_65 = tpu.memref_slice %arg7[%dma_wait3A_59, %dma_wait3A_64] : memref<80x125xi32, #tpu.memory_space<vmem>> -> memref<1x125xi32, #tpu.memory_space<vmem>>
    %dma_wait3A_66 = tpu.memref_squeeze %dma_wait3A_65 : memref<1x125xi32, #tpu.memory_space<vmem>> -> memref<125xi32, #tpu.memory_space<vmem>>
    %dma_wait3A_67 = arith.constant 0 : i32
    %dma_wait3A_68 = arith.constant 0 : i32
    %dma_wait3A_69 = tpu.memref_slice %arg10[%dma_wait3A_67, %dma_wait3A_68] : memref<10240x16xf32, #tpu.memory_space<vmem_shared>> -> memref<10240x16xf32, #tpu.memory_space<vmem_shared>>
    tpu.wait_indirect_dma semaphore(%arg13 : memref<!tpu.dma_semaphore, #tpu.memory_space<semaphore_mem>>) src(%dma_wait3A_63 : memref<125x16xf32, #tpu.memory_space<vmem>>) dst(%dma_wait3A_69 : memref<10240x16xf32, #tpu.memory_space<vmem_shared>>)
    %barrier3A_70 = arith.constant 0 : index
    tpu.barrier barrier_id(%barrier3A_70)
    %mul3A_71 = arith.constant 640 : i32
    %mul3A_72 = arith.muli %arg1, %mul3A_71 : i32
    %eq3A = arith.constant 0 : i32
    %eq3A_73 = arith.cmpi eq, %arg0, %eq3A : i32
    %convert_element_type3A = arith.extui %eq3A_73 : i1 to i32
    %cond3A = arith.constant 0 : i32
    %cond3A_74 = arith.cmpi ne, %convert_element_type3A, %cond3A : i32
    scf.if %cond3A_74 {
      "tpu.region"() ({
        %run_scoped3A_80 = tpu.sem_alloc : memref<!tpu.dma_semaphore, #tpu.memory_space<semaphore_mem>>
        %dma_start3A_81 = arith.constant 0 : i32
        %dma_start3A_82 = tpu.memref_slice %arg4[%mul3A_72, %dma_start3A_81] : memref<10240x16xf32, #tpu.memory_space<hbm>> -> memref<640x16xf32, #tpu.memory_space<hbm>>
        %dma_start3A_83 = arith.constant 0 : i32
        %dma_start3A_84 = tpu.memref_slice %arg10[%mul3A_72, %dma_start3A_83] : memref<10240x16xf32, #tpu.memory_space<vmem_shared>> -> memref<640x16xf32, #tpu.memory_space<vmem_shared>>
        tpu.enqueue_dma source(%dma_start3A_84 : memref<640x16xf32, #tpu.memory_space<vmem_shared>>) target(%dma_start3A_82 : memref<640x16xf32, #tpu.memory_space<hbm>>) target_semaphore(%run_scoped3A_80 : memref<!tpu.dma_semaphore, #tpu.memory_space<semaphore_mem>>)
        %dma_wait3A_85 = arith.constant 0 : i32
        %dma_wait3A_86 = tpu.memref_slice %arg4[%mul3A_72, %dma_wait3A_85] : memref<10240x16xf32, #tpu.memory_space<hbm>> -> memref<640x16xf32, #tpu.memory_space<hbm>>
        %dma_wait3A_87 = arith.constant 0 : i32
        %dma_wait3A_88 = tpu.memref_slice %arg10[%mul3A_72, %dma_wait3A_87] : memref<10240x16xf32, #tpu.memory_space<vmem_shared>> -> memref<640x16xf32, #tpu.memory_space<vmem_shared>>
        tpu.wait_dma2 semaphore(%run_scoped3A_80 : memref<!tpu.dma_semaphore, #tpu.memory_space<semaphore_mem>>) src(%dma_wait3A_88 : memref<640x16xf32, #tpu.memory_space<vmem_shared>>) dst(%dma_wait3A_86 : memref<640x16xf32, #tpu.memory_space<hbm>>)
        tpu.yield
      }) : () -> ()
    } else {
    }
    %eq3A_75 = arith.constant 1 : i32
    %eq3A_76 = arith.cmpi eq, %arg0, %eq3A_75 : i32
    %convert_element_type3A_77 = arith.extui %eq3A_76 : i1 to i32
    %cond3A_78 = arith.constant 0 : i32
    %cond3A_79 = arith.cmpi ne, %convert_element_type3A_77, %cond3A_78 : i32
    scf.if %cond3A_79 {
      "tpu.region"() ({
        %run_scoped3A_80 = tpu.sem_alloc : memref<!tpu.dma_semaphore, #tpu.memory_space<semaphore_mem>>
        %dma_start3A_81 = arith.constant 0 : i32
        %dma_start3A_82 = tpu.memref_slice %arg5[%mul3A_72, %dma_start3A_81] : memref<10240x16xf32, #tpu.memory_space<hbm>> -> memref<640x16xf32, #tpu.memory_space<hbm>>
        %dma_start3A_83 = arith.constant 0 : i32
        %dma_start3A_84 = tpu.memref_slice %arg10[%mul3A_72, %dma_start3A_83] : memref<10240x16xf32, #tpu.memory_space<vmem_shared>> -> memref<640x16xf32, #tpu.memory_space<vmem_shared>>
        tpu.enqueue_dma source(%dma_start3A_84 : memref<640x16xf32, #tpu.memory_space<vmem_shared>>) target(%dma_start3A_82 : memref<640x16xf32, #tpu.memory_space<hbm>>) target_semaphore(%run_scoped3A_80 : memref<!tpu.dma_semaphore, #tpu.memory_space<semaphore_mem>>)
        %dma_wait3A_85 = arith.constant 0 : i32
        %dma_wait3A_86 = tpu.memref_slice %arg5[%mul3A_72, %dma_wait3A_85] : memref<10240x16xf32, #tpu.memory_space<hbm>> -> memref<640x16xf32, #tpu.memory_space<hbm>>
        %dma_wait3A_87 = arith.constant 0 : i32
        %dma_wait3A_88 = tpu.memref_slice %arg10[%mul3A_72, %dma_wait3A_87] : memref<10240x16xf32, #tpu.memory_space<vmem_shared>> -> memref<640x16xf32, #tpu.memory_space<vmem_shared>>
        tpu.wait_dma2 semaphore(%run_scoped3A_80 : memref<!tpu.dma_semaphore, #tpu.memory_space<semaphore_mem>>) src(%dma_wait3A_88 : memref<640x16xf32, #tpu.memory_space<vmem_shared>>) dst(%dma_wait3A_86 : memref<640x16xf32, #tpu.memory_space<hbm>>)
        tpu.yield
      }) : () -> ()
    } else {
    }
    return
  }
}

#map = affine_map<(d0, d1) -> (0, 0)>
#map1 = affine_map<(d0, d1) -> (0, 0, 0)>
module attributes {stable_mosaic.version = 14 : i64} {
  func.func @_agg(%arg0: i32, %arg1: i32, %arg2: memref<10240x16xf32, #tpu.memory_space<hbm>>, %arg3: memref<2x2560x125xi32, #tpu.memory_space<hbm>>, %arg4: memref<10240x16xf32, #tpu.memory_space<hbm>>, %arg5: memref<10240x16xf32, #tpu.memory_space<hbm>>, %arg6: memref<80x125xi32, #tpu.memory_space<vmem>>, %arg7: memref<80x125xi32, #tpu.memory_space<vmem>>, %arg8: memref<4x125x16xf32, #tpu.memory_space<vmem>>, %arg9: memref<640x16xf32, #tpu.memory_space<vmem>>, %arg10: memref<10240x16xf32, #tpu.memory_space<vmem_shared>>, %arg11: memref<10240x16xf32, #tpu.memory_space<vmem_shared>>, %arg12: memref<!tpu.dma_semaphore, #tpu.memory_space<semaphore_mem>>, %arg13: memref<!tpu.dma_semaphore, #tpu.memory_space<semaphore_mem>>) attributes {dimension_semantics = [#tpu.dimension_semantics<core_parallel>, #tpu.dimension_semantics<subcore_parallel>], iteration_bounds = array<i64: 2, 16>, scalar_prefetch = 0 : i64, scratch_operands = 8 : i64, tpu.core_type = #tpu.core_type<sc_vector_subcore>, window_params = [{transform_indices = #map}, {transform_indices = #map1}, {transform_indices = #map}, {transform_indices = #map}]} {
    %mul3A = arith.constant 16 : i32
    %mul3A_0 = arith.muli %arg0, %mul3A : i32
    %add3A = arith.addi %mul3A_0, %arg1 : i32
    %mul3A_1 = arith.constant 640 : i32
    %mul3A_2 = arith.muli %arg1, %mul3A_1 : i32
    %scan3A = arith.constant 0 : i32
    %scan3A_3 = arith.constant 0 : i32
    %scan3A_4 = arith.constant 640 : i32
    %scan3A_5 = arith.addi %scan3A_3, %scan3A_4 : i32
    %scan3A_6 = arith.constant 1 : i32
    scf.for %scan3A_80 = %scan3A_3 to %scan3A_5 step %scan3A_6  : i32 {
      %broadcast_in_dim3A = arith.constant 0.000000e+00 : f32
      %broadcast_in_dim3A_81 = vector.broadcast %broadcast_in_dim3A : f32 to vector<16xf32>
      %swap3A = arith.index_cast %scan3A_80 : i32 to index
      %swap3A_82 = arith.constant 0 : index
      %swap3A_83 = tpu.vector_load %arg9[%swap3A, %swap3A_82] {strides = array<i32>} : memref<640x16xf32, #tpu.memory_space<vmem>>, vector<1x16xf32>,
      %swap3A_84 = vector.shape_cast %swap3A_83 : vector<1x16xf32> to vector<16xf32>
      %swap3A_85 = vector.shape_cast %broadcast_in_dim3A_81 : vector<16xf32> to vector<1x16xf32>
      tpu.vector_store %arg9[%swap3A, %swap3A_82], %swap3A_85 {strides = array<i32>} : memref<640x16xf32, #tpu.memory_space<vmem>>, vector<1x16xf32>,
    }
    %scan3A_7 = arith.constant 640 : i32
    %mul3A_8 = arith.constant 640 : i32
    %mul3A_9 = arith.muli %arg1, %mul3A_8 : i32
    "tpu.region"() ({
      %run_scoped3A_80 = tpu.sem_alloc : memref<!tpu.dma_semaphore, #tpu.memory_space<semaphore_mem>>
      %dma_start3A_81 = arith.constant 0 : i32
      %dma_start3A_82 = tpu.memref_slice %arg10[%mul3A_9, %dma_start3A_81] : memref<10240x16xf32, #tpu.memory_space<vmem_shared>> -> memref<640x16xf32, #tpu.memory_space<vmem_shared>>
      %dma_start3A_83 = arith.constant 0 : i32
      %dma_start3A_84 = tpu.memref_slice %arg10[%mul3A_9, %dma_start3A_83] : memref<10240x16xf32, #tpu.memory_space<vmem_shared>> -> memref<640x16xf32, #tpu.memory_space<vmem_shared>>
      tpu.enqueue_dma source(%arg9 : memref<640x16xf32, #tpu.memory_space<vmem>>) target(%dma_start3A_84 : memref<640x16xf32, #tpu.memory_space<vmem_shared>>) target_semaphore(%run_scoped3A_80 : memref<!tpu.dma_semaphore, #tpu.memory_space<semaphore_mem>>)
      %dma_wait3A_85 = arith.constant 0 : i32
      %dma_wait3A_86 = tpu.memref_slice %arg10[%mul3A_9, %dma_wait3A_85] : memref<10240x16xf32, #tpu.memory_space<vmem_shared>> -> memref<640x16xf32, #tpu.memory_space<vmem_shared>>
      %dma_wait3A_87 = arith.constant 0 : i32
      %dma_wait3A_88 = tpu.memref_slice %arg10[%mul3A_9, %dma_wait3A_87] : memref<10240x16xf32, #tpu.memory_space<vmem_shared>> -> memref<640x16xf32, #tpu.memory_space<vmem_shared>>
      tpu.wait_dma2 semaphore(%run_scoped3A_80 : memref<!tpu.dma_semaphore, #tpu.memory_space<semaphore_mem>>) src(%arg9 : memref<640x16xf32, #tpu.memory_space<vmem>>) dst(%dma_wait3A_88 : memref<640x16xf32, #tpu.memory_space<vmem_shared>>)
      tpu.yield
    }) : () -> ()
    "tpu.region"() ({
      %run_scoped3A_80 = tpu.sem_alloc : memref<!tpu.dma_semaphore, #tpu.memory_space<semaphore_mem>>
      %dma_start3A_81 = arith.constant 0 : i32
      %dma_start3A_82 = tpu.memref_slice %arg11[%mul3A_2, %dma_start3A_81] : memref<10240x16xf32, #tpu.memory_space<vmem_shared>> -> memref<640x16xf32, #tpu.memory_space<vmem_shared>>
      %dma_start3A_83 = arith.constant 0 : i32
      %dma_start3A_84 = tpu.memref_slice %arg2[%mul3A_2, %dma_start3A_83] : memref<10240x16xf32, #tpu.memory_space<hbm>> -> memref<640x16xf32, #tpu.memory_space<hbm>>
      tpu.enqueue_dma source(%dma_start3A_84 : memref<640x16xf32, #tpu.memory_space<hbm>>) target(%dma_start3A_82 : memref<640x16xf32, #tpu.memory_space<vmem_shared>>) target_semaphore(%run_scoped3A_80 : memref<!tpu.dma_semaphore, #tpu.memory_space<semaphore_mem>>)
      %dma_wait3A_85 = arith.constant 0 : i32
      %dma_wait3A_86 = tpu.memref_slice %arg11[%mul3A_2, %dma_wait3A_85] : memref<10240x16xf32, #tpu.memory_space<vmem_shared>> -> memref<640x16xf32, #tpu.memory_space<vmem_shared>>
      %dma_wait3A_87 = arith.constant 0 : i32
      %dma_wait3A_88 = tpu.memref_slice %arg2[%mul3A_2, %dma_wait3A_87] : memref<10240x16xf32, #tpu.memory_space<hbm>> -> memref<640x16xf32, #tpu.memory_space<hbm>>
      tpu.wait_dma2 semaphore(%run_scoped3A_80 : memref<!tpu.dma_semaphore, #tpu.memory_space<semaphore_mem>>) src(%dma_wait3A_88 : memref<640x16xf32, #tpu.memory_space<hbm>>) dst(%dma_wait3A_86 : memref<640x16xf32, #tpu.memory_space<vmem_shared>>)
      tpu.yield
    }) : () -> ()
    %mul3A_10 = arith.constant 80 : i32
    %mul3A_11 = arith.muli %add3A, %mul3A_10 : i32
    %run_scoped3A = arith.constant 0 : i32
    "tpu.region"() ({
      %run_scoped3A_80 = tpu.sem_alloc : memref<!tpu.dma_semaphore, #tpu.memory_space<semaphore_mem>>
      %dma_start3A_81 = arith.constant 0 : i32
      %dma_start3A_82 = tpu.memref_slice %arg3[%run_scoped3A, %mul3A_11, %dma_start3A_81] : memref<2x2560x125xi32, #tpu.memory_space<hbm>> -> memref<1x80x125xi32, #tpu.memory_space<hbm>>
      %dma_start3A_83 = tpu.memref_squeeze %dma_start3A_82 : memref<1x80x125xi32, #tpu.memory_space<hbm>> -> memref<80x125xi32, #tpu.memory_space<hbm>>
      %dma_start3A_84 = arith.constant 0 : i32
      %dma_start3A_85 = tpu.memref_slice %arg3[%run_scoped3A, %mul3A_11, %dma_start3A_84] : memref<2x2560x125xi32, #tpu.memory_space<hbm>> -> memref<1x80x125xi32, #tpu.memory_space<hbm>>
      %dma_start3A_86 = tpu.memref_squeeze %dma_start3A_85 : memref<1x80x125xi32, #tpu.memory_space<hbm>> -> memref<80x125xi32, #tpu.memory_space<hbm>>
      tpu.enqueue_dma source(%dma_start3A_86 : memref<80x125xi32, #tpu.memory_space<hbm>>) target(%arg6 : memref<80x125xi32, #tpu.memory_space<vmem>>) target_semaphore(%run_scoped3A_80 : memref<!tpu.dma_semaphore, #tpu.memory_space<semaphore_mem>>)
      %dma_wait3A_87 = arith.constant 0 : i32
      %dma_wait3A_88 = tpu.memref_slice %arg3[%run_scoped3A, %mul3A_11, %dma_wait3A_87] : memref<2x2560x125xi32, #tpu.memory_space<hbm>> -> memref<1x80x125xi32, #tpu.memory_space<hbm>>
      %dma_wait3A_89 = tpu.memref_squeeze %dma_wait3A_88 : memref<1x80x125xi32, #tpu.memory_space<hbm>> -> memref<80x125xi32, #tpu.memory_space<hbm>>
      %dma_wait3A_90 = arith.constant 0 : i32
      %dma_wait3A_91 = tpu.memref_slice %arg3[%run_scoped3A, %mul3A_11, %dma_wait3A_90] : memref<2x2560x125xi32, #tpu.memory_space<hbm>> -> memref<1x80x125xi32, #tpu.memory_space<hbm>>
      %dma_wait3A_92 = tpu.memref_squeeze %dma_wait3A_91 : memref<1x80x125xi32, #tpu.memory_space<hbm>> -> memref<80x125xi32, #tpu.memory_space<hbm>>
      tpu.wait_dma2 semaphore(%run_scoped3A_80 : memref<!tpu.dma_semaphore, #tpu.memory_space<semaphore_mem>>) src(%dma_wait3A_92 : memref<80x125xi32, #tpu.memory_space<hbm>>) dst(%arg6 : memref<80x125xi32, #tpu.memory_space<vmem>>)
      tpu.yield
    }) : () -> ()
    %mul3A_12 = arith.constant 80 : i32
    %mul3A_13 = arith.muli %add3A, %mul3A_12 : i32
    %run_scoped3A_14 = arith.constant 1 : i32
    "tpu.region"() ({
      %run_scoped3A_80 = tpu.sem_alloc : memref<!tpu.dma_semaphore, #tpu.memory_space<semaphore_mem>>
      %dma_start3A_81 = arith.constant 0 : i32
      %dma_start3A_82 = tpu.memref_slice %arg3[%run_scoped3A_14, %mul3A_13, %dma_start3A_81] : memref<2x2560x125xi32, #tpu.memory_space<hbm>> -> memref<1x80x125xi32, #tpu.memory_space<hbm>>
      %dma_start3A_83 = tpu.memref_squeeze %dma_start3A_82 : memref<1x80x125xi32, #tpu.memory_space<hbm>> -> memref<80x125xi32, #tpu.memory_space<hbm>>
      %dma_start3A_84 = arith.constant 0 : i32
      %dma_start3A_85 = tpu.memref_slice %arg3[%run_scoped3A_14, %mul3A_13, %dma_start3A_84] : memref<2x2560x125xi32, #tpu.memory_space<hbm>> -> memref<1x80x125xi32, #tpu.memory_space<hbm>>
      %dma_start3A_86 = tpu.memref_squeeze %dma_start3A_85 : memref<1x80x125xi32, #tpu.memory_space<hbm>> -> memref<80x125xi32, #tpu.memory_space<hbm>>
      tpu.enqueue_dma source(%dma_start3A_86 : memref<80x125xi32, #tpu.memory_space<hbm>>) target(%arg7 : memref<80x125xi32, #tpu.memory_space<vmem>>) target_semaphore(%run_scoped3A_80 : memref<!tpu.dma_semaphore, #tpu.memory_space<semaphore_mem>>)
      %dma_wait3A_87 = arith.constant 0 : i32
      %dma_wait3A_88 = tpu.memref_slice %arg3[%run_scoped3A_14, %mul3A_13, %dma_wait3A_87] : memref<2x2560x125xi32, #tpu.memory_space<hbm>> -> memref<1x80x125xi32, #tpu.memory_space<hbm>>
      %dma_wait3A_89 = tpu.memref_squeeze %dma_wait3A_88 : memref<1x80x125xi32, #tpu.memory_space<hbm>> -> memref<80x125xi32, #tpu.memory_space<hbm>>
      %dma_wait3A_90 = arith.constant 0 : i32
      %dma_wait3A_91 = tpu.memref_slice %arg3[%run_scoped3A_14, %mul3A_13, %dma_wait3A_90] : memref<2x2560x125xi32, #tpu.memory_space<hbm>> -> memref<1x80x125xi32, #tpu.memory_space<hbm>>
      %dma_wait3A_92 = tpu.memref_squeeze %dma_wait3A_91 : memref<1x80x125xi32, #tpu.memory_space<hbm>> -> memref<80x125xi32, #tpu.memory_space<hbm>>
      tpu.wait_dma2 semaphore(%run_scoped3A_80 : memref<!tpu.dma_semaphore, #tpu.memory_space<semaphore_mem>>) src(%dma_wait3A_92 : memref<80x125xi32, #tpu.memory_space<hbm>>) dst(%arg7 : memref<80x125xi32, #tpu.memory_space<vmem>>)
      tpu.yield
    }) : () -> ()
    %barrier3A = arith.constant 0 : index
    tpu.barrier barrier_id(%barrier3A)
    %dma_start3A = arith.constant 0 : i32
    %dma_start3A_15 = arith.constant 0 : i32
    %dma_start3A_16 = arith.constant 0 : i32
    %dma_start3A_17 = arith.constant 0 : i32
    %dma_start3A_18 = tpu.memref_slice %arg8[%dma_start3A_15, %dma_start3A_16, %dma_start3A_17] : memref<4x125x16xf32, #tpu.memory_space<vmem>> -> memref<1x125x16xf32, #tpu.memory_space<vmem>>
    %dma_start3A_19 = tpu.memref_squeeze %dma_start3A_18 : memref<1x125x16xf32, #tpu.memory_space<vmem>> -> memref<125x16xf32, #tpu.memory_space<vmem>>
    %dma_start3A_20 = arith.constant 0 : i32
    %dma_start3A_21 = tpu.memref_slice %arg6[%dma_start3A, %dma_start3A_20] : memref<80x125xi32, #tpu.memory_space<vmem>> -> memref<1x125xi32, #tpu.memory_space<vmem>>
    %dma_start3A_22 = tpu.memref_squeeze %dma_start3A_21 : memref<1x125xi32, #tpu.memory_space<vmem>> -> memref<125xi32, #tpu.memory_space<vmem>>
    %dma_start3A_23 = arith.constant 0 : i32
    %dma_start3A_24 = arith.constant 0 : i32
    %dma_start3A_25 = tpu.memref_slice %arg11[%dma_start3A_23, %dma_start3A_24] : memref<10240x16xf32, #tpu.memory_space<vmem_shared>> -> memref<10240x16xf32, #tpu.memory_space<vmem_shared>>
    tpu.enqueue_indirect_dma source(%dma_start3A_25 : memref<10240x16xf32, #tpu.memory_space<vmem_shared>>) target(%dma_start3A_19 : memref<125x16xf32, #tpu.memory_space<vmem>>) offsets(%dma_start3A_22 : memref<125xi32, #tpu.memory_space<vmem>>) semaphore(%arg12 : memref<!tpu.dma_semaphore, #tpu.memory_space<semaphore_mem>>)
    %dma_start3A_26 = arith.constant 1 : i32
    %dma_start3A_27 = arith.constant 1 : i32
    %dma_start3A_28 = arith.constant 0 : i32
    %dma_start3A_29 = arith.constant 0 : i32
    %dma_start3A_30 = tpu.memref_slice %arg8[%dma_start3A_27, %dma_start3A_28, %dma_start3A_29] : memref<4x125x16xf32, #tpu.memory_space<vmem>> -> memref<1x125x16xf32, #tpu.memory_space<vmem>>
    %dma_start3A_31 = tpu.memref_squeeze %dma_start3A_30 : memref<1x125x16xf32, #tpu.memory_space<vmem>> -> memref<125x16xf32, #tpu.memory_space<vmem>>
    %dma_start3A_32 = arith.constant 0 : i32
    %dma_start3A_33 = tpu.memref_slice %arg6[%dma_start3A_26, %dma_start3A_32] : memref<80x125xi32, #tpu.memory_space<vmem>> -> memref<1x125xi32, #tpu.memory_space<vmem>>
    %dma_start3A_34 = tpu.memref_squeeze %dma_start3A_33 : memref<1x125xi32, #tpu.memory_space<vmem>> -> memref<125xi32, #tpu.memory_space<vmem>>
    %dma_start3A_35 = arith.constant 0 : i32
    %dma_start3A_36 = arith.constant 0 : i32
    %dma_start3A_37 = tpu.memref_slice %arg11[%dma_start3A_35, %dma_start3A_36] : memref<10240x16xf32, #tpu.memory_space<vmem_shared>> -> memref<10240x16xf32, #tpu.memory_space<vmem_shared>>
    tpu.enqueue_indirect_dma source(%dma_start3A_37 : memref<10240x16xf32, #tpu.memory_space<vmem_shared>>) target(%dma_start3A_31 : memref<125x16xf32, #tpu.memory_space<vmem>>) offsets(%dma_start3A_34 : memref<125xi32, #tpu.memory_space<vmem>>) semaphore(%arg12 : memref<!tpu.dma_semaphore, #tpu.memory_space<semaphore_mem>>)
    %scan3A_38 = arith.constant 0 : i32
    %scan3A_39 = arith.constant 0 : i32
    %scan3A_40 = arith.constant 80 : i32
    %scan3A_41 = arith.addi %scan3A_39, %scan3A_40 : i32
    %scan3A_42 = arith.constant 1 : i32
    scf.for %scan3A_80 = %scan3A_39 to %scan3A_41 step %scan3A_42  : i32 {
      %rem3A_81 = arith.constant 4 : i32
      %rem3A_82 = arith.remsi %scan3A_80, %rem3A_81 : i32
      %dma_wait3A_83 = arith.constant 0 : i32
      %dma_wait3A_84 = arith.constant 0 : i32
      %dma_wait3A_85 = tpu.memref_slice %arg8[%rem3A_82, %dma_wait3A_83, %dma_wait3A_84] : memref<4x125x16xf32, #tpu.memory_space<vmem>> -> memref<1x125x16xf32, #tpu.memory_space<vmem>>
      %dma_wait3A_86 = tpu.memref_squeeze %dma_wait3A_85 : memref<1x125x16xf32, #tpu.memory_space<vmem>> -> memref<125x16xf32, #tpu.memory_space<vmem>>
      %dma_wait3A_87 = arith.constant 0 : i32
      %dma_wait3A_88 = tpu.memref_slice %arg6[%scan3A_80, %dma_wait3A_87] : memref<80x125xi32, #tpu.memory_space<vmem>> -> memref<1x125xi32, #tpu.memory_space<vmem>>
      %dma_wait3A_89 = tpu.memref_squeeze %dma_wait3A_88 : memref<1x125xi32, #tpu.memory_space<vmem>> -> memref<125xi32, #tpu.memory_space<vmem>>
      %dma_wait3A_90 = arith.constant 0 : i32
      %dma_wait3A_91 = arith.constant 0 : i32
      %dma_wait3A_92 = tpu.memref_slice %arg11[%dma_wait3A_90, %dma_wait3A_91] : memref<10240x16xf32, #tpu.memory_space<vmem_shared>> -> memref<10240x16xf32, #tpu.memory_space<vmem_shared>>
      tpu.wait_indirect_dma semaphore(%arg12 : memref<!tpu.dma_semaphore, #tpu.memory_space<semaphore_mem>>) src(%dma_wait3A_92 : memref<10240x16xf32, #tpu.memory_space<vmem_shared>>) dst(%dma_wait3A_86 : memref<125x16xf32, #tpu.memory_space<vmem>>)
      %dma_start3A_93 = arith.constant 0 : i32
      %dma_start3A_94 = arith.constant 0 : i32
      %dma_start3A_95 = tpu.memref_slice %arg8[%rem3A_82, %dma_start3A_93, %dma_start3A_94] : memref<4x125x16xf32, #tpu.memory_space<vmem>> -> memref<1x125x16xf32, #tpu.memory_space<vmem>>
      %dma_start3A_96 = tpu.memref_squeeze %dma_start3A_95 : memref<1x125x16xf32, #tpu.memory_space<vmem>> -> memref<125x16xf32, #tpu.memory_space<vmem>>
      %dma_start3A_97 = arith.constant 0 : i32
      %dma_start3A_98 = tpu.memref_slice %arg7[%scan3A_80, %dma_start3A_97] : memref<80x125xi32, #tpu.memory_space<vmem>> -> memref<1x125xi32, #tpu.memory_space<vmem>>
      %dma_start3A_99 = tpu.memref_squeeze %dma_start3A_98 : memref<1x125xi32, #tpu.memory_space<vmem>> -> memref<125xi32, #tpu.memory_space<vmem>>
      %dma_start3A_100 = arith.constant 0 : i32
      %dma_start3A_101 = arith.constant 0 : i32
      %dma_start3A_102 = tpu.memref_slice %arg10[%dma_start3A_100, %dma_start3A_101] : memref<10240x16xf32, #tpu.memory_space<vmem_shared>> -> memref<10240x16xf32, #tpu.memory_space<vmem_shared>>
      tpu.enqueue_indirect_dma source(%dma_start3A_96 : memref<125x16xf32, #tpu.memory_space<vmem>>) target(%dma_start3A_102 : memref<10240x16xf32, #tpu.memory_space<vmem_shared>>) offsets(%dma_start3A_99 : memref<125xi32, #tpu.memory_space<vmem>>) semaphore(%arg13 : memref<!tpu.dma_semaphore, #tpu.memory_space<semaphore_mem>>) {add = true}
      %ge3A = arith.constant 2 : i32
      %ge3A_103 = arith.cmpi sge, %scan3A_80, %ge3A : i32
      %convert_element_type3A_104 = arith.extui %ge3A_103 : i1 to i32
      %cond3A_105 = arith.constant 0 : i32
      %cond3A_106 = arith.cmpi ne, %convert_element_type3A_104, %cond3A_105 : i32
      scf.if %cond3A_106 {
        %add3A_113 = arith.constant 2 : i32
        %add3A_114 = arith.addi %scan3A_80, %add3A_113 : i32
        %rem3A_115 = arith.constant 4 : i32
        %rem3A_116 = arith.remsi %add3A_114, %rem3A_115 : i32
        %sub3A = arith.constant 2 : i32
        %sub3A_117 = arith.subi %scan3A_80, %sub3A : i32
        %dma_wait3A_118 = arith.constant 0 : i32
        %dma_wait3A_119 = arith.constant 0 : i32
        %dma_wait3A_120 = tpu.memref_slice %arg8[%rem3A_116, %dma_wait3A_118, %dma_wait3A_119] : memref<4x125x16xf32, #tpu.memory_space<vmem>> -> memref<1x125x16xf32, #tpu.memory_space<vmem>>
        %dma_wait3A_121 = tpu.memref_squeeze %dma_wait3A_120 : memref<1x125x16xf32, #tpu.memory_space<vmem>> -> memref<125x16xf32, #tpu.memory_space<vmem>>
        %dma_wait3A_122 = arith.constant 0 : i32
        %dma_wait3A_123 = tpu.memref_slice %arg7[%sub3A_117, %dma_wait3A_122] : memref<80x125xi32, #tpu.memory_space<vmem>> -> memref<1x125xi32, #tpu.memory_space<vmem>>
        %dma_wait3A_124 = tpu.memref_squeeze %dma_wait3A_123 : memref<1x125xi32, #tpu.memory_space<vmem>> -> memref<125xi32, #tpu.memory_space<vmem>>
        %dma_wait3A_125 = arith.constant 0 : i32
        %dma_wait3A_126 = arith.constant 0 : i32
        %dma_wait3A_127 = tpu.memref_slice %arg10[%dma_wait3A_125, %dma_wait3A_126] : memref<10240x16xf32, #tpu.memory_space<vmem_shared>> -> memref<10240x16xf32, #tpu.memory_space<vmem_shared>>
        tpu.wait_indirect_dma semaphore(%arg13 : memref<!tpu.dma_semaphore, #tpu.memory_space<semaphore_mem>>) src(%dma_wait3A_121 : memref<125x16xf32, #tpu.memory_space<vmem>>) dst(%dma_wait3A_127 : memref<10240x16xf32, #tpu.memory_space<vmem_shared>>)
      } else {
      }
      %add3A_107 = arith.constant 2 : i32
      %add3A_108 = arith.addi %scan3A_80, %add3A_107 : i32
      %lt3A = arith.constant 80 : i32
      %lt3A_109 = arith.cmpi slt, %add3A_108, %lt3A : i32
      %convert_element_type3A_110 = arith.extui %lt3A_109 : i1 to i32
      %cond3A_111 = arith.constant 0 : i32
      %cond3A_112 = arith.cmpi ne, %convert_element_type3A_110, %cond3A_111 : i32
      scf.if %cond3A_112 {
        %add3A_113 = arith.constant 2 : i32
        %add3A_114 = arith.addi %scan3A_80, %add3A_113 : i32
        %add3A_115 = arith.constant 2 : i32
        %add3A_116 = arith.addi %scan3A_80, %add3A_115 : i32
        %rem3A_117 = arith.constant 4 : i32
        %rem3A_118 = arith.remsi %add3A_116, %rem3A_117 : i32
        %dma_start3A_119 = arith.constant 0 : i32
        %dma_start3A_120 = arith.constant 0 : i32
        %dma_start3A_121 = tpu.memref_slice %arg8[%rem3A_118, %dma_start3A_119, %dma_start3A_120] : memref<4x125x16xf32, #tpu.memory_space<vmem>> -> memref<1x125x16xf32, #tpu.memory_space<vmem>>
        %dma_start3A_122 = tpu.memref_squeeze %dma_start3A_121 : memref<1x125x16xf32, #tpu.memory_space<vmem>> -> memref<125x16xf32, #tpu.memory_space<vmem>>
        %dma_start3A_123 = arith.constant 0 : i32
        %dma_start3A_124 = tpu.memref_slice %arg6[%add3A_114, %dma_start3A_123] : memref<80x125xi32, #tpu.memory_space<vmem>> -> memref<1x125xi32, #tpu.memory_space<vmem>>
        %dma_start3A_125 = tpu.memref_squeeze %dma_start3A_124 : memref<1x125xi32, #tpu.memory_space<vmem>> -> memref<125xi32, #tpu.memory_space<vmem>>
        %dma_start3A_126 = arith.constant 0 : i32
        %dma_start3A_127 = arith.constant 0 : i32
        %dma_start3A_128 = tpu.memref_slice %arg11[%dma_start3A_126, %dma_start3A_127] : memref<10240x16xf32, #tpu.memory_space<vmem_shared>> -> memref<10240x16xf32, #tpu.memory_space<vmem_shared>>
        tpu.enqueue_indirect_dma source(%dma_start3A_128 : memref<10240x16xf32, #tpu.memory_space<vmem_shared>>) target(%dma_start3A_122 : memref<125x16xf32, #tpu.memory_space<vmem>>) offsets(%dma_start3A_125 : memref<125xi32, #tpu.memory_space<vmem>>) semaphore(%arg12 : memref<!tpu.dma_semaphore, #tpu.memory_space<semaphore_mem>>)
      } else {
      }
    }
    %scan3A_43 = arith.constant 80 : i32
    %rem3A = arith.constant 78 : i32
    %rem3A_44 = arith.constant 4 : i32
    %rem3A_45 = arith.remsi %rem3A, %rem3A_44 : i32
    %dma_wait3A = arith.constant 78 : i32
    %dma_wait3A_46 = arith.constant 0 : i32
    %dma_wait3A_47 = arith.constant 0 : i32
    %dma_wait3A_48 = tpu.memref_slice %arg8[%rem3A_45, %dma_wait3A_46, %dma_wait3A_47] : memref<4x125x16xf32, #tpu.memory_space<vmem>> -> memref<1x125x16xf32, #tpu.memory_space<vmem>>
    %dma_wait3A_49 = tpu.memref_squeeze %dma_wait3A_48 : memref<1x125x16xf32, #tpu.memory_space<vmem>> -> memref<125x16xf32, #tpu.memory_space<vmem>>
    %dma_wait3A_50 = arith.constant 0 : i32
    %dma_wait3A_51 = tpu.memref_slice %arg7[%dma_wait3A, %dma_wait3A_50] : memref<80x125xi32, #tpu.memory_space<vmem>> -> memref<1x125xi32, #tpu.memory_space<vmem>>
    %dma_wait3A_52 = tpu.memref_squeeze %dma_wait3A_51 : memref<1x125xi32, #tpu.memory_space<vmem>> -> memref<125xi32, #tpu.memory_space<vmem>>
    %dma_wait3A_53 = arith.constant 0 : i32
    %dma_wait3A_54 = arith.constant 0 : i32
    %dma_wait3A_55 = tpu.memref_slice %arg10[%dma_wait3A_53, %dma_wait3A_54] : memref<10240x16xf32, #tpu.memory_space<vmem_shared>> -> memref<10240x16xf32, #tpu.memory_space<vmem_shared>>
    tpu.wait_indirect_dma semaphore(%arg13 : memref<!tpu.dma_semaphore, #tpu.memory_space<semaphore_mem>>) src(%dma_wait3A_49 : memref<125x16xf32, #tpu.memory_space<vmem>>) dst(%dma_wait3A_55 : memref<10240x16xf32, #tpu.memory_space<vmem_shared>>)
    %rem3A_56 = arith.constant 79 : i32
    %rem3A_57 = arith.constant 4 : i32
    %rem3A_58 = arith.remsi %rem3A_56, %rem3A_57 : i32
    %dma_wait3A_59 = arith.constant 79 : i32
    %dma_wait3A_60 = arith.constant 0 : i32
    %dma_wait3A_61 = arith.constant 0 : i32
    %dma_wait3A_62 = tpu.memref_slice %arg8[%rem3A_58, %dma_wait3A_60, %dma_wait3A_61] : memref<4x125x16xf32, #tpu.memory_space<vmem>> -> memref<1x125x16xf32, #tpu.memory_space<vmem>>
    %dma_wait3A_63 = tpu.memref_squeeze %dma_wait3A_62 : memref<1x125x16xf32, #tpu.memory_space<vmem>> -> memref<125x16xf32, #tpu.memory_space<vmem>>
    %dma_wait3A_64 = arith.constant 0 : i32
    %dma_wait3A_65 = tpu.memref_slice %arg7[%dma_wait3A_59, %dma_wait3A_64] : memref<80x125xi32, #tpu.memory_space<vmem>> -> memref<1x125xi32, #tpu.memory_space<vmem>>
    %dma_wait3A_66 = tpu.memref_squeeze %dma_wait3A_65 : memref<1x125xi32, #tpu.memory_space<vmem>> -> memref<125xi32, #tpu.memory_space<vmem>>
    %dma_wait3A_67 = arith.constant 0 : i32
    %dma_wait3A_68 = arith.constant 0 : i32
    %dma_wait3A_69 = tpu.memref_slice %arg10[%dma_wait3A_67, %dma_wait3A_68] : memref<10240x16xf32, #tpu.memory_space<vmem_shared>> -> memref<10240x16xf32, #tpu.memory_space<vmem_shared>>
    tpu.wait_indirect_dma semaphore(%arg13 : memref<!tpu.dma_semaphore, #tpu.memory_space<semaphore_mem>>) src(%dma_wait3A_63 : memref<125x16xf32, #tpu.memory_space<vmem>>) dst(%dma_wait3A_69 : memref<10240x16xf32, #tpu.memory_space<vmem_shared>>)
    %barrier3A_70 = arith.constant 0 : index
    tpu.barrier barrier_id(%barrier3A_70)
    %mul3A_71 = arith.constant 640 : i32
    %mul3A_72 = arith.muli %arg1, %mul3A_71 : i32
    %eq3A = arith.constant 0 : i32
    %eq3A_73 = arith.cmpi eq, %arg0, %eq3A : i32
    %convert_element_type3A = arith.extui %eq3A_73 : i1 to i32
    %cond3A = arith.constant 0 : i32
    %cond3A_74 = arith.cmpi ne, %convert_element_type3A, %cond3A : i32
    scf.if %cond3A_74 {
      "tpu.region"() ({
        %run_scoped3A_80 = tpu.sem_alloc : memref<!tpu.dma_semaphore, #tpu.memory_space<semaphore_mem>>
        %dma_start3A_81 = arith.constant 0 : i32
        %dma_start3A_82 = tpu.memref_slice %arg4[%mul3A_72, %dma_start3A_81] : memref<10240x16xf32, #tpu.memory_space<hbm>> -> memref<640x16xf32, #tpu.memory_space<hbm>>
        %dma_start3A_83 = arith.constant 0 : i32
        %dma_start3A_84 = tpu.memref_slice %arg10[%mul3A_72, %dma_start3A_83] : memref<10240x16xf32, #tpu.memory_space<vmem_shared>> -> memref<640x16xf32, #tpu.memory_space<vmem_shared>>
        tpu.enqueue_dma source(%dma_start3A_84 : memref<640x16xf32, #tpu.memory_space<vmem_shared>>) target(%dma_start3A_82 : memref<640x16xf32, #tpu.memory_space<hbm>>) target_semaphore(%run_scoped3A_80 : memref<!tpu.dma_semaphore, #tpu.memory_space<semaphore_mem>>)
        %dma_wait3A_85 = arith.constant 0 : i32
        %dma_wait3A_86 = tpu.memref_slice %arg4[%mul3A_72, %dma_wait3A_85] : memref<10240x16xf32, #tpu.memory_space<hbm>> -> memref<640x16xf32, #tpu.memory_space<hbm>>
        %dma_wait3A_87 = arith.constant 0 : i32
        %dma_wait3A_88 = tpu.memref_slice %arg10[%mul3A_72, %dma_wait3A_87] : memref<10240x16xf32, #tpu.memory_space<vmem_shared>> -> memref<640x16xf32, #tpu.memory_space<vmem_shared>>
        tpu.wait_dma2 semaphore(%run_scoped3A_80 : memref<!tpu.dma_semaphore, #tpu.memory_space<semaphore_mem>>) src(%dma_wait3A_88 : memref<640x16xf32, #tpu.memory_space<vmem_shared>>) dst(%dma_wait3A_86 : memref<640x16xf32, #tpu.memory_space<hbm>>)
        tpu.yield
      }) : () -> ()
    } else {
    }
    %eq3A_75 = arith.constant 1 : i32
    %eq3A_76 = arith.cmpi eq, %arg0, %eq3A_75 : i32
    %convert_element_type3A_77 = arith.extui %eq3A_76 : i1 to i32
    %cond3A_78 = arith.constant 0 : i32
    %cond3A_79 = arith.cmpi ne, %convert_element_type3A_77, %cond3A_78 : i32
    scf.if %cond3A_79 {
      "tpu.region"() ({
        %run_scoped3A_80 = tpu.sem_alloc : memref<!tpu.dma_semaphore, #tpu.memory_space<semaphore_mem>>
        %dma_start3A_81 = arith.constant 0 : i32
        %dma_start3A_82 = tpu.memref_slice %arg5[%mul3A_72, %dma_start3A_81] : memref<10240x16xf32, #tpu.memory_space<hbm>> -> memref<640x16xf32, #tpu.memory_space<hbm>>
        %dma_start3A_83 = arith.constant 0 : i32
        %dma_start3A_84 = tpu.memref_slice %arg10[%mul3A_72, %dma_start3A_83] : memref<10240x16xf32, #tpu.memory_space<vmem_shared>> -> memref<640x16xf32, #tpu.memory_space<vmem_shared>>
        tpu.enqueue_dma source(%dma_start3A_84 : memref<640x16xf32, #tpu.memory_space<vmem_shared>>) target(%dma_start3A_82 : memref<640x16xf32, #tpu.memory_space<hbm>>) target_semaphore(%run_scoped3A_80 : memref<!tpu.dma_semaphore, #tpu.memory_space<semaphore_mem>>)
        %dma_wait3A_85 = arith.constant 0 : i32
        %dma_wait3A_86 = tpu.memref_slice %arg5[%mul3A_72, %dma_wait3A_85] : memref<10240x16xf32, #tpu.memory_space<hbm>> -> memref<640x16xf32, #tpu.memory_space<hbm>>
        %dma_wait3A_87 = arith.constant 0 : i32
        %dma_wait3A_88 = tpu.memref_slice %arg10[%mul3A_72, %dma_wait3A_87] : memref<10240x16xf32, #tpu.memory_space<vmem_shared>> -> memref<640x16xf32, #tpu.memory_space<vmem_shared>>
        tpu.wait_dma2 semaphore(%run_scoped3A_80 : memref<!tpu.dma_semaphore, #tpu.memory_space<semaphore_mem>>) src(%dma_wait3A_88 : memref<640x16xf32, #tpu.memory_space<vmem_shared>>) dst(%dma_wait3A_86 : memref<640x16xf32, #tpu.memory_space<hbm>>)
        tpu.yield
      }) : () -> ()
    } else {
    }
    return
  }
}

#map = affine_map<(d0, d1) -> (0, 0)>
#map1 = affine_map<(d0, d1) -> (0, 0, 0)>
module attributes {stable_mosaic.version = 14 : i64} {
  func.func @_agg(%arg0: i32, %arg1: i32, %arg2: memref<10240x16xf32, #tpu.memory_space<hbm>>, %arg3: memref<2x2560x125xi32, #tpu.memory_space<hbm>>, %arg4: memref<10240x16xf32, #tpu.memory_space<hbm>>, %arg5: memref<10240x16xf32, #tpu.memory_space<hbm>>, %arg6: memref<80x125xi32, #tpu.memory_space<vmem>>, %arg7: memref<80x125xi32, #tpu.memory_space<vmem>>, %arg8: memref<4x125x16xf32, #tpu.memory_space<vmem>>, %arg9: memref<640x16xf32, #tpu.memory_space<vmem>>, %arg10: memref<10240x16xf32, #tpu.memory_space<vmem_shared>>, %arg11: memref<10240x16xf32, #tpu.memory_space<vmem_shared>>, %arg12: memref<!tpu.dma_semaphore, #tpu.memory_space<semaphore_mem>>, %arg13: memref<!tpu.dma_semaphore, #tpu.memory_space<semaphore_mem>>) attributes {dimension_semantics = [#tpu.dimension_semantics<core_parallel>, #tpu.dimension_semantics<subcore_parallel>], iteration_bounds = array<i64: 2, 16>, scalar_prefetch = 0 : i64, scratch_operands = 8 : i64, tpu.core_type = #tpu.core_type<sc_vector_subcore>, window_params = [{transform_indices = #map}, {transform_indices = #map1}, {transform_indices = #map}, {transform_indices = #map}]} {
    %mul3A = arith.constant 16 : i32
    %mul3A_0 = arith.muli %arg0, %mul3A : i32
    %add3A = arith.addi %mul3A_0, %arg1 : i32
    %mul3A_1 = arith.constant 640 : i32
    %mul3A_2 = arith.muli %arg1, %mul3A_1 : i32
    %scan3A = arith.constant 0 : i32
    %scan3A_3 = arith.constant 0 : i32
    %scan3A_4 = arith.constant 640 : i32
    %scan3A_5 = arith.addi %scan3A_3, %scan3A_4 : i32
    %scan3A_6 = arith.constant 1 : i32
    scf.for %scan3A_80 = %scan3A_3 to %scan3A_5 step %scan3A_6  : i32 {
      %broadcast_in_dim3A = arith.constant 0.000000e+00 : f32
      %broadcast_in_dim3A_81 = vector.broadcast %broadcast_in_dim3A : f32 to vector<16xf32>
      %swap3A = arith.index_cast %scan3A_80 : i32 to index
      %swap3A_82 = arith.constant 0 : index
      %swap3A_83 = tpu.vector_load %arg9[%swap3A, %swap3A_82] {strides = array<i32>} : memref<640x16xf32, #tpu.memory_space<vmem>>, vector<1x16xf32>,
      %swap3A_84 = vector.shape_cast %swap3A_83 : vector<1x16xf32> to vector<16xf32>
      %swap3A_85 = vector.shape_cast %broadcast_in_dim3A_81 : vector<16xf32> to vector<1x16xf32>
      tpu.vector_store %arg9[%swap3A, %swap3A_82], %swap3A_85 {strides = array<i32>} : memref<640x16xf32, #tpu.memory_space<vmem>>, vector<1x16xf32>,
    }
    %scan3A_7 = arith.constant 640 : i32
    %mul3A_8 = arith.constant 640 : i32
    %mul3A_9 = arith.muli %arg1, %mul3A_8 : i32
    "tpu.region"() ({
      %run_scoped3A_80 = tpu.sem_alloc : memref<!tpu.dma_semaphore, #tpu.memory_space<semaphore_mem>>
      %dma_start3A_81 = arith.constant 0 : i32
      %dma_start3A_82 = tpu.memref_slice %arg10[%mul3A_9, %dma_start3A_81] : memref<10240x16xf32, #tpu.memory_space<vmem_shared>> -> memref<640x16xf32, #tpu.memory_space<vmem_shared>>
      %dma_start3A_83 = arith.constant 0 : i32
      %dma_start3A_84 = tpu.memref_slice %arg10[%mul3A_9, %dma_start3A_83] : memref<10240x16xf32, #tpu.memory_space<vmem_shared>> -> memref<640x16xf32, #tpu.memory_space<vmem_shared>>
      tpu.enqueue_dma source(%arg9 : memref<640x16xf32, #tpu.memory_space<vmem>>) target(%dma_start3A_84 : memref<640x16xf32, #tpu.memory_space<vmem_shared>>) target_semaphore(%run_scoped3A_80 : memref<!tpu.dma_semaphore, #tpu.memory_space<semaphore_mem>>)
      %dma_wait3A_85 = arith.constant 0 : i32
      %dma_wait3A_86 = tpu.memref_slice %arg10[%mul3A_9, %dma_wait3A_85] : memref<10240x16xf32, #tpu.memory_space<vmem_shared>> -> memref<640x16xf32, #tpu.memory_space<vmem_shared>>
      %dma_wait3A_87 = arith.constant 0 : i32
      %dma_wait3A_88 = tpu.memref_slice %arg10[%mul3A_9, %dma_wait3A_87] : memref<10240x16xf32, #tpu.memory_space<vmem_shared>> -> memref<640x16xf32, #tpu.memory_space<vmem_shared>>
      tpu.wait_dma2 semaphore(%run_scoped3A_80 : memref<!tpu.dma_semaphore, #tpu.memory_space<semaphore_mem>>) src(%arg9 : memref<640x16xf32, #tpu.memory_space<vmem>>) dst(%dma_wait3A_88 : memref<640x16xf32, #tpu.memory_space<vmem_shared>>)
      tpu.yield
    }) : () -> ()
    "tpu.region"() ({
      %run_scoped3A_80 = tpu.sem_alloc : memref<!tpu.dma_semaphore, #tpu.memory_space<semaphore_mem>>
      %dma_start3A_81 = arith.constant 0 : i32
      %dma_start3A_82 = tpu.memref_slice %arg11[%mul3A_2, %dma_start3A_81] : memref<10240x16xf32, #tpu.memory_space<vmem_shared>> -> memref<640x16xf32, #tpu.memory_space<vmem_shared>>
      %dma_start3A_83 = arith.constant 0 : i32
      %dma_start3A_84 = tpu.memref_slice %arg2[%mul3A_2, %dma_start3A_83] : memref<10240x16xf32, #tpu.memory_space<hbm>> -> memref<640x16xf32, #tpu.memory_space<hbm>>
      tpu.enqueue_dma source(%dma_start3A_84 : memref<640x16xf32, #tpu.memory_space<hbm>>) target(%dma_start3A_82 : memref<640x16xf32, #tpu.memory_space<vmem_shared>>) target_semaphore(%run_scoped3A_80 : memref<!tpu.dma_semaphore, #tpu.memory_space<semaphore_mem>>)
      %dma_wait3A_85 = arith.constant 0 : i32
      %dma_wait3A_86 = tpu.memref_slice %arg11[%mul3A_2, %dma_wait3A_85] : memref<10240x16xf32, #tpu.memory_space<vmem_shared>> -> memref<640x16xf32, #tpu.memory_space<vmem_shared>>
      %dma_wait3A_87 = arith.constant 0 : i32
      %dma_wait3A_88 = tpu.memref_slice %arg2[%mul3A_2, %dma_wait3A_87] : memref<10240x16xf32, #tpu.memory_space<hbm>> -> memref<640x16xf32, #tpu.memory_space<hbm>>
      tpu.wait_dma2 semaphore(%run_scoped3A_80 : memref<!tpu.dma_semaphore, #tpu.memory_space<semaphore_mem>>) src(%dma_wait3A_88 : memref<640x16xf32, #tpu.memory_space<hbm>>) dst(%dma_wait3A_86 : memref<640x16xf32, #tpu.memory_space<vmem_shared>>)
      tpu.yield
    }) : () -> ()
    %mul3A_10 = arith.constant 80 : i32
    %mul3A_11 = arith.muli %add3A, %mul3A_10 : i32
    %run_scoped3A = arith.constant 0 : i32
    "tpu.region"() ({
      %run_scoped3A_80 = tpu.sem_alloc : memref<!tpu.dma_semaphore, #tpu.memory_space<semaphore_mem>>
      %dma_start3A_81 = arith.constant 0 : i32
      %dma_start3A_82 = tpu.memref_slice %arg3[%run_scoped3A, %mul3A_11, %dma_start3A_81] : memref<2x2560x125xi32, #tpu.memory_space<hbm>> -> memref<1x80x125xi32, #tpu.memory_space<hbm>>
      %dma_start3A_83 = tpu.memref_squeeze %dma_start3A_82 : memref<1x80x125xi32, #tpu.memory_space<hbm>> -> memref<80x125xi32, #tpu.memory_space<hbm>>
      %dma_start3A_84 = arith.constant 0 : i32
      %dma_start3A_85 = tpu.memref_slice %arg3[%run_scoped3A, %mul3A_11, %dma_start3A_84] : memref<2x2560x125xi32, #tpu.memory_space<hbm>> -> memref<1x80x125xi32, #tpu.memory_space<hbm>>
      %dma_start3A_86 = tpu.memref_squeeze %dma_start3A_85 : memref<1x80x125xi32, #tpu.memory_space<hbm>> -> memref<80x125xi32, #tpu.memory_space<hbm>>
      tpu.enqueue_dma source(%dma_start3A_86 : memref<80x125xi32, #tpu.memory_space<hbm>>) target(%arg6 : memref<80x125xi32, #tpu.memory_space<vmem>>) target_semaphore(%run_scoped3A_80 : memref<!tpu.dma_semaphore, #tpu.memory_space<semaphore_mem>>)
      %dma_wait3A_87 = arith.constant 0 : i32
      %dma_wait3A_88 = tpu.memref_slice %arg3[%run_scoped3A, %mul3A_11, %dma_wait3A_87] : memref<2x2560x125xi32, #tpu.memory_space<hbm>> -> memref<1x80x125xi32, #tpu.memory_space<hbm>>
      %dma_wait3A_89 = tpu.memref_squeeze %dma_wait3A_88 : memref<1x80x125xi32, #tpu.memory_space<hbm>> -> memref<80x125xi32, #tpu.memory_space<hbm>>
      %dma_wait3A_90 = arith.constant 0 : i32
      %dma_wait3A_91 = tpu.memref_slice %arg3[%run_scoped3A, %mul3A_11, %dma_wait3A_90] : memref<2x2560x125xi32, #tpu.memory_space<hbm>> -> memref<1x80x125xi32, #tpu.memory_space<hbm>>
      %dma_wait3A_92 = tpu.memref_squeeze %dma_wait3A_91 : memref<1x80x125xi32, #tpu.memory_space<hbm>> -> memref<80x125xi32, #tpu.memory_space<hbm>>
      tpu.wait_dma2 semaphore(%run_scoped3A_80 : memref<!tpu.dma_semaphore, #tpu.memory_space<semaphore_mem>>) src(%dma_wait3A_92 : memref<80x125xi32, #tpu.memory_space<hbm>>) dst(%arg6 : memref<80x125xi32, #tpu.memory_space<vmem>>)
      tpu.yield
    }) : () -> ()
    %mul3A_12 = arith.constant 80 : i32
    %mul3A_13 = arith.muli %add3A, %mul3A_12 : i32
    %run_scoped3A_14 = arith.constant 1 : i32
    "tpu.region"() ({
      %run_scoped3A_80 = tpu.sem_alloc : memref<!tpu.dma_semaphore, #tpu.memory_space<semaphore_mem>>
      %dma_start3A_81 = arith.constant 0 : i32
      %dma_start3A_82 = tpu.memref_slice %arg3[%run_scoped3A_14, %mul3A_13, %dma_start3A_81] : memref<2x2560x125xi32, #tpu.memory_space<hbm>> -> memref<1x80x125xi32, #tpu.memory_space<hbm>>
      %dma_start3A_83 = tpu.memref_squeeze %dma_start3A_82 : memref<1x80x125xi32, #tpu.memory_space<hbm>> -> memref<80x125xi32, #tpu.memory_space<hbm>>
      %dma_start3A_84 = arith.constant 0 : i32
      %dma_start3A_85 = tpu.memref_slice %arg3[%run_scoped3A_14, %mul3A_13, %dma_start3A_84] : memref<2x2560x125xi32, #tpu.memory_space<hbm>> -> memref<1x80x125xi32, #tpu.memory_space<hbm>>
      %dma_start3A_86 = tpu.memref_squeeze %dma_start3A_85 : memref<1x80x125xi32, #tpu.memory_space<hbm>> -> memref<80x125xi32, #tpu.memory_space<hbm>>
      tpu.enqueue_dma source(%dma_start3A_86 : memref<80x125xi32, #tpu.memory_space<hbm>>) target(%arg7 : memref<80x125xi32, #tpu.memory_space<vmem>>) target_semaphore(%run_scoped3A_80 : memref<!tpu.dma_semaphore, #tpu.memory_space<semaphore_mem>>)
      %dma_wait3A_87 = arith.constant 0 : i32
      %dma_wait3A_88 = tpu.memref_slice %arg3[%run_scoped3A_14, %mul3A_13, %dma_wait3A_87] : memref<2x2560x125xi32, #tpu.memory_space<hbm>> -> memref<1x80x125xi32, #tpu.memory_space<hbm>>
      %dma_wait3A_89 = tpu.memref_squeeze %dma_wait3A_88 : memref<1x80x125xi32, #tpu.memory_space<hbm>> -> memref<80x125xi32, #tpu.memory_space<hbm>>
      %dma_wait3A_90 = arith.constant 0 : i32
      %dma_wait3A_91 = tpu.memref_slice %arg3[%run_scoped3A_14, %mul3A_13, %dma_wait3A_90] : memref<2x2560x125xi32, #tpu.memory_space<hbm>> -> memref<1x80x125xi32, #tpu.memory_space<hbm>>
      %dma_wait3A_92 = tpu.memref_squeeze %dma_wait3A_91 : memref<1x80x125xi32, #tpu.memory_space<hbm>> -> memref<80x125xi32, #tpu.memory_space<hbm>>
      tpu.wait_dma2 semaphore(%run_scoped3A_80 : memref<!tpu.dma_semaphore, #tpu.memory_space<semaphore_mem>>) src(%dma_wait3A_92 : memref<80x125xi32, #tpu.memory_space<hbm>>) dst(%arg7 : memref<80x125xi32, #tpu.memory_space<vmem>>)
      tpu.yield
    }) : () -> ()
    %barrier3A = arith.constant 0 : index
    tpu.barrier barrier_id(%barrier3A)
    %dma_start3A = arith.constant 0 : i32
    %dma_start3A_15 = arith.constant 0 : i32
    %dma_start3A_16 = arith.constant 0 : i32
    %dma_start3A_17 = arith.constant 0 : i32
    %dma_start3A_18 = tpu.memref_slice %arg8[%dma_start3A_15, %dma_start3A_16, %dma_start3A_17] : memref<4x125x16xf32, #tpu.memory_space<vmem>> -> memref<1x125x16xf32, #tpu.memory_space<vmem>>
    %dma_start3A_19 = tpu.memref_squeeze %dma_start3A_18 : memref<1x125x16xf32, #tpu.memory_space<vmem>> -> memref<125x16xf32, #tpu.memory_space<vmem>>
    %dma_start3A_20 = arith.constant 0 : i32
    %dma_start3A_21 = tpu.memref_slice %arg6[%dma_start3A, %dma_start3A_20] : memref<80x125xi32, #tpu.memory_space<vmem>> -> memref<1x125xi32, #tpu.memory_space<vmem>>
    %dma_start3A_22 = tpu.memref_squeeze %dma_start3A_21 : memref<1x125xi32, #tpu.memory_space<vmem>> -> memref<125xi32, #tpu.memory_space<vmem>>
    %dma_start3A_23 = arith.constant 0 : i32
    %dma_start3A_24 = arith.constant 0 : i32
    %dma_start3A_25 = tpu.memref_slice %arg11[%dma_start3A_23, %dma_start3A_24] : memref<10240x16xf32, #tpu.memory_space<vmem_shared>> -> memref<10240x16xf32, #tpu.memory_space<vmem_shared>>
    tpu.enqueue_indirect_dma source(%dma_start3A_25 : memref<10240x16xf32, #tpu.memory_space<vmem_shared>>) target(%dma_start3A_19 : memref<125x16xf32, #tpu.memory_space<vmem>>) offsets(%dma_start3A_22 : memref<125xi32, #tpu.memory_space<vmem>>) semaphore(%arg12 : memref<!tpu.dma_semaphore, #tpu.memory_space<semaphore_mem>>)
    %dma_start3A_26 = arith.constant 1 : i32
    %dma_start3A_27 = arith.constant 1 : i32
    %dma_start3A_28 = arith.constant 0 : i32
    %dma_start3A_29 = arith.constant 0 : i32
    %dma_start3A_30 = tpu.memref_slice %arg8[%dma_start3A_27, %dma_start3A_28, %dma_start3A_29] : memref<4x125x16xf32, #tpu.memory_space<vmem>> -> memref<1x125x16xf32, #tpu.memory_space<vmem>>
    %dma_start3A_31 = tpu.memref_squeeze %dma_start3A_30 : memref<1x125x16xf32, #tpu.memory_space<vmem>> -> memref<125x16xf32, #tpu.memory_space<vmem>>
    %dma_start3A_32 = arith.constant 0 : i32
    %dma_start3A_33 = tpu.memref_slice %arg6[%dma_start3A_26, %dma_start3A_32] : memref<80x125xi32, #tpu.memory_space<vmem>> -> memref<1x125xi32, #tpu.memory_space<vmem>>
    %dma_start3A_34 = tpu.memref_squeeze %dma_start3A_33 : memref<1x125xi32, #tpu.memory_space<vmem>> -> memref<125xi32, #tpu.memory_space<vmem>>
    %dma_start3A_35 = arith.constant 0 : i32
    %dma_start3A_36 = arith.constant 0 : i32
    %dma_start3A_37 = tpu.memref_slice %arg11[%dma_start3A_35, %dma_start3A_36] : memref<10240x16xf32, #tpu.memory_space<vmem_shared>> -> memref<10240x16xf32, #tpu.memory_space<vmem_shared>>
    tpu.enqueue_indirect_dma source(%dma_start3A_37 : memref<10240x16xf32, #tpu.memory_space<vmem_shared>>) target(%dma_start3A_31 : memref<125x16xf32, #tpu.memory_space<vmem>>) offsets(%dma_start3A_34 : memref<125xi32, #tpu.memory_space<vmem>>) semaphore(%arg12 : memref<!tpu.dma_semaphore, #tpu.memory_space<semaphore_mem>>)
    %scan3A_38 = arith.constant 0 : i32
    %scan3A_39 = arith.constant 0 : i32
    %scan3A_40 = arith.constant 80 : i32
    %scan3A_41 = arith.addi %scan3A_39, %scan3A_40 : i32
    %scan3A_42 = arith.constant 1 : i32
    scf.for %scan3A_80 = %scan3A_39 to %scan3A_41 step %scan3A_42  : i32 {
      %rem3A_81 = arith.constant 4 : i32
      %rem3A_82 = arith.remsi %scan3A_80, %rem3A_81 : i32
      %dma_wait3A_83 = arith.constant 0 : i32
      %dma_wait3A_84 = arith.constant 0 : i32
      %dma_wait3A_85 = tpu.memref_slice %arg8[%rem3A_82, %dma_wait3A_83, %dma_wait3A_84] : memref<4x125x16xf32, #tpu.memory_space<vmem>> -> memref<1x125x16xf32, #tpu.memory_space<vmem>>
      %dma_wait3A_86 = tpu.memref_squeeze %dma_wait3A_85 : memref<1x125x16xf32, #tpu.memory_space<vmem>> -> memref<125x16xf32, #tpu.memory_space<vmem>>
      %dma_wait3A_87 = arith.constant 0 : i32
      %dma_wait3A_88 = tpu.memref_slice %arg6[%scan3A_80, %dma_wait3A_87] : memref<80x125xi32, #tpu.memory_space<vmem>> -> memref<1x125xi32, #tpu.memory_space<vmem>>
      %dma_wait3A_89 = tpu.memref_squeeze %dma_wait3A_88 : memref<1x125xi32, #tpu.memory_space<vmem>> -> memref<125xi32, #tpu.memory_space<vmem>>
      %dma_wait3A_90 = arith.constant 0 : i32
      %dma_wait3A_91 = arith.constant 0 : i32
      %dma_wait3A_92 = tpu.memref_slice %arg11[%dma_wait3A_90, %dma_wait3A_91] : memref<10240x16xf32, #tpu.memory_space<vmem_shared>> -> memref<10240x16xf32, #tpu.memory_space<vmem_shared>>
      tpu.wait_indirect_dma semaphore(%arg12 : memref<!tpu.dma_semaphore, #tpu.memory_space<semaphore_mem>>) src(%dma_wait3A_92 : memref<10240x16xf32, #tpu.memory_space<vmem_shared>>) dst(%dma_wait3A_86 : memref<125x16xf32, #tpu.memory_space<vmem>>)
      %dma_start3A_93 = arith.constant 0 : i32
      %dma_start3A_94 = arith.constant 0 : i32
      %dma_start3A_95 = tpu.memref_slice %arg8[%rem3A_82, %dma_start3A_93, %dma_start3A_94] : memref<4x125x16xf32, #tpu.memory_space<vmem>> -> memref<1x125x16xf32, #tpu.memory_space<vmem>>
      %dma_start3A_96 = tpu.memref_squeeze %dma_start3A_95 : memref<1x125x16xf32, #tpu.memory_space<vmem>> -> memref<125x16xf32, #tpu.memory_space<vmem>>
      %dma_start3A_97 = arith.constant 0 : i32
      %dma_start3A_98 = tpu.memref_slice %arg7[%scan3A_80, %dma_start3A_97] : memref<80x125xi32, #tpu.memory_space<vmem>> -> memref<1x125xi32, #tpu.memory_space<vmem>>
      %dma_start3A_99 = tpu.memref_squeeze %dma_start3A_98 : memref<1x125xi32, #tpu.memory_space<vmem>> -> memref<125xi32, #tpu.memory_space<vmem>>
      %dma_start3A_100 = arith.constant 0 : i32
      %dma_start3A_101 = arith.constant 0 : i32
      %dma_start3A_102 = tpu.memref_slice %arg10[%dma_start3A_100, %dma_start3A_101] : memref<10240x16xf32, #tpu.memory_space<vmem_shared>> -> memref<10240x16xf32, #tpu.memory_space<vmem_shared>>
      tpu.enqueue_indirect_dma source(%dma_start3A_96 : memref<125x16xf32, #tpu.memory_space<vmem>>) target(%dma_start3A_102 : memref<10240x16xf32, #tpu.memory_space<vmem_shared>>) offsets(%dma_start3A_99 : memref<125xi32, #tpu.memory_space<vmem>>) semaphore(%arg13 : memref<!tpu.dma_semaphore, #tpu.memory_space<semaphore_mem>>) {add = true}
      %ge3A = arith.constant 2 : i32
      %ge3A_103 = arith.cmpi sge, %scan3A_80, %ge3A : i32
      %convert_element_type3A_104 = arith.extui %ge3A_103 : i1 to i32
      %cond3A_105 = arith.constant 0 : i32
      %cond3A_106 = arith.cmpi ne, %convert_element_type3A_104, %cond3A_105 : i32
      scf.if %cond3A_106 {
        %add3A_113 = arith.constant 2 : i32
        %add3A_114 = arith.addi %scan3A_80, %add3A_113 : i32
        %rem3A_115 = arith.constant 4 : i32
        %rem3A_116 = arith.remsi %add3A_114, %rem3A_115 : i32
        %sub3A = arith.constant 2 : i32
        %sub3A_117 = arith.subi %scan3A_80, %sub3A : i32
        %dma_wait3A_118 = arith.constant 0 : i32
        %dma_wait3A_119 = arith.constant 0 : i32
        %dma_wait3A_120 = tpu.memref_slice %arg8[%rem3A_116, %dma_wait3A_118, %dma_wait3A_119] : memref<4x125x16xf32, #tpu.memory_space<vmem>> -> memref<1x125x16xf32, #tpu.memory_space<vmem>>
        %dma_wait3A_121 = tpu.memref_squeeze %dma_wait3A_120 : memref<1x125x16xf32, #tpu.memory_space<vmem>> -> memref<125x16xf32, #tpu.memory_space<vmem>>
        %dma_wait3A_122 = arith.constant 0 : i32
        %dma_wait3A_123 = tpu.memref_slice %arg7[%sub3A_117, %dma_wait3A_122] : memref<80x125xi32, #tpu.memory_space<vmem>> -> memref<1x125xi32, #tpu.memory_space<vmem>>
        %dma_wait3A_124 = tpu.memref_squeeze %dma_wait3A_123 : memref<1x125xi32, #tpu.memory_space<vmem>> -> memref<125xi32, #tpu.memory_space<vmem>>
        %dma_wait3A_125 = arith.constant 0 : i32
        %dma_wait3A_126 = arith.constant 0 : i32
        %dma_wait3A_127 = tpu.memref_slice %arg10[%dma_wait3A_125, %dma_wait3A_126] : memref<10240x16xf32, #tpu.memory_space<vmem_shared>> -> memref<10240x16xf32, #tpu.memory_space<vmem_shared>>
        tpu.wait_indirect_dma semaphore(%arg13 : memref<!tpu.dma_semaphore, #tpu.memory_space<semaphore_mem>>) src(%dma_wait3A_121 : memref<125x16xf32, #tpu.memory_space<vmem>>) dst(%dma_wait3A_127 : memref<10240x16xf32, #tpu.memory_space<vmem_shared>>)
      } else {
      }
      %add3A_107 = arith.constant 2 : i32
      %add3A_108 = arith.addi %scan3A_80, %add3A_107 : i32
      %lt3A = arith.constant 80 : i32
      %lt3A_109 = arith.cmpi slt, %add3A_108, %lt3A : i32
      %convert_element_type3A_110 = arith.extui %lt3A_109 : i1 to i32
      %cond3A_111 = arith.constant 0 : i32
      %cond3A_112 = arith.cmpi ne, %convert_element_type3A_110, %cond3A_111 : i32
      scf.if %cond3A_112 {
        %add3A_113 = arith.constant 2 : i32
        %add3A_114 = arith.addi %scan3A_80, %add3A_113 : i32
        %add3A_115 = arith.constant 2 : i32
        %add3A_116 = arith.addi %scan3A_80, %add3A_115 : i32
        %rem3A_117 = arith.constant 4 : i32
        %rem3A_118 = arith.remsi %add3A_116, %rem3A_117 : i32
        %dma_start3A_119 = arith.constant 0 : i32
        %dma_start3A_120 = arith.constant 0 : i32
        %dma_start3A_121 = tpu.memref_slice %arg8[%rem3A_118, %dma_start3A_119, %dma_start3A_120] : memref<4x125x16xf32, #tpu.memory_space<vmem>> -> memref<1x125x16xf32, #tpu.memory_space<vmem>>
        %dma_start3A_122 = tpu.memref_squeeze %dma_start3A_121 : memref<1x125x16xf32, #tpu.memory_space<vmem>> -> memref<125x16xf32, #tpu.memory_space<vmem>>
        %dma_start3A_123 = arith.constant 0 : i32
        %dma_start3A_124 = tpu.memref_slice %arg6[%add3A_114, %dma_start3A_123] : memref<80x125xi32, #tpu.memory_space<vmem>> -> memref<1x125xi32, #tpu.memory_space<vmem>>
        %dma_start3A_125 = tpu.memref_squeeze %dma_start3A_124 : memref<1x125xi32, #tpu.memory_space<vmem>> -> memref<125xi32, #tpu.memory_space<vmem>>
        %dma_start3A_126 = arith.constant 0 : i32
        %dma_start3A_127 = arith.constant 0 : i32
        %dma_start3A_128 = tpu.memref_slice %arg11[%dma_start3A_126, %dma_start3A_127] : memref<10240x16xf32, #tpu.memory_space<vmem_shared>> -> memref<10240x16xf32, #tpu.memory_space<vmem_shared>>
        tpu.enqueue_indirect_dma source(%dma_start3A_128 : memref<10240x16xf32, #tpu.memory_space<vmem_shared>>) target(%dma_start3A_122 : memref<125x16xf32, #tpu.memory_space<vmem>>) offsets(%dma_start3A_125 : memref<125xi32, #tpu.memory_space<vmem>>) semaphore(%arg12 : memref<!tpu.dma_semaphore, #tpu.memory_space<semaphore_mem>>)
      } else {
      }
    }
    %scan3A_43 = arith.constant 80 : i32
    %rem3A = arith.constant 78 : i32
    %rem3A_44 = arith.constant 4 : i32
    %rem3A_45 = arith.remsi %rem3A, %rem3A_44 : i32
    %dma_wait3A = arith.constant 78 : i32
    %dma_wait3A_46 = arith.constant 0 : i32
    %dma_wait3A_47 = arith.constant 0 : i32
    %dma_wait3A_48 = tpu.memref_slice %arg8[%rem3A_45, %dma_wait3A_46, %dma_wait3A_47] : memref<4x125x16xf32, #tpu.memory_space<vmem>> -> memref<1x125x16xf32, #tpu.memory_space<vmem>>
    %dma_wait3A_49 = tpu.memref_squeeze %dma_wait3A_48 : memref<1x125x16xf32, #tpu.memory_space<vmem>> -> memref<125x16xf32, #tpu.memory_space<vmem>>
    %dma_wait3A_50 = arith.constant 0 : i32
    %dma_wait3A_51 = tpu.memref_slice %arg7[%dma_wait3A, %dma_wait3A_50] : memref<80x125xi32, #tpu.memory_space<vmem>> -> memref<1x125xi32, #tpu.memory_space<vmem>>
    %dma_wait3A_52 = tpu.memref_squeeze %dma_wait3A_51 : memref<1x125xi32, #tpu.memory_space<vmem>> -> memref<125xi32, #tpu.memory_space<vmem>>
    %dma_wait3A_53 = arith.constant 0 : i32
    %dma_wait3A_54 = arith.constant 0 : i32
    %dma_wait3A_55 = tpu.memref_slice %arg10[%dma_wait3A_53, %dma_wait3A_54] : memref<10240x16xf32, #tpu.memory_space<vmem_shared>> -> memref<10240x16xf32, #tpu.memory_space<vmem_shared>>
    tpu.wait_indirect_dma semaphore(%arg13 : memref<!tpu.dma_semaphore, #tpu.memory_space<semaphore_mem>>) src(%dma_wait3A_49 : memref<125x16xf32, #tpu.memory_space<vmem>>) dst(%dma_wait3A_55 : memref<10240x16xf32, #tpu.memory_space<vmem_shared>>)
    %rem3A_56 = arith.constant 79 : i32
    %rem3A_57 = arith.constant 4 : i32
    %rem3A_58 = arith.remsi %rem3A_56, %rem3A_57 : i32
    %dma_wait3A_59 = arith.constant 79 : i32
    %dma_wait3A_60 = arith.constant 0 : i32
    %dma_wait3A_61 = arith.constant 0 : i32
    %dma_wait3A_62 = tpu.memref_slice %arg8[%rem3A_58, %dma_wait3A_60, %dma_wait3A_61] : memref<4x125x16xf32, #tpu.memory_space<vmem>> -> memref<1x125x16xf32, #tpu.memory_space<vmem>>
    %dma_wait3A_63 = tpu.memref_squeeze %dma_wait3A_62 : memref<1x125x16xf32, #tpu.memory_space<vmem>> -> memref<125x16xf32, #tpu.memory_space<vmem>>
    %dma_wait3A_64 = arith.constant 0 : i32
    %dma_wait3A_65 = tpu.memref_slice %arg7[%dma_wait3A_59, %dma_wait3A_64] : memref<80x125xi32, #tpu.memory_space<vmem>> -> memref<1x125xi32, #tpu.memory_space<vmem>>
    %dma_wait3A_66 = tpu.memref_squeeze %dma_wait3A_65 : memref<1x125xi32, #tpu.memory_space<vmem>> -> memref<125xi32, #tpu.memory_space<vmem>>
    %dma_wait3A_67 = arith.constant 0 : i32
    %dma_wait3A_68 = arith.constant 0 : i32
    %dma_wait3A_69 = tpu.memref_slice %arg10[%dma_wait3A_67, %dma_wait3A_68] : memref<10240x16xf32, #tpu.memory_space<vmem_shared>> -> memref<10240x16xf32, #tpu.memory_space<vmem_shared>>
    tpu.wait_indirect_dma semaphore(%arg13 : memref<!tpu.dma_semaphore, #tpu.memory_space<semaphore_mem>>) src(%dma_wait3A_63 : memref<125x16xf32, #tpu.memory_space<vmem>>) dst(%dma_wait3A_69 : memref<10240x16xf32, #tpu.memory_space<vmem_shared>>)
    %barrier3A_70 = arith.constant 0 : index
    tpu.barrier barrier_id(%barrier3A_70)
    %mul3A_71 = arith.constant 640 : i32
    %mul3A_72 = arith.muli %arg1, %mul3A_71 : i32
    %eq3A = arith.constant 0 : i32
    %eq3A_73 = arith.cmpi eq, %arg0, %eq3A : i32
    %convert_element_type3A = arith.extui %eq3A_73 : i1 to i32
    %cond3A = arith.constant 0 : i32
    %cond3A_74 = arith.cmpi ne, %convert_element_type3A, %cond3A : i32
    scf.if %cond3A_74 {
      "tpu.region"() ({
        %run_scoped3A_80 = tpu.sem_alloc : memref<!tpu.dma_semaphore, #tpu.memory_space<semaphore_mem>>
        %dma_start3A_81 = arith.constant 0 : i32
        %dma_start3A_82 = tpu.memref_slice %arg4[%mul3A_72, %dma_start3A_81] : memref<10240x16xf32, #tpu.memory_space<hbm>> -> memref<640x16xf32, #tpu.memory_space<hbm>>
        %dma_start3A_83 = arith.constant 0 : i32
        %dma_start3A_84 = tpu.memref_slice %arg10[%mul3A_72, %dma_start3A_83] : memref<10240x16xf32, #tpu.memory_space<vmem_shared>> -> memref<640x16xf32, #tpu.memory_space<vmem_shared>>
        tpu.enqueue_dma source(%dma_start3A_84 : memref<640x16xf32, #tpu.memory_space<vmem_shared>>) target(%dma_start3A_82 : memref<640x16xf32, #tpu.memory_space<hbm>>) target_semaphore(%run_scoped3A_80 : memref<!tpu.dma_semaphore, #tpu.memory_space<semaphore_mem>>)
        %dma_wait3A_85 = arith.constant 0 : i32
        %dma_wait3A_86 = tpu.memref_slice %arg4[%mul3A_72, %dma_wait3A_85] : memref<10240x16xf32, #tpu.memory_space<hbm>> -> memref<640x16xf32, #tpu.memory_space<hbm>>
        %dma_wait3A_87 = arith.constant 0 : i32
        %dma_wait3A_88 = tpu.memref_slice %arg10[%mul3A_72, %dma_wait3A_87] : memref<10240x16xf32, #tpu.memory_space<vmem_shared>> -> memref<640x16xf32, #tpu.memory_space<vmem_shared>>
        tpu.wait_dma2 semaphore(%run_scoped3A_80 : memref<!tpu.dma_semaphore, #tpu.memory_space<semaphore_mem>>) src(%dma_wait3A_88 : memref<640x16xf32, #tpu.memory_space<vmem_shared>>) dst(%dma_wait3A_86 : memref<640x16xf32, #tpu.memory_space<hbm>>)
        tpu.yield
      }) : () -> ()
    } else {
    }
    %eq3A_75 = arith.constant 1 : i32
    %eq3A_76 = arith.cmpi eq, %arg0, %eq3A_75 : i32
    %convert_element_type3A_77 = arith.extui %eq3A_76 : i1 to i32
    %cond3A_78 = arith.constant 0 : i32
    %cond3A_79 = arith.cmpi ne, %convert_element_type3A_77, %cond3A_78 : i32
    scf.if %cond3A_79 {
      "tpu.region"() ({
        %run_scoped3A_80 = tpu.sem_alloc : memref<!tpu.dma_semaphore, #tpu.memory_space<semaphore_mem>>
        %dma_start3A_81 = arith.constant 0 : i32
        %dma_start3A_82 = tpu.memref_slice %arg5[%mul3A_72, %dma_start3A_81] : memref<10240x16xf32, #tpu.memory_space<hbm>> -> memref<640x16xf32, #tpu.memory_space<hbm>>
        %dma_start3A_83 = arith.constant 0 : i32
        %dma_start3A_84 = tpu.memref_slice %arg10[%mul3A_72, %dma_start3A_83] : memref<10240x16xf32, #tpu.memory_space<vmem_shared>> -> memref<640x16xf32, #tpu.memory_space<vmem_shared>>
        tpu.enqueue_dma source(%dma_start3A_84 : memref<640x16xf32, #tpu.memory_space<vmem_shared>>) target(%dma_start3A_82 : memref<640x16xf32, #tpu.memory_space<hbm>>) target_semaphore(%run_scoped3A_80 : memref<!tpu.dma_semaphore, #tpu.memory_space<semaphore_mem>>)
        %dma_wait3A_85 = arith.constant 0 : i32
        %dma_wait3A_86 = tpu.memref_slice %arg5[%mul3A_72, %dma_wait3A_85] : memref<10240x16xf32, #tpu.memory_space<hbm>> -> memref<640x16xf32, #tpu.memory_space<hbm>>
        %dma_wait3A_87 = arith.constant 0 : i32
        %dma_wait3A_88 = tpu.memref_slice %arg10[%mul3A_72, %dma_wait3A_87] : memref<10240x16xf32, #tpu.memory_space<vmem_shared>> -> memref<640x16xf32, #tpu.memory_space<vmem_shared>>
        tpu.wait_dma2 semaphore(%run_scoped3A_80 : memref<!tpu.dma_semaphore, #tpu.memory_space<semaphore_mem>>) src(%dma_wait3A_88 : memref<640x16xf32, #tpu.memory_space<vmem_shared>>) dst(%dma_wait3A_86 : memref<640x16xf32, #tpu.memory_space<hbm>>)
        tpu.yield
      }) : () -> ()
    } else {
    }
    return
  }
}

module attributes {stable_mosaic.version = 14 : i64} {
  func.func @_prepa_body(%arg0: i32, %arg1: memref<160x1024xf32, #tpu.memory_space<vmem>>, %arg2: memref<128x16xf32, #tpu.memory_space<vmem>>, %arg3: memref<128x16xf32, #tpu.memory_space<vmem>>, %arg4: memref<128x16xf32, #tpu.memory_space<vmem>>, %arg5: memref<160x384xf32, #tpu.memory_space<vmem>>, %arg6: memref<1024x384xf32, #tpu.memory_space<vmem>>) attributes {dimension_semantics = [#tpu.dimension_semantics<arbitrary>], iteration_bounds = array<i64: 8>, scalar_prefetch = 0 : i64, scratch_operands = 1 : i64, tpu.core_type = #tpu.core_type<tc>, window_params = [{transform_indices = @transform_0, window_bounds = array<i64: 160, 1024>}, {pipeline_mode = #tpu.pipeline_mode<synchronous>, transform_indices = @transform_1, window_bounds = array<i64: 128, 16>}, {pipeline_mode = #tpu.pipeline_mode<synchronous>, transform_indices = @transform_2, window_bounds = array<i64: 128, 16>}, {pipeline_mode = #tpu.pipeline_mode<synchronous>, transform_indices = @transform_3, window_bounds = array<i64: 128, 16>}, {transform_indices = @transform_4, window_bounds = array<i64: 160, 384>}]} {
    %eq3A = arith.constant 0 : i32
    %eq3A_0 = arith.cmpi eq, %arg0, %eq3A : i32
    %convert_element_type3A = arith.extui %eq3A_0 : i1 to i32
    %cond3A = arith.constant 0 : i32
    %cond3A_1 = arith.cmpi ne, %convert_element_type3A, %cond3A : i32
    scf.if %cond3A_1 {
      %broadcast_in_dim3A = arith.constant 0.000000e+00 : f32
      %broadcast_in_dim3A_10 = vector.broadcast %broadcast_in_dim3A : f32 to vector<1024x384xf32>
      %swap3A_11 = arith.constant 0 : index
      %swap3A_12 = arith.constant 0 : index
      %swap3A_13 = vector.load %arg6[%swap3A_11, %swap3A_12] : memref<1024x384xf32, #tpu.memory_space<vmem>>, vector<1024x384xf32>
      tpu.vector_store %arg6[%swap3A_11, %swap3A_12], %broadcast_in_dim3A_10 {strides = array<i32>} : memref<1024x384xf32, #tpu.memory_space<vmem>>, vector<1024x384xf32>,
      %get3A_14 = arith.constant 0 : index
      %get3A_15 = arith.constant 0 : index
      %get3A_16 = vector.load %arg2[%get3A_14, %get3A_15] : memref<128x16xf32, #tpu.memory_space<vmem>>, vector<128x16xf32>
      %swap3A_17 = arith.constant 0 : index
      %swap3A_18 = arith.constant 0 : index
      %swap3A_19 = vector.load %arg6[%swap3A_17, %swap3A_18] : memref<1024x384xf32, #tpu.memory_space<vmem>>, vector<128x16xf32>
      tpu.vector_store %arg6[%swap3A_17, %swap3A_18], %get3A_16 {strides = array<i32>} : memref<1024x384xf32, #tpu.memory_space<vmem>>, vector<128x16xf32>,
      %get3A_20 = arith.constant 0 : index
      %get3A_21 = arith.constant 0 : index
      %get3A_22 = vector.load %arg3[%get3A_20, %get3A_21] : memref<128x16xf32, #tpu.memory_space<vmem>>, vector<128x16xf32>
      %swap3A_23 = arith.constant 0 : index
      %swap3A_24 = arith.constant 128 : index
      %swap3A_25 = vector.load %arg6[%swap3A_23, %swap3A_24] : memref<1024x384xf32, #tpu.memory_space<vmem>>, vector<128x16xf32>
      tpu.vector_store %arg6[%swap3A_23, %swap3A_24], %get3A_22 {strides = array<i32>} : memref<1024x384xf32, #tpu.memory_space<vmem>>, vector<128x16xf32>,
      %get3A_26 = arith.constant 0 : index
      %get3A_27 = arith.constant 0 : index
      %get3A_28 = vector.load %arg4[%get3A_26, %get3A_27] : memref<128x16xf32, #tpu.memory_space<vmem>>, vector<128x16xf32>
      %swap3A_29 = arith.constant 0 : index
      %swap3A_30 = arith.constant 256 : index
      %swap3A_31 = vector.load %arg6[%swap3A_29, %swap3A_30] : memref<1024x384xf32, #tpu.memory_space<vmem>>, vector<128x16xf32>
      tpu.vector_store %arg6[%swap3A_29, %swap3A_30], %get3A_28 {strides = array<i32>} : memref<1024x384xf32, #tpu.memory_space<vmem>>, vector<128x16xf32>,
      %get3A_32 = arith.constant 0 : index
      %get3A_33 = arith.constant 0 : index
      %get3A_34 = vector.load %arg2[%get3A_32, %get3A_33] : memref<128x16xf32, #tpu.memory_space<vmem>>, vector<128x16xf32>
      %swap3A_35 = arith.constant 128 : index
      %swap3A_36 = arith.constant 16 : index
      %swap3A_37 = vector.load %arg6[%swap3A_35, %swap3A_36] : memref<1024x384xf32, #tpu.memory_space<vmem>>, vector<128x16xf32>
      tpu.vector_store %arg6[%swap3A_35, %swap3A_36], %get3A_34 {strides = array<i32>} : memref<1024x384xf32, #tpu.memory_space<vmem>>, vector<128x16xf32>,
      %get3A_38 = arith.constant 0 : index
      %get3A_39 = arith.constant 0 : index
      %get3A_40 = vector.load %arg3[%get3A_38, %get3A_39] : memref<128x16xf32, #tpu.memory_space<vmem>>, vector<128x16xf32>
      %swap3A_41 = arith.constant 128 : index
      %swap3A_42 = arith.constant 144 : index
      %swap3A_43 = vector.load %arg6[%swap3A_41, %swap3A_42] : memref<1024x384xf32, #tpu.memory_space<vmem>>, vector<128x16xf32>
      tpu.vector_store %arg6[%swap3A_41, %swap3A_42], %get3A_40 {strides = array<i32>} : memref<1024x384xf32, #tpu.memory_space<vmem>>, vector<128x16xf32>,
      %get3A_44 = arith.constant 0 : index
      %get3A_45 = arith.constant 0 : index
      %get3A_46 = vector.load %arg4[%get3A_44, %get3A_45] : memref<128x16xf32, #tpu.memory_space<vmem>>, vector<128x16xf32>
      %swap3A_47 = arith.constant 128 : index
      %swap3A_48 = arith.constant 272 : index
      %swap3A_49 = vector.load %arg6[%swap3A_47, %swap3A_48] : memref<1024x384xf32, #tpu.memory_space<vmem>>, vector<128x16xf32>
      tpu.vector_store %arg6[%swap3A_47, %swap3A_48], %get3A_46 {strides = array<i32>} : memref<1024x384xf32, #tpu.memory_space<vmem>>, vector<128x16xf32>,
      %get3A_50 = arith.constant 0 : index
      %get3A_51 = arith.constant 0 : index
      %get3A_52 = vector.load %arg2[%get3A_50, %get3A_51] : memref<128x16xf32, #tpu.memory_space<vmem>>, vector<128x16xf32>
      %swap3A_53 = arith.constant 256 : index
      %swap3A_54 = arith.constant 32 : index
      %swap3A_55 = vector.load %arg6[%swap3A_53, %swap3A_54] : memref<1024x384xf32, #tpu.memory_space<vmem>>, vector<128x16xf32>
      tpu.vector_store %arg6[%swap3A_53, %swap3A_54], %get3A_52 {strides = array<i32>} : memref<1024x384xf32, #tpu.memory_space<vmem>>, vector<128x16xf32>,
      %get3A_56 = arith.constant 0 : index
      %get3A_57 = arith.constant 0 : index
      %get3A_58 = vector.load %arg3[%get3A_56, %get3A_57] : memref<128x16xf32, #tpu.memory_space<vmem>>, vector<128x16xf32>
      %swap3A_59 = arith.constant 256 : index
      %swap3A_60 = arith.constant 160 : index
      %swap3A_61 = vector.load %arg6[%swap3A_59, %swap3A_60] : memref<1024x384xf32, #tpu.memory_space<vmem>>, vector<128x16xf32>
      tpu.vector_store %arg6[%swap3A_59, %swap3A_60], %get3A_58 {strides = array<i32>} : memref<1024x384xf32, #tpu.memory_space<vmem>>, vector<128x16xf32>,
      %get3A_62 = arith.constant 0 : index
      %get3A_63 = arith.constant 0 : index
      %get3A_64 = vector.load %arg4[%get3A_62, %get3A_63] : memref<128x16xf32, #tpu.memory_space<vmem>>, vector<128x16xf32>
      %swap3A_65 = arith.constant 256 : index
      %swap3A_66 = arith.constant 288 : index
      %swap3A_67 = vector.load %arg6[%swap3A_65, %swap3A_66] : memref<1024x384xf32, #tpu.memory_space<vmem>>, vector<128x16xf32>
      tpu.vector_store %arg6[%swap3A_65, %swap3A_66], %get3A_64 {strides = array<i32>} : memref<1024x384xf32, #tpu.memory_space<vmem>>, vector<128x16xf32>,
      %get3A_68 = arith.constant 0 : index
      %get3A_69 = arith.constant 0 : index
      %get3A_70 = vector.load %arg2[%get3A_68, %get3A_69] : memref<128x16xf32, #tpu.memory_space<vmem>>, vector<128x16xf32>
      %swap3A_71 = arith.constant 384 : index
      %swap3A_72 = arith.constant 48 : index
      %swap3A_73 = vector.load %arg6[%swap3A_71, %swap3A_72] : memref<1024x384xf32, #tpu.memory_space<vmem>>, vector<128x16xf32>
      tpu.vector_store %arg6[%swap3A_71, %swap3A_72], %get3A_70 {strides = array<i32>} : memref<1024x384xf32, #tpu.memory_space<vmem>>, vector<128x16xf32>,
      %get3A_74 = arith.constant 0 : index
      %get3A_75 = arith.constant 0 : index
      %get3A_76 = vector.load %arg3[%get3A_74, %get3A_75] : memref<128x16xf32, #tpu.memory_space<vmem>>, vector<128x16xf32>
      %swap3A_77 = arith.constant 384 : index
      %swap3A_78 = arith.constant 176 : index
      %swap3A_79 = vector.load %arg6[%swap3A_77, %swap3A_78] : memref<1024x384xf32, #tpu.memory_space<vmem>>, vector<128x16xf32>
      tpu.vector_store %arg6[%swap3A_77, %swap3A_78], %get3A_76 {strides = array<i32>} : memref<1024x384xf32, #tpu.memory_space<vmem>>, vector<128x16xf32>,
      %get3A_80 = arith.constant 0 : index
      %get3A_81 = arith.constant 0 : index
      %get3A_82 = vector.load %arg4[%get3A_80, %get3A_81] : memref<128x16xf32, #tpu.memory_space<vmem>>, vector<128x16xf32>
      %swap3A_83 = arith.constant 384 : index
      %swap3A_84 = arith.constant 304 : index
      %swap3A_85 = vector.load %arg6[%swap3A_83, %swap3A_84] : memref<1024x384xf32, #tpu.memory_space<vmem>>, vector<128x16xf32>
      tpu.vector_store %arg6[%swap3A_83, %swap3A_84], %get3A_82 {strides = array<i32>} : memref<1024x384xf32, #tpu.memory_space<vmem>>, vector<128x16xf32>,
      %get3A_86 = arith.constant 0 : index
      %get3A_87 = arith.constant 0 : index
      %get3A_88 = vector.load %arg2[%get3A_86, %get3A_87] : memref<128x16xf32, #tpu.memory_space<vmem>>, vector<128x16xf32>
      %swap3A_89 = arith.constant 512 : index
      %swap3A_90 = arith.constant 64 : index
      %swap3A_91 = vector.load %arg6[%swap3A_89, %swap3A_90] : memref<1024x384xf32, #tpu.memory_space<vmem>>, vector<128x16xf32>
      tpu.vector_store %arg6[%swap3A_89, %swap3A_90], %get3A_88 {strides = array<i32>} : memref<1024x384xf32, #tpu.memory_space<vmem>>, vector<128x16xf32>,
      %get3A_92 = arith.constant 0 : index
      %get3A_93 = arith.constant 0 : index
      %get3A_94 = vector.load %arg3[%get3A_92, %get3A_93] : memref<128x16xf32, #tpu.memory_space<vmem>>, vector<128x16xf32>
      %swap3A_95 = arith.constant 512 : index
      %swap3A_96 = arith.constant 192 : index
      %swap3A_97 = vector.load %arg6[%swap3A_95, %swap3A_96] : memref<1024x384xf32, #tpu.memory_space<vmem>>, vector<128x16xf32>
      tpu.vector_store %arg6[%swap3A_95, %swap3A_96], %get3A_94 {strides = array<i32>} : memref<1024x384xf32, #tpu.memory_space<vmem>>, vector<128x16xf32>,
      %get3A_98 = arith.constant 0 : index
      %get3A_99 = arith.constant 0 : index
      %get3A_100 = vector.load %arg4[%get3A_98, %get3A_99] : memref<128x16xf32, #tpu.memory_space<vmem>>, vector<128x16xf32>
      %swap3A_101 = arith.constant 512 : index
      %swap3A_102 = arith.constant 320 : index
      %swap3A_103 = vector.load %arg6[%swap3A_101, %swap3A_102] : memref<1024x384xf32, #tpu.memory_space<vmem>>, vector<128x16xf32>
      tpu.vector_store %arg6[%swap3A_101, %swap3A_102], %get3A_100 {strides = array<i32>} : memref<1024x384xf32, #tpu.memory_space<vmem>>, vector<128x16xf32>,
      %get3A_104 = arith.constant 0 : index
      %get3A_105 = arith.constant 0 : index
      %get3A_106 = vector.load %arg2[%get3A_104, %get3A_105] : memref<128x16xf32, #tpu.memory_space<vmem>>, vector<128x16xf32>
      %swap3A_107 = arith.constant 640 : index
      %swap3A_108 = arith.constant 80 : index
      %swap3A_109 = vector.load %arg6[%swap3A_107, %swap3A_108] : memref<1024x384xf32, #tpu.memory_space<vmem>>, vector<128x16xf32>
      tpu.vector_store %arg6[%swap3A_107, %swap3A_108], %get3A_106 {strides = array<i32>} : memref<1024x384xf32, #tpu.memory_space<vmem>>, vector<128x16xf32>,
      %get3A_110 = arith.constant 0 : index
      %get3A_111 = arith.constant 0 : index
      %get3A_112 = vector.load %arg3[%get3A_110, %get3A_111] : memref<128x16xf32, #tpu.memory_space<vmem>>, vector<128x16xf32>
      %swap3A_113 = arith.constant 640 : index
      %swap3A_114 = arith.constant 208 : index
      %swap3A_115 = vector.load %arg6[%swap3A_113, %swap3A_114] : memref<1024x384xf32, #tpu.memory_space<vmem>>, vector<128x16xf32>
      tpu.vector_store %arg6[%swap3A_113, %swap3A_114], %get3A_112 {strides = array<i32>} : memref<1024x384xf32, #tpu.memory_space<vmem>>, vector<128x16xf32>,
      %get3A_116 = arith.constant 0 : index
      %get3A_117 = arith.constant 0 : index
      %get3A_118 = vector.load %arg4[%get3A_116, %get3A_117] : memref<128x16xf32, #tpu.memory_space<vmem>>, vector<128x16xf32>
      %swap3A_119 = arith.constant 640 : index
      %swap3A_120 = arith.constant 336 : index
      %swap3A_121 = vector.load %arg6[%swap3A_119, %swap3A_120] : memref<1024x384xf32, #tpu.memory_space<vmem>>, vector<128x16xf32>
      tpu.vector_store %arg6[%swap3A_119, %swap3A_120], %get3A_118 {strides = array<i32>} : memref<1024x384xf32, #tpu.memory_space<vmem>>, vector<128x16xf32>,
      %get3A_122 = arith.constant 0 : index
      %get3A_123 = arith.constant 0 : index
      %get3A_124 = vector.load %arg2[%get3A_122, %get3A_123] : memref<128x16xf32, #tpu.memory_space<vmem>>, vector<128x16xf32>
      %swap3A_125 = arith.constant 768 : index
      %swap3A_126 = arith.constant 96 : index
      %swap3A_127 = vector.load %arg6[%swap3A_125, %swap3A_126] : memref<1024x384xf32, #tpu.memory_space<vmem>>, vector<128x16xf32>
      tpu.vector_store %arg6[%swap3A_125, %swap3A_126], %get3A_124 {strides = array<i32>} : memref<1024x384xf32, #tpu.memory_space<vmem>>, vector<128x16xf32>,
      %get3A_128 = arith.constant 0 : index
      %get3A_129 = arith.constant 0 : index
      %get3A_130 = vector.load %arg3[%get3A_128, %get3A_129] : memref<128x16xf32, #tpu.memory_space<vmem>>, vector<128x16xf32>
      %swap3A_131 = arith.constant 768 : index
      %swap3A_132 = arith.constant 224 : index
      %swap3A_133 = vector.load %arg6[%swap3A_131, %swap3A_132] : memref<1024x384xf32, #tpu.memory_space<vmem>>, vector<128x16xf32>
      tpu.vector_store %arg6[%swap3A_131, %swap3A_132], %get3A_130 {strides = array<i32>} : memref<1024x384xf32, #tpu.memory_space<vmem>>, vector<128x16xf32>,
      %get3A_134 = arith.constant 0 : index
      %get3A_135 = arith.constant 0 : index
      %get3A_136 = vector.load %arg4[%get3A_134, %get3A_135] : memref<128x16xf32, #tpu.memory_space<vmem>>, vector<128x16xf32>
      %swap3A_137 = arith.constant 768 : index
      %swap3A_138 = arith.constant 352 : index
      %swap3A_139 = vector.load %arg6[%swap3A_137, %swap3A_138] : memref<1024x384xf32, #tpu.memory_space<vmem>>, vector<128x16xf32>
      tpu.vector_store %arg6[%swap3A_137, %swap3A_138], %get3A_136 {strides = array<i32>} : memref<1024x384xf32, #tpu.memory_space<vmem>>, vector<128x16xf32>,
      %get3A_140 = arith.constant 0 : index
      %get3A_141 = arith.constant 0 : index
      %get3A_142 = vector.load %arg2[%get3A_140, %get3A_141] : memref<128x16xf32, #tpu.memory_space<vmem>>, vector<128x16xf32>
      %swap3A_143 = arith.constant 896 : index
      %swap3A_144 = arith.constant 112 : index
      %swap3A_145 = vector.load %arg6[%swap3A_143, %swap3A_144] : memref<1024x384xf32, #tpu.memory_space<vmem>>, vector<128x16xf32>
      tpu.vector_store %arg6[%swap3A_143, %swap3A_144], %get3A_142 {strides = array<i32>} : memref<1024x384xf32, #tpu.memory_space<vmem>>, vector<128x16xf32>,
      %get3A_146 = arith.constant 0 : index
      %get3A_147 = arith.constant 0 : index
      %get3A_148 = vector.load %arg3[%get3A_146, %get3A_147] : memref<128x16xf32, #tpu.memory_space<vmem>>, vector<128x16xf32>
      %swap3A_149 = arith.constant 896 : index
      %swap3A_150 = arith.constant 240 : index
      %swap3A_151 = vector.load %arg6[%swap3A_149, %swap3A_150] : memref<1024x384xf32, #tpu.memory_space<vmem>>, vector<128x16xf32>
      tpu.vector_store %arg6[%swap3A_149, %swap3A_150], %get3A_148 {strides = array<i32>} : memref<1024x384xf32, #tpu.memory_space<vmem>>, vector<128x16xf32>,
      %get3A_152 = arith.constant 0 : index
      %get3A_153 = arith.constant 0 : index
      %get3A_154 = vector.load %arg4[%get3A_152, %get3A_153] : memref<128x16xf32, #tpu.memory_space<vmem>>, vector<128x16xf32>
      %swap3A_155 = arith.constant 896 : index
      %swap3A_156 = arith.constant 368 : index
      %swap3A_157 = vector.load %arg6[%swap3A_155, %swap3A_156] : memref<1024x384xf32, #tpu.memory_space<vmem>>, vector<128x16xf32>
      tpu.vector_store %arg6[%swap3A_155, %swap3A_156], %get3A_154 {strides = array<i32>} : memref<1024x384xf32, #tpu.memory_space<vmem>>, vector<128x16xf32>,
    } else {
    }
    %get3A = arith.constant 0 : index
    %get3A_2 = arith.constant 0 : index
    %get3A_3 = vector.load %arg1[%get3A, %get3A_2] : memref<160x1024xf32, #tpu.memory_space<vmem>>, vector<160x1024xf32>
    %get3A_4 = arith.constant 0 : index
    %get3A_5 = arith.constant 0 : index
    %get3A_6 = vector.load %arg6[%get3A_4, %get3A_5] : memref<1024x384xf32, #tpu.memory_space<vmem>>, vector<1024x384xf32>
    %dot_general3A = arith.constant dense<0.000000e+00> : vector<160x384xf32>
    %dot_general3A_7 = tpu.matmul %get3A_3, %get3A_6, %dot_general3A {dimension_numbers = #tpu.dot_dimension_numbers<[1], [0], [0], [1], [0, 0, 1, 1], [], []>, transpose_lhs_hint = false} : vector<160x1024xf32>, vector<1024x384xf32>, vector<160x384xf32> -> vector<160x384xf32>
    %swap3A = arith.constant 0 : index
    %swap3A_8 = arith.constant 0 : index
    %swap3A_9 = vector.load %arg5[%swap3A, %swap3A_8] : memref<160x384xf32, #tpu.memory_space<vmem>>, vector<160x384xf32>
    tpu.vector_store %arg5[%swap3A, %swap3A_8], %dot_general3A_7 {strides = array<i32>} : memref<160x384xf32, #tpu.memory_space<vmem>>, vector<160x384xf32>,
    return
  }
  func.func @transform_0(%arg0: i32) -> (i32, i32) {
    %c0_i32 = arith.constant 0 : i32
    %c0_i32_0 = arith.constant 0 : i32
    return %arg0, %c0_i32 : i32, i32
  }
  func.func @transform_1(%arg0: i32) -> (i32, i32) {
    %c0_i32 = arith.constant 0 : i32
    %c0_i32_0 = arith.constant 0 : i32
    %c0_i32_1 = arith.constant 0 : i32
    return %c0_i32, %c0_i32_0 : i32, i32
  }
  func.func @transform_2(%arg0: i32) -> (i32, i32) {
    %c0_i32 = arith.constant 0 : i32
    %c0_i32_0 = arith.constant 0 : i32
    %c0_i32_1 = arith.constant 0 : i32
    return %c0_i32, %c0_i32_0 : i32, i32
  }
  func.func @transform_3(%arg0: i32) -> (i32, i32) {
    %c0_i32 = arith.constant 0 : i32
    %c0_i32_0 = arith.constant 0 : i32
    %c0_i32_1 = arith.constant 0 : i32
    return %c0_i32, %c0_i32_0 : i32, i32
  }
  func.func @transform_4(%arg0: i32) -> (i32, i32) {
    %c0_i32 = arith.constant 0 : i32
    %c0_i32_0 = arith.constant 0 : i32
    return %arg0, %c0_i32 : i32, i32
  }
}

module attributes {stable_mosaic.version = 14 : i64} {
  func.func @_prepb_body(%arg0: i32, %arg1: memref<160x384xf32, #tpu.memory_space<vmem>>, %arg2: memref<1x16xf32, #tpu.memory_space<vmem>>, %arg3: memref<1x16xf32, #tpu.memory_space<vmem>>, %arg4: memref<160x128xf32, #tpu.memory_space<vmem>>, %arg5: memref<160x128xf32, #tpu.memory_space<vmem>>, %arg6: memref<160x128xf32, #tpu.memory_space<vmem>>, %arg7: memref<160x128xf32, #tpu.memory_space<vmem>>, %arg8: memref<160x128xf32, #tpu.memory_space<vmem>>, %arg9: memref<160x128xf32, #tpu.memory_space<vmem>>) attributes {dimension_semantics = [#tpu.dimension_semantics<arbitrary>], iteration_bounds = array<i64: 8>, scalar_prefetch = 0 : i64, scratch_operands = 0 : i64, tpu.core_type = #tpu.core_type<tc>, window_params = [{transform_indices = @transform_0, window_bounds = array<i64: 160, 384>}, {pipeline_mode = #tpu.pipeline_mode<synchronous>, transform_indices = @transform_1, window_bounds = array<i64: 1, 16>}, {pipeline_mode = #tpu.pipeline_mode<synchronous>, transform_indices = @transform_2, window_bounds = array<i64: 1, 16>}, {transform_indices = @transform_3, window_bounds = array<i64: 160, 128>}, {transform_indices = @transform_4, window_bounds = array<i64: 160, 128>}, {transform_indices = @transform_5, window_bounds = array<i64: 160, 128>}, {transform_indices = @transform_6, window_bounds = array<i64: 160, 128>}, {transform_indices = @transform_7, window_bounds = array<i64: 160, 128>}, {transform_indices = @transform_8, window_bounds = array<i64: 160, 128>}]} {
    %get3A = arith.constant 0 : index
    %get3A_0 = arith.constant 0 : index
    %get3A_1 = vector.load %arg4[%get3A, %get3A_0] : memref<160x128xf32, #tpu.memory_space<vmem>>, vector<160x128xf32>
    %get3A_2 = arith.constant 0 : index
    %get3A_3 = arith.constant 0 : index
    %get3A_4 = vector.load %arg5[%get3A_2, %get3A_3] : memref<160x128xf32, #tpu.memory_space<vmem>>, vector<160x128xf32>
    %add3A = arith.addf %get3A_1, %get3A_4 : vector<160x128xf32>
    %add3A_5 = arith.constant 1.000000e+00 : f32
    %add3A_6 = vector.broadcast %add3A_5 : f32 to vector<160x128xf32>
    %add3A_7 = arith.addf %add3A, %add3A_6 : vector<160x128xf32>
    %rsqrt3A = math.rsqrt %add3A_7 : vector<160x128xf32>
    %swap3A = arith.constant 0 : index
    %swap3A_8 = arith.constant 0 : index
    %swap3A_9 = vector.load %arg9[%swap3A, %swap3A_8] : memref<160x128xf32, #tpu.memory_space<vmem>>, vector<160x128xf32>
    tpu.vector_store %arg9[%swap3A, %swap3A_8], %rsqrt3A {strides = array<i32>} : memref<160x128xf32, #tpu.memory_space<vmem>>, vector<160x128xf32>,
    %get3A_10 = arith.constant 0 : index
    %get3A_11 = arith.constant 0 : index
    %get3A_12 = vector.load %arg1[%get3A_10, %get3A_11] : memref<160x384xf32, #tpu.memory_space<vmem>>, vector<160x384xf32>
    %get3A_13 = arith.constant 0 : index
    %get3A_14 = arith.constant 0 : index
    %get3A_15 = vector.load %arg2[%get3A_13, %get3A_14] : memref<1x16xf32, #tpu.memory_space<vmem>>, vector<1x16xf32>
    %tile3A = tpu.concatenate %get3A_15, %get3A_15, %get3A_15, %get3A_15, %get3A_15, %get3A_15, %get3A_15, %get3A_15 in 1 : vector<1x16xf32>, vector<1x16xf32>, vector<1x16xf32>, vector<1x16xf32>, vector<1x16xf32>, vector<1x16xf32>, vector<1x16xf32>, vector<1x16xf32> -> vector<1x128xf32>
    %get3A_16 = arith.constant 0 : index
    %get3A_17 = arith.constant 0 : index
    %get3A_18 = vector.load %arg3[%get3A_16, %get3A_17] : memref<1x16xf32, #tpu.memory_space<vmem>>, vector<1x16xf32>
    %tile3A_19 = tpu.concatenate %get3A_18, %get3A_18, %get3A_18, %get3A_18, %get3A_18, %get3A_18, %get3A_18, %get3A_18 in 1 : vector<1x16xf32>, vector<1x16xf32>, vector<1x16xf32>, vector<1x16xf32>, vector<1x16xf32>, vector<1x16xf32>, vector<1x16xf32>, vector<1x16xf32> -> vector<1x128xf32>
    %slice3A = vector.extract_strided_slice %get3A_12 {offsets = [0, 0], sizes = [160, 128], strides = [1, 1]} : vector<160x384xf32> to vector<160x128xf32>
    %mul3A = arith.mulf %rsqrt3A, %slice3A : vector<160x128xf32>
    %swap3A_20 = arith.constant 0 : index
    %swap3A_21 = arith.constant 0 : index
    %swap3A_22 = vector.load %arg6[%swap3A_20, %swap3A_21] : memref<160x128xf32, #tpu.memory_space<vmem>>, vector<160x128xf32>
    tpu.vector_store %arg6[%swap3A_20, %swap3A_21], %mul3A {strides = array<i32>} : memref<160x128xf32, #tpu.memory_space<vmem>>, vector<160x128xf32>,
    %slice3A_23 = vector.extract_strided_slice %get3A_12 {offsets = [0, 128], sizes = [160, 128], strides = [1, 1]} : vector<160x384xf32> to vector<160x128xf32>
    %add3A_24 = vector.broadcast %tile3A : vector<1x128xf32> to vector<160x128xf32>
    %add3A_25 = arith.addf %slice3A_23, %add3A_24 : vector<160x128xf32>
    %swap3A_26 = arith.constant 0 : index
    %swap3A_27 = arith.constant 0 : index
    %swap3A_28 = vector.load %arg7[%swap3A_26, %swap3A_27] : memref<160x128xf32, #tpu.memory_space<vmem>>, vector<160x128xf32>
    tpu.vector_store %arg7[%swap3A_26, %swap3A_27], %add3A_25 {strides = array<i32>} : memref<160x128xf32, #tpu.memory_space<vmem>>, vector<160x128xf32>,
    %slice3A_29 = vector.extract_strided_slice %get3A_12 {offsets = [0, 256], sizes = [160, 128], strides = [1, 1]} : vector<160x384xf32> to vector<160x128xf32>
    %add3A_30 = vector.broadcast %tile3A_19 : vector<1x128xf32> to vector<160x128xf32>
    %add3A_31 = arith.addf %slice3A_29, %add3A_30 : vector<160x128xf32>
    %swap3A_32 = arith.constant 0 : index
    %swap3A_33 = arith.constant 0 : index
    %swap3A_34 = vector.load %arg8[%swap3A_32, %swap3A_33] : memref<160x128xf32, #tpu.memory_space<vmem>>, vector<160x128xf32>
    tpu.vector_store %arg8[%swap3A_32, %swap3A_33], %add3A_31 {strides = array<i32>} : memref<160x128xf32, #tpu.memory_space<vmem>>, vector<160x128xf32>,
    return
  }
  func.func @transform_0(%arg0: i32) -> (i32, i32) {
    %c0_i32 = arith.constant 0 : i32
    %c0_i32_0 = arith.constant 0 : i32
    return %arg0, %c0_i32 : i32, i32
  }
  func.func @transform_1(%arg0: i32) -> (i32, i32) {
    %c0_i32 = arith.constant 0 : i32
    %c0_i32_0 = arith.constant 0 : i32
    %c0_i32_1 = arith.constant 0 : i32
    return %c0_i32, %c0_i32_0 : i32, i32
  }
  func.func @transform_2(%arg0: i32) -> (i32, i32) {
    %c0_i32 = arith.constant 0 : i32
    %c0_i32_0 = arith.constant 0 : i32
    %c0_i32_1 = arith.constant 0 : i32
    return %c0_i32, %c0_i32_0 : i32, i32
  }
  func.func @transform_3(%arg0: i32) -> (i32, i32) {
    %c0_i32 = arith.constant 0 : i32
    %c0_i32_0 = arith.constant 0 : i32
    return %arg0, %c0_i32 : i32, i32
  }
  func.func @transform_4(%arg0: i32) -> (i32, i32) {
    %c0_i32 = arith.constant 0 : i32
    %c0_i32_0 = arith.constant 0 : i32
    return %arg0, %c0_i32 : i32, i32
  }
  func.func @transform_5(%arg0: i32) -> (i32, i32) {
    %c0_i32 = arith.constant 0 : i32
    %c0_i32_0 = arith.constant 0 : i32
    return %arg0, %c0_i32 : i32, i32
  }
  func.func @transform_6(%arg0: i32) -> (i32, i32) {
    %c0_i32 = arith.constant 0 : i32
    %c0_i32_0 = arith.constant 0 : i32
    return %arg0, %c0_i32 : i32, i32
  }
  func.func @transform_7(%arg0: i32) -> (i32, i32) {
    %c0_i32 = arith.constant 0 : i32
    %c0_i32_0 = arith.constant 0 : i32
    return %arg0, %c0_i32 : i32, i32
  }
  func.func @transform_8(%arg0: i32) -> (i32, i32) {
    %c0_i32 = arith.constant 0 : i32
    %c0_i32_0 = arith.constant 0 : i32
    return %arg0, %c0_i32 : i32, i32
  }
}

module attributes {stable_mosaic.version = 14 : i64} {
  func.func @_mid_body(%arg0: i32, %arg1: memref<160x128xf32, #tpu.memory_space<vmem>>, %arg2: memref<160x128xf32, #tpu.memory_space<vmem>>, %arg3: memref<160x128xf32, #tpu.memory_space<vmem>>, %arg4: memref<160x128xf32, #tpu.memory_space<vmem>>, %arg5: memref<160x128xf32, #tpu.memory_space<vmem>>, %arg6: memref<1x16xf32, #tpu.memory_space<vmem>>, %arg7: memref<16x1xf32, #tpu.memory_space<vmem>>, %arg8: memref<16x1xf32, #tpu.memory_space<vmem>>, %arg9: memref<16x16xf32, #tpu.memory_space<vmem>>, %arg10: memref<160x128xf32, #tpu.memory_space<vmem>>, %arg11: memref<128x8xf32, #tpu.memory_space<vmem>>, %arg12: memref<128x8xf32, #tpu.memory_space<vmem>>, %arg13: memref<8x128xf32, #tpu.memory_space<vmem>>, %arg14: memref<128x128xf32, #tpu.memory_space<vmem>>) attributes {dimension_semantics = [#tpu.dimension_semantics<arbitrary>], iteration_bounds = array<i64: 8>, scalar_prefetch = 0 : i64, scratch_operands = 4 : i64, tpu.core_type = #tpu.core_type<tc>, window_params = [{transform_indices = @transform_0, window_bounds = array<i64: 160, 128>}, {transform_indices = @transform_1, window_bounds = array<i64: 160, 128>}, {transform_indices = @transform_2, window_bounds = array<i64: 160, 128>}, {transform_indices = @transform_3, window_bounds = array<i64: 160, 128>}, {transform_indices = @transform_4, window_bounds = array<i64: 160, 128>}, {pipeline_mode = #tpu.pipeline_mode<synchronous>, transform_indices = @transform_5, window_bounds = array<i64: 1, 16>}, {pipeline_mode = #tpu.pipeline_mode<synchronous>, transform_indices = @transform_6, window_bounds = array<i64: 16, 1>}, {pipeline_mode = #tpu.pipeline_mode<synchronous>, transform_indices = @transform_7, window_bounds = array<i64: 16, 1>}, {pipeline_mode = #tpu.pipeline_mode<synchronous>, transform_indices = @transform_8, window_bounds = array<i64: 16, 16>}, {transform_indices = @transform_9, window_bounds = array<i64: 160, 128>}]} {
    %eq3A = arith.constant 0 : i32
    %eq3A_0 = arith.cmpi eq, %arg0, %eq3A : i32
    %convert_element_type3A = arith.extui %eq3A_0 : i1 to i32
    %cond3A = arith.constant 0 : i32
    %cond3A_1 = arith.cmpi ne, %convert_element_type3A, %cond3A : i32
    scf.if %cond3A_1 {
      %broadcast_in_dim3A = arith.constant 0.000000e+00 : f32
      %broadcast_in_dim3A_60 = vector.broadcast %broadcast_in_dim3A : f32 to vector<128x8xf32>
      %swap3A_61 = arith.constant 0 : index
      %swap3A_62 = arith.constant 0 : index
      %swap3A_63 = vector.load %arg11[%swap3A_61, %swap3A_62] : memref<128x8xf32, #tpu.memory_space<vmem>>, vector<128x8xf32>
      tpu.vector_store %arg11[%swap3A_61, %swap3A_62], %broadcast_in_dim3A_60 {strides = array<i32>} : memref<128x8xf32, #tpu.memory_space<vmem>>, vector<128x8xf32>,
      %broadcast_in_dim3A_64 = arith.constant 0.000000e+00 : f32
      %broadcast_in_dim3A_65 = vector.broadcast %broadcast_in_dim3A_64 : f32 to vector<128x8xf32>
      %swap3A_66 = arith.constant 0 : index
      %swap3A_67 = arith.constant 0 : index
      %swap3A_68 = vector.load %arg12[%swap3A_66, %swap3A_67] : memref<128x8xf32, #tpu.memory_space<vmem>>, vector<128x8xf32>
      tpu.vector_store %arg12[%swap3A_66, %swap3A_67], %broadcast_in_dim3A_65 {strides = array<i32>} : memref<128x8xf32, #tpu.memory_space<vmem>>, vector<128x8xf32>,
      %broadcast_in_dim3A_69 = arith.constant 0.000000e+00 : f32
      %broadcast_in_dim3A_70 = vector.broadcast %broadcast_in_dim3A_69 : f32 to vector<8x128xf32>
      %swap3A_71 = arith.constant 0 : index
      %swap3A_72 = arith.constant 0 : index
      %swap3A_73 = vector.load %arg13[%swap3A_71, %swap3A_72] : memref<8x128xf32, #tpu.memory_space<vmem>>, vector<8x128xf32>
      tpu.vector_store %arg13[%swap3A_71, %swap3A_72], %broadcast_in_dim3A_70 {strides = array<i32>} : memref<8x128xf32, #tpu.memory_space<vmem>>, vector<8x128xf32>,
      %broadcast_in_dim3A_74 = arith.constant 0.000000e+00 : f32
      %broadcast_in_dim3A_75 = vector.broadcast %broadcast_in_dim3A_74 : f32 to vector<128x128xf32>
      %swap3A_76 = arith.constant 0 : index
      %swap3A_77 = arith.constant 0 : index
      %swap3A_78 = vector.load %arg14[%swap3A_76, %swap3A_77] : memref<128x128xf32, #tpu.memory_space<vmem>>, vector<128x128xf32>
      tpu.vector_store %arg14[%swap3A_76, %swap3A_77], %broadcast_in_dim3A_75 {strides = array<i32>} : memref<128x128xf32, #tpu.memory_space<vmem>>, vector<128x128xf32>,
      %get3A_79 = arith.constant 0 : index
      %get3A_80 = arith.constant 0 : index
      %get3A_81 = vector.load %arg7[%get3A_79, %get3A_80] : memref<16x1xf32, #tpu.memory_space<vmem>>, vector<16x1xf32>
      %swap3A_82 = arith.constant 0 : index
      %swap3A_83 = arith.constant 0 : index
      %swap3A_84 = vector.load %arg11[%swap3A_82, %swap3A_83] : memref<128x8xf32, #tpu.memory_space<vmem>>, vector<16x1xf32>
      tpu.vector_store %arg11[%swap3A_82, %swap3A_83], %get3A_81 {strides = array<i32>} : memref<128x8xf32, #tpu.memory_space<vmem>>, vector<16x1xf32>,
      %get3A_85 = arith.constant 0 : index
      %get3A_86 = arith.constant 0 : index
      %get3A_87 = vector.load %arg8[%get3A_85, %get3A_86] : memref<16x1xf32, #tpu.memory_space<vmem>>, vector<16x1xf32>
      %swap3A_88 = arith.constant 0 : index
      %swap3A_89 = arith.constant 0 : index
      %swap3A_90 = vector.load %arg12[%swap3A_88, %swap3A_89] : memref<128x8xf32, #tpu.memory_space<vmem>>, vector<16x1xf32>
      tpu.vector_store %arg12[%swap3A_88, %swap3A_89], %get3A_87 {strides = array<i32>} : memref<128x8xf32, #tpu.memory_space<vmem>>, vector<16x1xf32>,
      %broadcast_in_dim3A_91 = arith.constant 1.000000e+00 : f32
      %broadcast_in_dim3A_92 = vector.broadcast %broadcast_in_dim3A_91 : f32 to vector<1x16xf32>
      %swap3A_93 = arith.constant 0 : index
      %swap3A_94 = arith.constant 0 : index
      %swap3A_95 = vector.load %arg13[%swap3A_93, %swap3A_94] : memref<8x128xf32, #tpu.memory_space<vmem>>, vector<1x16xf32>
      tpu.vector_store %arg13[%swap3A_93, %swap3A_94], %broadcast_in_dim3A_92 {strides = array<i32>} : memref<8x128xf32, #tpu.memory_space<vmem>>, vector<1x16xf32>,
      %get3A_96 = arith.constant 0 : index
      %get3A_97 = arith.constant 0 : index
      %get3A_98 = vector.load %arg9[%get3A_96, %get3A_97] : memref<16x16xf32, #tpu.memory_space<vmem>>, vector<16x16xf32>
      %swap3A_99 = arith.constant 0 : index
      %swap3A_100 = arith.constant 0 : index
      %swap3A_101 = vector.load %arg14[%swap3A_99, %swap3A_100] : memref<128x128xf32, #tpu.memory_space<vmem>>, vector<16x16xf32>
      tpu.vector_store %arg14[%swap3A_99, %swap3A_100], %get3A_98 {strides = array<i32>} : memref<128x128xf32, #tpu.memory_space<vmem>>, vector<16x16xf32>,
      %get3A_102 = arith.constant 0 : index
      %get3A_103 = arith.constant 0 : index
      %get3A_104 = vector.load %arg7[%get3A_102, %get3A_103] : memref<16x1xf32, #tpu.memory_space<vmem>>, vector<16x1xf32>
      %swap3A_105 = arith.constant 16 : index
      %swap3A_106 = arith.constant 1 : index
      %swap3A_107 = vector.load %arg11[%swap3A_105, %swap3A_106] : memref<128x8xf32, #tpu.memory_space<vmem>>, vector<16x1xf32>
      tpu.vector_store %arg11[%swap3A_105, %swap3A_106], %get3A_104 {strides = array<i32>} : memref<128x8xf32, #tpu.memory_space<vmem>>, vector<16x1xf32>,
      %get3A_108 = arith.constant 0 : index
      %get3A_109 = arith.constant 0 : index
      %get3A_110 = vector.load %arg8[%get3A_108, %get3A_109] : memref<16x1xf32, #tpu.memory_space<vmem>>, vector<16x1xf32>
      %swap3A_111 = arith.constant 16 : index
      %swap3A_112 = arith.constant 1 : index
      %swap3A_113 = vector.load %arg12[%swap3A_111, %swap3A_112] : memref<128x8xf32, #tpu.memory_space<vmem>>, vector<16x1xf32>
      tpu.vector_store %arg12[%swap3A_111, %swap3A_112], %get3A_110 {strides = array<i32>} : memref<128x8xf32, #tpu.memory_space<vmem>>, vector<16x1xf32>,
      %broadcast_in_dim3A_114 = arith.constant 1.000000e+00 : f32
      %broadcast_in_dim3A_115 = vector.broadcast %broadcast_in_dim3A_114 : f32 to vector<1x16xf32>
      %swap3A_116 = arith.constant 1 : index
      %swap3A_117 = arith.constant 16 : index
      %swap3A_118 = vector.load %arg13[%swap3A_116, %swap3A_117] : memref<8x128xf32, #tpu.memory_space<vmem>>, vector<1x16xf32>
      tpu.vector_store %arg13[%swap3A_116, %swap3A_117], %broadcast_in_dim3A_115 {strides = array<i32>} : memref<8x128xf32, #tpu.memory_space<vmem>>, vector<1x16xf32>,
      %get3A_119 = arith.constant 0 : index
      %get3A_120 = arith.constant 0 : index
      %get3A_121 = vector.load %arg9[%get3A_119, %get3A_120] : memref<16x16xf32, #tpu.memory_space<vmem>>, vector<16x16xf32>
      %swap3A_122 = arith.constant 16 : index
      %swap3A_123 = arith.constant 16 : index
      %swap3A_124 = vector.load %arg14[%swap3A_122, %swap3A_123] : memref<128x128xf32, #tpu.memory_space<vmem>>, vector<16x16xf32>
      tpu.vector_store %arg14[%swap3A_122, %swap3A_123], %get3A_121 {strides = array<i32>} : memref<128x128xf32, #tpu.memory_space<vmem>>, vector<16x16xf32>,
      %get3A_125 = arith.constant 0 : index
      %get3A_126 = arith.constant 0 : index
      %get3A_127 = vector.load %arg7[%get3A_125, %get3A_126] : memref<16x1xf32, #tpu.memory_space<vmem>>, vector<16x1xf32>
      %swap3A_128 = arith.constant 32 : index
      %swap3A_129 = arith.constant 2 : index
      %swap3A_130 = vector.load %arg11[%swap3A_128, %swap3A_129] : memref<128x8xf32, #tpu.memory_space<vmem>>, vector<16x1xf32>
      tpu.vector_store %arg11[%swap3A_128, %swap3A_129], %get3A_127 {strides = array<i32>} : memref<128x8xf32, #tpu.memory_space<vmem>>, vector<16x1xf32>,
      %get3A_131 = arith.constant 0 : index
      %get3A_132 = arith.constant 0 : index
      %get3A_133 = vector.load %arg8[%get3A_131, %get3A_132] : memref<16x1xf32, #tpu.memory_space<vmem>>, vector<16x1xf32>
      %swap3A_134 = arith.constant 32 : index
      %swap3A_135 = arith.constant 2 : index
      %swap3A_136 = vector.load %arg12[%swap3A_134, %swap3A_135] : memref<128x8xf32, #tpu.memory_space<vmem>>, vector<16x1xf32>
      tpu.vector_store %arg12[%swap3A_134, %swap3A_135], %get3A_133 {strides = array<i32>} : memref<128x8xf32, #tpu.memory_space<vmem>>, vector<16x1xf32>,
      %broadcast_in_dim3A_137 = arith.constant 1.000000e+00 : f32
      %broadcast_in_dim3A_138 = vector.broadcast %broadcast_in_dim3A_137 : f32 to vector<1x16xf32>
      %swap3A_139 = arith.constant 2 : index
      %swap3A_140 = arith.constant 32 : index
      %swap3A_141 = vector.load %arg13[%swap3A_139, %swap3A_140] : memref<8x128xf32, #tpu.memory_space<vmem>>, vector<1x16xf32>
      tpu.vector_store %arg13[%swap3A_139, %swap3A_140], %broadcast_in_dim3A_138 {strides = array<i32>} : memref<8x128xf32, #tpu.memory_space<vmem>>, vector<1x16xf32>,
      %get3A_142 = arith.constant 0 : index
      %get3A_143 = arith.constant 0 : index
      %get3A_144 = vector.load %arg9[%get3A_142, %get3A_143] : memref<16x16xf32, #tpu.memory_space<vmem>>, vector<16x16xf32>
      %swap3A_145 = arith.constant 32 : index
      %swap3A_146 = arith.constant 32 : index
      %swap3A_147 = vector.load %arg14[%swap3A_145, %swap3A_146] : memref<128x128xf32, #tpu.memory_space<vmem>>, vector<16x16xf32>
      tpu.vector_store %arg14[%swap3A_145, %swap3A_146], %get3A_144 {strides = array<i32>} : memref<128x128xf32, #tpu.memory_space<vmem>>, vector<16x16xf32>,
      %get3A_148 = arith.constant 0 : index
      %get3A_149 = arith.constant 0 : index
      %get3A_150 = vector.load %arg7[%get3A_148, %get3A_149] : memref<16x1xf32, #tpu.memory_space<vmem>>, vector<16x1xf32>
      %swap3A_151 = arith.constant 48 : index
      %swap3A_152 = arith.constant 3 : index
      %swap3A_153 = vector.load %arg11[%swap3A_151, %swap3A_152] : memref<128x8xf32, #tpu.memory_space<vmem>>, vector<16x1xf32>
      tpu.vector_store %arg11[%swap3A_151, %swap3A_152], %get3A_150 {strides = array<i32>} : memref<128x8xf32, #tpu.memory_space<vmem>>, vector<16x1xf32>,
      %get3A_154 = arith.constant 0 : index
      %get3A_155 = arith.constant 0 : index
      %get3A_156 = vector.load %arg8[%get3A_154, %get3A_155] : memref<16x1xf32, #tpu.memory_space<vmem>>, vector<16x1xf32>
      %swap3A_157 = arith.constant 48 : index
      %swap3A_158 = arith.constant 3 : index
      %swap3A_159 = vector.load %arg12[%swap3A_157, %swap3A_158] : memref<128x8xf32, #tpu.memory_space<vmem>>, vector<16x1xf32>
      tpu.vector_store %arg12[%swap3A_157, %swap3A_158], %get3A_156 {strides = array<i32>} : memref<128x8xf32, #tpu.memory_space<vmem>>, vector<16x1xf32>,
      %broadcast_in_dim3A_160 = arith.constant 1.000000e+00 : f32
      %broadcast_in_dim3A_161 = vector.broadcast %broadcast_in_dim3A_160 : f32 to vector<1x16xf32>
      %swap3A_162 = arith.constant 3 : index
      %swap3A_163 = arith.constant 48 : index
      %swap3A_164 = vector.load %arg13[%swap3A_162, %swap3A_163] : memref<8x128xf32, #tpu.memory_space<vmem>>, vector<1x16xf32>
      tpu.vector_store %arg13[%swap3A_162, %swap3A_163], %broadcast_in_dim3A_161 {strides = array<i32>} : memref<8x128xf32, #tpu.memory_space<vmem>>, vector<1x16xf32>,
      %get3A_165 = arith.constant 0 : index
      %get3A_166 = arith.constant 0 : index
      %get3A_167 = vector.load %arg9[%get3A_165, %get3A_166] : memref<16x16xf32, #tpu.memory_space<vmem>>, vector<16x16xf32>
      %swap3A_168 = arith.constant 48 : index
      %swap3A_169 = arith.constant 48 : index
      %swap3A_170 = vector.load %arg14[%swap3A_168, %swap3A_169] : memref<128x128xf32, #tpu.memory_space<vmem>>, vector<16x16xf32>
      tpu.vector_store %arg14[%swap3A_168, %swap3A_169], %get3A_167 {strides = array<i32>} : memref<128x128xf32, #tpu.memory_space<vmem>>, vector<16x16xf32>,
      %get3A_171 = arith.constant 0 : index
      %get3A_172 = arith.constant 0 : index
      %get3A_173 = vector.load %arg7[%get3A_171, %get3A_172] : memref<16x1xf32, #tpu.memory_space<vmem>>, vector<16x1xf32>
      %swap3A_174 = arith.constant 64 : index
      %swap3A_175 = arith.constant 4 : index
      %swap3A_176 = vector.load %arg11[%swap3A_174, %swap3A_175] : memref<128x8xf32, #tpu.memory_space<vmem>>, vector<16x1xf32>
      tpu.vector_store %arg11[%swap3A_174, %swap3A_175], %get3A_173 {strides = array<i32>} : memref<128x8xf32, #tpu.memory_space<vmem>>, vector<16x1xf32>,
      %get3A_177 = arith.constant 0 : index
      %get3A_178 = arith.constant 0 : index
      %get3A_179 = vector.load %arg8[%get3A_177, %get3A_178] : memref<16x1xf32, #tpu.memory_space<vmem>>, vector<16x1xf32>
      %swap3A_180 = arith.constant 64 : index
      %swap3A_181 = arith.constant 4 : index
      %swap3A_182 = vector.load %arg12[%swap3A_180, %swap3A_181] : memref<128x8xf32, #tpu.memory_space<vmem>>, vector<16x1xf32>
      tpu.vector_store %arg12[%swap3A_180, %swap3A_181], %get3A_179 {strides = array<i32>} : memref<128x8xf32, #tpu.memory_space<vmem>>, vector<16x1xf32>,
      %broadcast_in_dim3A_183 = arith.constant 1.000000e+00 : f32
      %broadcast_in_dim3A_184 = vector.broadcast %broadcast_in_dim3A_183 : f32 to vector<1x16xf32>
      %swap3A_185 = arith.constant 4 : index
      %swap3A_186 = arith.constant 64 : index
      %swap3A_187 = vector.load %arg13[%swap3A_185, %swap3A_186] : memref<8x128xf32, #tpu.memory_space<vmem>>, vector<1x16xf32>
      tpu.vector_store %arg13[%swap3A_185, %swap3A_186], %broadcast_in_dim3A_184 {strides = array<i32>} : memref<8x128xf32, #tpu.memory_space<vmem>>, vector<1x16xf32>,
      %get3A_188 = arith.constant 0 : index
      %get3A_189 = arith.constant 0 : index
      %get3A_190 = vector.load %arg9[%get3A_188, %get3A_189] : memref<16x16xf32, #tpu.memory_space<vmem>>, vector<16x16xf32>
      %swap3A_191 = arith.constant 64 : index
      %swap3A_192 = arith.constant 64 : index
      %swap3A_193 = vector.load %arg14[%swap3A_191, %swap3A_192] : memref<128x128xf32, #tpu.memory_space<vmem>>, vector<16x16xf32>
      tpu.vector_store %arg14[%swap3A_191, %swap3A_192], %get3A_190 {strides = array<i32>} : memref<128x128xf32, #tpu.memory_space<vmem>>, vector<16x16xf32>,
      %get3A_194 = arith.constant 0 : index
      %get3A_195 = arith.constant 0 : index
      %get3A_196 = vector.load %arg7[%get3A_194, %get3A_195] : memref<16x1xf32, #tpu.memory_space<vmem>>, vector<16x1xf32>
      %swap3A_197 = arith.constant 80 : index
      %swap3A_198 = arith.constant 5 : index
      %swap3A_199 = vector.load %arg11[%swap3A_197, %swap3A_198] : memref<128x8xf32, #tpu.memory_space<vmem>>, vector<16x1xf32>
      tpu.vector_store %arg11[%swap3A_197, %swap3A_198], %get3A_196 {strides = array<i32>} : memref<128x8xf32, #tpu.memory_space<vmem>>, vector<16x1xf32>,
      %get3A_200 = arith.constant 0 : index
      %get3A_201 = arith.constant 0 : index
      %get3A_202 = vector.load %arg8[%get3A_200, %get3A_201] : memref<16x1xf32, #tpu.memory_space<vmem>>, vector<16x1xf32>
      %swap3A_203 = arith.constant 80 : index
      %swap3A_204 = arith.constant 5 : index
      %swap3A_205 = vector.load %arg12[%swap3A_203, %swap3A_204] : memref<128x8xf32, #tpu.memory_space<vmem>>, vector<16x1xf32>
      tpu.vector_store %arg12[%swap3A_203, %swap3A_204], %get3A_202 {strides = array<i32>} : memref<128x8xf32, #tpu.memory_space<vmem>>, vector<16x1xf32>,
      %broadcast_in_dim3A_206 = arith.constant 1.000000e+00 : f32
      %broadcast_in_dim3A_207 = vector.broadcast %broadcast_in_dim3A_206 : f32 to vector<1x16xf32>
      %swap3A_208 = arith.constant 5 : index
      %swap3A_209 = arith.constant 80 : index
      %swap3A_210 = vector.load %arg13[%swap3A_208, %swap3A_209] : memref<8x128xf32, #tpu.memory_space<vmem>>, vector<1x16xf32>
      tpu.vector_store %arg13[%swap3A_208, %swap3A_209], %broadcast_in_dim3A_207 {strides = array<i32>} : memref<8x128xf32, #tpu.memory_space<vmem>>, vector<1x16xf32>,
      %get3A_211 = arith.constant 0 : index
      %get3A_212 = arith.constant 0 : index
      %get3A_213 = vector.load %arg9[%get3A_211, %get3A_212] : memref<16x16xf32, #tpu.memory_space<vmem>>, vector<16x16xf32>
      %swap3A_214 = arith.constant 80 : index
      %swap3A_215 = arith.constant 80 : index
      %swap3A_216 = vector.load %arg14[%swap3A_214, %swap3A_215] : memref<128x128xf32, #tpu.memory_space<vmem>>, vector<16x16xf32>
      tpu.vector_store %arg14[%swap3A_214, %swap3A_215], %get3A_213 {strides = array<i32>} : memref<128x128xf32, #tpu.memory_space<vmem>>, vector<16x16xf32>,
      %get3A_217 = arith.constant 0 : index
      %get3A_218 = arith.constant 0 : index
      %get3A_219 = vector.load %arg7[%get3A_217, %get3A_218] : memref<16x1xf32, #tpu.memory_space<vmem>>, vector<16x1xf32>
      %swap3A_220 = arith.constant 96 : index
      %swap3A_221 = arith.constant 6 : index
      %swap3A_222 = vector.load %arg11[%swap3A_220, %swap3A_221] : memref<128x8xf32, #tpu.memory_space<vmem>>, vector<16x1xf32>
      tpu.vector_store %arg11[%swap3A_220, %swap3A_221], %get3A_219 {strides = array<i32>} : memref<128x8xf32, #tpu.memory_space<vmem>>, vector<16x1xf32>,
      %get3A_223 = arith.constant 0 : index
      %get3A_224 = arith.constant 0 : index
      %get3A_225 = vector.load %arg8[%get3A_223, %get3A_224] : memref<16x1xf32, #tpu.memory_space<vmem>>, vector<16x1xf32>
      %swap3A_226 = arith.constant 96 : index
      %swap3A_227 = arith.constant 6 : index
      %swap3A_228 = vector.load %arg12[%swap3A_226, %swap3A_227] : memref<128x8xf32, #tpu.memory_space<vmem>>, vector<16x1xf32>
      tpu.vector_store %arg12[%swap3A_226, %swap3A_227], %get3A_225 {strides = array<i32>} : memref<128x8xf32, #tpu.memory_space<vmem>>, vector<16x1xf32>,
      %broadcast_in_dim3A_229 = arith.constant 1.000000e+00 : f32
      %broadcast_in_dim3A_230 = vector.broadcast %broadcast_in_dim3A_229 : f32 to vector<1x16xf32>
      %swap3A_231 = arith.constant 6 : index
      %swap3A_232 = arith.constant 96 : index
      %swap3A_233 = vector.load %arg13[%swap3A_231, %swap3A_232] : memref<8x128xf32, #tpu.memory_space<vmem>>, vector<1x16xf32>
      tpu.vector_store %arg13[%swap3A_231, %swap3A_232], %broadcast_in_dim3A_230 {strides = array<i32>} : memref<8x128xf32, #tpu.memory_space<vmem>>, vector<1x16xf32>,
      %get3A_234 = arith.constant 0 : index
      %get3A_235 = arith.constant 0 : index
      %get3A_236 = vector.load %arg9[%get3A_234, %get3A_235] : memref<16x16xf32, #tpu.memory_space<vmem>>, vector<16x16xf32>
      %swap3A_237 = arith.constant 96 : index
      %swap3A_238 = arith.constant 96 : index
      %swap3A_239 = vector.load %arg14[%swap3A_237, %swap3A_238] : memref<128x128xf32, #tpu.memory_space<vmem>>, vector<16x16xf32>
      tpu.vector_store %arg14[%swap3A_237, %swap3A_238], %get3A_236 {strides = array<i32>} : memref<128x128xf32, #tpu.memory_space<vmem>>, vector<16x16xf32>,
      %get3A_240 = arith.constant 0 : index
      %get3A_241 = arith.constant 0 : index
      %get3A_242 = vector.load %arg7[%get3A_240, %get3A_241] : memref<16x1xf32, #tpu.memory_space<vmem>>, vector<16x1xf32>
      %swap3A_243 = arith.constant 112 : index
      %swap3A_244 = arith.constant 7 : index
      %swap3A_245 = vector.load %arg11[%swap3A_243, %swap3A_244] : memref<128x8xf32, #tpu.memory_space<vmem>>, vector<16x1xf32>
      tpu.vector_store %arg11[%swap3A_243, %swap3A_244], %get3A_242 {strides = array<i32>} : memref<128x8xf32, #tpu.memory_space<vmem>>, vector<16x1xf32>,
      %get3A_246 = arith.constant 0 : index
      %get3A_247 = arith.constant 0 : index
      %get3A_248 = vector.load %arg8[%get3A_246, %get3A_247] : memref<16x1xf32, #tpu.memory_space<vmem>>, vector<16x1xf32>
      %swap3A_249 = arith.constant 112 : index
      %swap3A_250 = arith.constant 7 : index
      %swap3A_251 = vector.load %arg12[%swap3A_249, %swap3A_250] : memref<128x8xf32, #tpu.memory_space<vmem>>, vector<16x1xf32>
      tpu.vector_store %arg12[%swap3A_249, %swap3A_250], %get3A_248 {strides = array<i32>} : memref<128x8xf32, #tpu.memory_space<vmem>>, vector<16x1xf32>,
      %broadcast_in_dim3A_252 = arith.constant 1.000000e+00 : f32
      %broadcast_in_dim3A_253 = vector.broadcast %broadcast_in_dim3A_252 : f32 to vector<1x16xf32>
      %swap3A_254 = arith.constant 7 : index
      %swap3A_255 = arith.constant 112 : index
      %swap3A_256 = vector.load %arg13[%swap3A_254, %swap3A_255] : memref<8x128xf32, #tpu.memory_space<vmem>>, vector<1x16xf32>
      tpu.vector_store %arg13[%swap3A_254, %swap3A_255], %broadcast_in_dim3A_253 {strides = array<i32>} : memref<8x128xf32, #tpu.memory_space<vmem>>, vector<1x16xf32>,
      %get3A_257 = arith.constant 0 : index
      %get3A_258 = arith.constant 0 : index
      %get3A_259 = vector.load %arg9[%get3A_257, %get3A_258] : memref<16x16xf32, #tpu.memory_space<vmem>>, vector<16x16xf32>
      %swap3A_260 = arith.constant 112 : index
      %swap3A_261 = arith.constant 112 : index
      %swap3A_262 = vector.load %arg14[%swap3A_260, %swap3A_261] : memref<128x128xf32, #tpu.memory_space<vmem>>, vector<16x16xf32>
      tpu.vector_store %arg14[%swap3A_260, %swap3A_261], %get3A_259 {strides = array<i32>} : memref<128x128xf32, #tpu.memory_space<vmem>>, vector<16x16xf32>,
    } else {
    }
    %get3A = arith.constant 0 : index
    %get3A_2 = arith.constant 0 : index
    %get3A_3 = vector.load %arg4[%get3A, %get3A_2] : memref<160x128xf32, #tpu.memory_space<vmem>>, vector<160x128xf32>
    %get3A_4 = arith.constant 0 : index
    %get3A_5 = arith.constant 0 : index
    %get3A_6 = vector.load %arg1[%get3A_4, %get3A_5] : memref<160x128xf32, #tpu.memory_space<vmem>>, vector<160x128xf32>
    %get3A_7 = arith.constant 0 : index
    %get3A_8 = arith.constant 0 : index
    %get3A_9 = vector.load %arg2[%get3A_7, %get3A_8] : memref<160x128xf32, #tpu.memory_space<vmem>>, vector<160x128xf32>
    %add3A = arith.addf %get3A_6, %get3A_9 : vector<160x128xf32>
    %get3A_10 = arith.constant 0 : index
    %get3A_11 = arith.constant 0 : index
    %get3A_12 = vector.load %arg3[%get3A_10, %get3A_11] : memref<160x128xf32, #tpu.memory_space<vmem>>, vector<160x128xf32>
    %add3A_13 = arith.addf %add3A, %get3A_12 : vector<160x128xf32>
    %mul3A = arith.mulf %get3A_3, %add3A_13 : vector<160x128xf32>
    %get3A_14 = arith.constant 0 : index
    %get3A_15 = arith.constant 0 : index
    %get3A_16 = vector.load %arg6[%get3A_14, %get3A_15] : memref<1x16xf32, #tpu.memory_space<vmem>>, vector<1x16xf32>
    %tile3A = tpu.concatenate %get3A_16, %get3A_16, %get3A_16, %get3A_16, %get3A_16, %get3A_16, %get3A_16, %get3A_16 in 1 : vector<1x16xf32>, vector<1x16xf32>, vector<1x16xf32>, vector<1x16xf32>, vector<1x16xf32>, vector<1x16xf32>, vector<1x16xf32>, vector<1x16xf32> -> vector<1x128xf32>
    %add3A_17 = vector.broadcast %tile3A : vector<1x128xf32> to vector<160x128xf32>
    %add3A_18 = arith.addf %mul3A, %add3A_17 : vector<160x128xf32>
    %max3A = arith.constant 0.000000e+00 : f32
    %max3A_19 = vector.broadcast %max3A : f32 to vector<160x128xf32>
    %max3A_20 = arith.maximumf %add3A_18, %max3A_19 : vector<160x128xf32>
    %get3A_21 = arith.constant 0 : index
    %get3A_22 = arith.constant 0 : index
    %get3A_23 = vector.load %arg5[%get3A_21, %get3A_22] : memref<160x128xf32, #tpu.memory_space<vmem>>, vector<160x128xf32>
    %get3A_24 = arith.constant 0 : index
    %get3A_25 = arith.constant 0 : index
    %get3A_26 = vector.load %arg11[%get3A_24, %get3A_25] : memref<128x8xf32, #tpu.memory_space<vmem>>, vector<128x8xf32>
    %dot_general3A = arith.constant dense<0.000000e+00> : vector<160x8xf32>
    %dot_general3A_27 = tpu.matmul %max3A_20, %get3A_26, %dot_general3A {dimension_numbers = #tpu.dot_dimension_numbers<[1], [0], [0], [1], [0, 0, 1, 1], [], []>, transpose_lhs_hint = false} : vector<160x128xf32>, vector<128x8xf32>, vector<160x8xf32> -> vector<160x8xf32>
    %get3A_28 = arith.constant 0 : index
    %get3A_29 = arith.constant 0 : index
    %get3A_30 = vector.load %arg12[%get3A_28, %get3A_29] : memref<128x8xf32, #tpu.memory_space<vmem>>, vector<128x8xf32>
    %dot_general3A_31 = arith.constant dense<0.000000e+00> : vector<160x8xf32>
    %dot_general3A_32 = tpu.matmul %get3A_23, %get3A_30, %dot_general3A_31 {dimension_numbers = #tpu.dot_dimension_numbers<[1], [0], [0], [1], [0, 0, 1, 1], [], []>, transpose_lhs_hint = false} : vector<160x128xf32>, vector<128x8xf32>, vector<160x8xf32> -> vector<160x8xf32>
    %add3A_33 = arith.addf %dot_general3A_27, %dot_general3A_32 : vector<160x8xf32>
    %mul3A_34 = arith.constant 1.000000e+00 : f32
    %mul3A_35 = vector.broadcast %mul3A_34 : f32 to vector<160x8xf32>
    %mul3A_36 = arith.mulf %add3A_33, %mul3A_35 : vector<160x8xf32>
    %logistic3A = arith.negf %mul3A_36 : vector<160x8xf32>
    %logistic3A_37 = math.exp %logistic3A : vector<160x8xf32>
    %logistic3A_38 = arith.constant 1.000000e+00 : f32
    %logistic3A_39 = vector.broadcast %logistic3A_38 : f32 to vector<160x8xf32>
    %logistic3A_40 = arith.addf %logistic3A_39, %logistic3A_37 : vector<160x8xf32>
    %logistic3A_41 = arith.divf %logistic3A_39, %logistic3A_40 : vector<160x8xf32>
    %get3A_42 = arith.constant 0 : index
    %get3A_43 = arith.constant 0 : index
    %get3A_44 = vector.load %arg13[%get3A_42, %get3A_43] : memref<8x128xf32, #tpu.memory_space<vmem>>, vector<8x128xf32>
    %dot_general3A_45 = arith.constant dense<0.000000e+00> : vector<160x128xf32>
    %dot_general3A_46 = tpu.matmul %logistic3A_41, %get3A_44, %dot_general3A_45 {dimension_numbers = #tpu.dot_dimension_numbers<[1], [0], [0], [1], [0, 0, 1, 1], [], []>, transpose_lhs_hint = false} : vector<160x8xf32>, vector<8x128xf32>, vector<160x128xf32> -> vector<160x128xf32>
    %mul3A_47 = arith.mulf %dot_general3A_46, %max3A_20 : vector<160x128xf32>
    %sub3A = arith.constant 1.000000e+00 : f32
    %sub3A_48 = vector.broadcast %sub3A : f32 to vector<160x128xf32>
    %sub3A_49 = arith.subf %sub3A_48, %dot_general3A_46 : vector<160x128xf32>
    %mul3A_50 = arith.mulf %sub3A_49, %get3A_23 : vector<160x128xf32>
    %add3A_51 = arith.addf %mul3A_47, %mul3A_50 : vector<160x128xf32>
    %get3A_52 = arith.constant 0 : index
    %get3A_53 = arith.constant 0 : index
    %get3A_54 = vector.load %arg14[%get3A_52, %get3A_53] : memref<128x128xf32, #tpu.memory_space<vmem>>, vector<128x128xf32>
    %dot_general3A_55 = arith.constant dense<0.000000e+00> : vector<160x128xf32>
    %dot_general3A_56 = tpu.matmul %add3A_51, %get3A_54, %dot_general3A_55 {dimension_numbers = #tpu.dot_dimension_numbers<[1], [0], [0], [1], [0, 0, 1, 1], [], []>, transpose_lhs_hint = false} : vector<160x128xf32>, vector<128x128xf32>, vector<160x128xf32> -> vector<160x128xf32>
    %mul3A_57 = arith.mulf %get3A_3, %dot_general3A_56 : vector<160x128xf32>
    %swap3A = arith.constant 0 : index
    %swap3A_58 = arith.constant 0 : index
    %swap3A_59 = vector.load %arg10[%swap3A, %swap3A_58] : memref<160x128xf32, #tpu.memory_space<vmem>>, vector<160x128xf32>
    tpu.vector_store %arg10[%swap3A, %swap3A_58], %mul3A_57 {strides = array<i32>} : memref<160x128xf32, #tpu.memory_space<vmem>>, vector<160x128xf32>,
    return
  }
  func.func @transform_0(%arg0: i32) -> (i32, i32) {
    %c0_i32 = arith.constant 0 : i32
    %c0_i32_0 = arith.constant 0 : i32
    return %arg0, %c0_i32 : i32, i32
  }
  func.func @transform_1(%arg0: i32) -> (i32, i32) {
    %c0_i32 = arith.constant 0 : i32
    %c0_i32_0 = arith.constant 0 : i32
    return %arg0, %c0_i32 : i32, i32
  }
  func.func @transform_2(%arg0: i32) -> (i32, i32) {
    %c0_i32 = arith.constant 0 : i32
    %c0_i32_0 = arith.constant 0 : i32
    return %arg0, %c0_i32 : i32, i32
  }
  func.func @transform_3(%arg0: i32) -> (i32, i32) {
    %c0_i32 = arith.constant 0 : i32
    %c0_i32_0 = arith.constant 0 : i32
    return %arg0, %c0_i32 : i32, i32
  }
  func.func @transform_4(%arg0: i32) -> (i32, i32) {
    %c0_i32 = arith.constant 0 : i32
    %c0_i32_0 = arith.constant 0 : i32
    return %arg0, %c0_i32 : i32, i32
  }
  func.func @transform_5(%arg0: i32) -> (i32, i32) {
    %c0_i32 = arith.constant 0 : i32
    %c0_i32_0 = arith.constant 0 : i32
    %c0_i32_1 = arith.constant 0 : i32
    return %c0_i32, %c0_i32_0 : i32, i32
  }
  func.func @transform_6(%arg0: i32) -> (i32, i32) {
    %c0_i32 = arith.constant 0 : i32
    %c0_i32_0 = arith.constant 0 : i32
    %c0_i32_1 = arith.constant 0 : i32
    return %c0_i32, %c0_i32_0 : i32, i32
  }
  func.func @transform_7(%arg0: i32) -> (i32, i32) {
    %c0_i32 = arith.constant 0 : i32
    %c0_i32_0 = arith.constant 0 : i32
    %c0_i32_1 = arith.constant 0 : i32
    return %c0_i32, %c0_i32_0 : i32, i32
  }
  func.func @transform_8(%arg0: i32) -> (i32, i32) {
    %c0_i32 = arith.constant 0 : i32
    %c0_i32_0 = arith.constant 0 : i32
    %c0_i32_1 = arith.constant 0 : i32
    return %c0_i32, %c0_i32_0 : i32, i32
  }
  func.func @transform_9(%arg0: i32) -> (i32, i32) {
    %c0_i32 = arith.constant 0 : i32
    %c0_i32_0 = arith.constant 0 : i32
    return %arg0, %c0_i32 : i32, i32
  }
}

module attributes {stable_mosaic.version = 14 : i64} {
  func.func @_mid_body(%arg0: i32, %arg1: memref<160x128xf32, #tpu.memory_space<vmem>>, %arg2: memref<160x128xf32, #tpu.memory_space<vmem>>, %arg3: memref<160x128xf32, #tpu.memory_space<vmem>>, %arg4: memref<160x128xf32, #tpu.memory_space<vmem>>, %arg5: memref<160x128xf32, #tpu.memory_space<vmem>>, %arg6: memref<1x16xf32, #tpu.memory_space<vmem>>, %arg7: memref<16x1xf32, #tpu.memory_space<vmem>>, %arg8: memref<16x1xf32, #tpu.memory_space<vmem>>, %arg9: memref<16x16xf32, #tpu.memory_space<vmem>>, %arg10: memref<160x128xf32, #tpu.memory_space<vmem>>, %arg11: memref<128x8xf32, #tpu.memory_space<vmem>>, %arg12: memref<128x8xf32, #tpu.memory_space<vmem>>, %arg13: memref<8x128xf32, #tpu.memory_space<vmem>>, %arg14: memref<128x128xf32, #tpu.memory_space<vmem>>) attributes {dimension_semantics = [#tpu.dimension_semantics<arbitrary>], iteration_bounds = array<i64: 8>, scalar_prefetch = 0 : i64, scratch_operands = 4 : i64, tpu.core_type = #tpu.core_type<tc>, window_params = [{transform_indices = @transform_0, window_bounds = array<i64: 160, 128>}, {transform_indices = @transform_1, window_bounds = array<i64: 160, 128>}, {transform_indices = @transform_2, window_bounds = array<i64: 160, 128>}, {transform_indices = @transform_3, window_bounds = array<i64: 160, 128>}, {transform_indices = @transform_4, window_bounds = array<i64: 160, 128>}, {pipeline_mode = #tpu.pipeline_mode<synchronous>, transform_indices = @transform_5, window_bounds = array<i64: 1, 16>}, {pipeline_mode = #tpu.pipeline_mode<synchronous>, transform_indices = @transform_6, window_bounds = array<i64: 16, 1>}, {pipeline_mode = #tpu.pipeline_mode<synchronous>, transform_indices = @transform_7, window_bounds = array<i64: 16, 1>}, {pipeline_mode = #tpu.pipeline_mode<synchronous>, transform_indices = @transform_8, window_bounds = array<i64: 16, 16>}, {transform_indices = @transform_9, window_bounds = array<i64: 160, 128>}]} {
    %eq3A = arith.constant 0 : i32
    %eq3A_0 = arith.cmpi eq, %arg0, %eq3A : i32
    %convert_element_type3A = arith.extui %eq3A_0 : i1 to i32
    %cond3A = arith.constant 0 : i32
    %cond3A_1 = arith.cmpi ne, %convert_element_type3A, %cond3A : i32
    scf.if %cond3A_1 {
      %broadcast_in_dim3A = arith.constant 0.000000e+00 : f32
      %broadcast_in_dim3A_72 = vector.broadcast %broadcast_in_dim3A : f32 to vector<128x8xf32>
      %swap3A_73 = arith.constant 0 : index
      %swap3A_74 = arith.constant 0 : index
      %swap3A_75 = vector.load %arg11[%swap3A_73, %swap3A_74] : memref<128x8xf32, #tpu.memory_space<vmem>>, vector<128x8xf32>
      tpu.vector_store %arg11[%swap3A_73, %swap3A_74], %broadcast_in_dim3A_72 {strides = array<i32>} : memref<128x8xf32, #tpu.memory_space<vmem>>, vector<128x8xf32>,
      %broadcast_in_dim3A_76 = arith.constant 0.000000e+00 : f32
      %broadcast_in_dim3A_77 = vector.broadcast %broadcast_in_dim3A_76 : f32 to vector<128x8xf32>
      %swap3A_78 = arith.constant 0 : index
      %swap3A_79 = arith.constant 0 : index
      %swap3A_80 = vector.load %arg12[%swap3A_78, %swap3A_79] : memref<128x8xf32, #tpu.memory_space<vmem>>, vector<128x8xf32>
      tpu.vector_store %arg12[%swap3A_78, %swap3A_79], %broadcast_in_dim3A_77 {strides = array<i32>} : memref<128x8xf32, #tpu.memory_space<vmem>>, vector<128x8xf32>,
      %broadcast_in_dim3A_81 = arith.constant 0.000000e+00 : f32
      %broadcast_in_dim3A_82 = vector.broadcast %broadcast_in_dim3A_81 : f32 to vector<8x128xf32>
      %swap3A_83 = arith.constant 0 : index
      %swap3A_84 = arith.constant 0 : index
      %swap3A_85 = vector.load %arg13[%swap3A_83, %swap3A_84] : memref<8x128xf32, #tpu.memory_space<vmem>>, vector<8x128xf32>
      tpu.vector_store %arg13[%swap3A_83, %swap3A_84], %broadcast_in_dim3A_82 {strides = array<i32>} : memref<8x128xf32, #tpu.memory_space<vmem>>, vector<8x128xf32>,
      %broadcast_in_dim3A_86 = arith.constant 0.000000e+00 : f32
      %broadcast_in_dim3A_87 = vector.broadcast %broadcast_in_dim3A_86 : f32 to vector<128x128xf32>
      %swap3A_88 = arith.constant 0 : index
      %swap3A_89 = arith.constant 0 : index
      %swap3A_90 = vector.load %arg14[%swap3A_88, %swap3A_89] : memref<128x128xf32, #tpu.memory_space<vmem>>, vector<128x128xf32>
      tpu.vector_store %arg14[%swap3A_88, %swap3A_89], %broadcast_in_dim3A_87 {strides = array<i32>} : memref<128x128xf32, #tpu.memory_space<vmem>>, vector<128x128xf32>,
      %get3A_91 = arith.constant 0 : index
      %get3A_92 = arith.constant 0 : index
      %get3A_93 = vector.load %arg7[%get3A_91, %get3A_92] : memref<16x1xf32, #tpu.memory_space<vmem>>, vector<16x1xf32>
      %swap3A_94 = arith.constant 0 : index
      %swap3A_95 = arith.constant 0 : index
      %swap3A_96 = vector.load %arg11[%swap3A_94, %swap3A_95] : memref<128x8xf32, #tpu.memory_space<vmem>>, vector<16x1xf32>
      tpu.vector_store %arg11[%swap3A_94, %swap3A_95], %get3A_93 {strides = array<i32>} : memref<128x8xf32, #tpu.memory_space<vmem>>, vector<16x1xf32>,
      %get3A_97 = arith.constant 0 : index
      %get3A_98 = arith.constant 0 : index
      %get3A_99 = vector.load %arg8[%get3A_97, %get3A_98] : memref<16x1xf32, #tpu.memory_space<vmem>>, vector<16x1xf32>
      %swap3A_100 = arith.constant 0 : index
      %swap3A_101 = arith.constant 0 : index
      %swap3A_102 = vector.load %arg12[%swap3A_100, %swap3A_101] : memref<128x8xf32, #tpu.memory_space<vmem>>, vector<16x1xf32>
      tpu.vector_store %arg12[%swap3A_100, %swap3A_101], %get3A_99 {strides = array<i32>} : memref<128x8xf32, #tpu.memory_space<vmem>>, vector<16x1xf32>,
      %broadcast_in_dim3A_103 = arith.constant 1.000000e+00 : f32
      %broadcast_in_dim3A_104 = vector.broadcast %broadcast_in_dim3A_103 : f32 to vector<1x16xf32>
      %swap3A_105 = arith.constant 0 : index
      %swap3A_106 = arith.constant 0 : index
      %swap3A_107 = vector.load %arg13[%swap3A_105, %swap3A_106] : memref<8x128xf32, #tpu.memory_space<vmem>>, vector<1x16xf32>
      tpu.vector_store %arg13[%swap3A_105, %swap3A_106], %broadcast_in_dim3A_104 {strides = array<i32>} : memref<8x128xf32, #tpu.memory_space<vmem>>, vector<1x16xf32>,
      %get3A_108 = arith.constant 0 : index
      %get3A_109 = arith.constant 0 : index
      %get3A_110 = vector.load %arg9[%get3A_108, %get3A_109] : memref<16x16xf32, #tpu.memory_space<vmem>>, vector<16x16xf32>
      %swap3A_111 = arith.constant 0 : index
      %swap3A_112 = arith.constant 0 : index
      %swap3A_113 = vector.load %arg14[%swap3A_111, %swap3A_112] : memref<128x128xf32, #tpu.memory_space<vmem>>, vector<16x16xf32>
      tpu.vector_store %arg14[%swap3A_111, %swap3A_112], %get3A_110 {strides = array<i32>} : memref<128x128xf32, #tpu.memory_space<vmem>>, vector<16x16xf32>,
      %get3A_114 = arith.constant 0 : index
      %get3A_115 = arith.constant 0 : index
      %get3A_116 = vector.load %arg7[%get3A_114, %get3A_115] : memref<16x1xf32, #tpu.memory_space<vmem>>, vector<16x1xf32>
      %swap3A_117 = arith.constant 16 : index
      %swap3A_118 = arith.constant 1 : index
      %swap3A_119 = vector.load %arg11[%swap3A_117, %swap3A_118] : memref<128x8xf32, #tpu.memory_space<vmem>>, vector<16x1xf32>
      tpu.vector_store %arg11[%swap3A_117, %swap3A_118], %get3A_116 {strides = array<i32>} : memref<128x8xf32, #tpu.memory_space<vmem>>, vector<16x1xf32>,
      %get3A_120 = arith.constant 0 : index
      %get3A_121 = arith.constant 0 : index
      %get3A_122 = vector.load %arg8[%get3A_120, %get3A_121] : memref<16x1xf32, #tpu.memory_space<vmem>>, vector<16x1xf32>
      %swap3A_123 = arith.constant 16 : index
      %swap3A_124 = arith.constant 1 : index
      %swap3A_125 = vector.load %arg12[%swap3A_123, %swap3A_124] : memref<128x8xf32, #tpu.memory_space<vmem>>, vector<16x1xf32>
      tpu.vector_store %arg12[%swap3A_123, %swap3A_124], %get3A_122 {strides = array<i32>} : memref<128x8xf32, #tpu.memory_space<vmem>>, vector<16x1xf32>,
      %broadcast_in_dim3A_126 = arith.constant 1.000000e+00 : f32
      %broadcast_in_dim3A_127 = vector.broadcast %broadcast_in_dim3A_126 : f32 to vector<1x16xf32>
      %swap3A_128 = arith.constant 1 : index
      %swap3A_129 = arith.constant 16 : index
      %swap3A_130 = vector.load %arg13[%swap3A_128, %swap3A_129] : memref<8x128xf32, #tpu.memory_space<vmem>>, vector<1x16xf32>
      tpu.vector_store %arg13[%swap3A_128, %swap3A_129], %broadcast_in_dim3A_127 {strides = array<i32>} : memref<8x128xf32, #tpu.memory_space<vmem>>, vector<1x16xf32>,
      %get3A_131 = arith.constant 0 : index
      %get3A_132 = arith.constant 0 : index
      %get3A_133 = vector.load %arg9[%get3A_131, %get3A_132] : memref<16x16xf32, #tpu.memory_space<vmem>>, vector<16x16xf32>
      %swap3A_134 = arith.constant 16 : index
      %swap3A_135 = arith.constant 16 : index
      %swap3A_136 = vector.load %arg14[%swap3A_134, %swap3A_135] : memref<128x128xf32, #tpu.memory_space<vmem>>, vector<16x16xf32>
      tpu.vector_store %arg14[%swap3A_134, %swap3A_135], %get3A_133 {strides = array<i32>} : memref<128x128xf32, #tpu.memory_space<vmem>>, vector<16x16xf32>,
      %get3A_137 = arith.constant 0 : index
      %get3A_138 = arith.constant 0 : index
      %get3A_139 = vector.load %arg7[%get3A_137, %get3A_138] : memref<16x1xf32, #tpu.memory_space<vmem>>, vector<16x1xf32>
      %swap3A_140 = arith.constant 32 : index
      %swap3A_141 = arith.constant 2 : index
      %swap3A_142 = vector.load %arg11[%swap3A_140, %swap3A_141] : memref<128x8xf32, #tpu.memory_space<vmem>>, vector<16x1xf32>
      tpu.vector_store %arg11[%swap3A_140, %swap3A_141], %get3A_139 {strides = array<i32>} : memref<128x8xf32, #tpu.memory_space<vmem>>, vector<16x1xf32>,
      %get3A_143 = arith.constant 0 : index
      %get3A_144 = arith.constant 0 : index
      %get3A_145 = vector.load %arg8[%get3A_143, %get3A_144] : memref<16x1xf32, #tpu.memory_space<vmem>>, vector<16x1xf32>
      %swap3A_146 = arith.constant 32 : index
      %swap3A_147 = arith.constant 2 : index
      %swap3A_148 = vector.load %arg12[%swap3A_146, %swap3A_147] : memref<128x8xf32, #tpu.memory_space<vmem>>, vector<16x1xf32>
      tpu.vector_store %arg12[%swap3A_146, %swap3A_147], %get3A_145 {strides = array<i32>} : memref<128x8xf32, #tpu.memory_space<vmem>>, vector<16x1xf32>,
      %broadcast_in_dim3A_149 = arith.constant 1.000000e+00 : f32
      %broadcast_in_dim3A_150 = vector.broadcast %broadcast_in_dim3A_149 : f32 to vector<1x16xf32>
      %swap3A_151 = arith.constant 2 : index
      %swap3A_152 = arith.constant 32 : index
      %swap3A_153 = vector.load %arg13[%swap3A_151, %swap3A_152] : memref<8x128xf32, #tpu.memory_space<vmem>>, vector<1x16xf32>
      tpu.vector_store %arg13[%swap3A_151, %swap3A_152], %broadcast_in_dim3A_150 {strides = array<i32>} : memref<8x128xf32, #tpu.memory_space<vmem>>, vector<1x16xf32>,
      %get3A_154 = arith.constant 0 : index
      %get3A_155 = arith.constant 0 : index
      %get3A_156 = vector.load %arg9[%get3A_154, %get3A_155] : memref<16x16xf32, #tpu.memory_space<vmem>>, vector<16x16xf32>
      %swap3A_157 = arith.constant 32 : index
      %swap3A_158 = arith.constant 32 : index
      %swap3A_159 = vector.load %arg14[%swap3A_157, %swap3A_158] : memref<128x128xf32, #tpu.memory_space<vmem>>, vector<16x16xf32>
      tpu.vector_store %arg14[%swap3A_157, %swap3A_158], %get3A_156 {strides = array<i32>} : memref<128x128xf32, #tpu.memory_space<vmem>>, vector<16x16xf32>,
      %get3A_160 = arith.constant 0 : index
      %get3A_161 = arith.constant 0 : index
      %get3A_162 = vector.load %arg7[%get3A_160, %get3A_161] : memref<16x1xf32, #tpu.memory_space<vmem>>, vector<16x1xf32>
      %swap3A_163 = arith.constant 48 : index
      %swap3A_164 = arith.constant 3 : index
      %swap3A_165 = vector.load %arg11[%swap3A_163, %swap3A_164] : memref<128x8xf32, #tpu.memory_space<vmem>>, vector<16x1xf32>
      tpu.vector_store %arg11[%swap3A_163, %swap3A_164], %get3A_162 {strides = array<i32>} : memref<128x8xf32, #tpu.memory_space<vmem>>, vector<16x1xf32>,
      %get3A_166 = arith.constant 0 : index
      %get3A_167 = arith.constant 0 : index
      %get3A_168 = vector.load %arg8[%get3A_166, %get3A_167] : memref<16x1xf32, #tpu.memory_space<vmem>>, vector<16x1xf32>
      %swap3A_169 = arith.constant 48 : index
      %swap3A_170 = arith.constant 3 : index
      %swap3A_171 = vector.load %arg12[%swap3A_169, %swap3A_170] : memref<128x8xf32, #tpu.memory_space<vmem>>, vector<16x1xf32>
      tpu.vector_store %arg12[%swap3A_169, %swap3A_170], %get3A_168 {strides = array<i32>} : memref<128x8xf32, #tpu.memory_space<vmem>>, vector<16x1xf32>,
      %broadcast_in_dim3A_172 = arith.constant 1.000000e+00 : f32
      %broadcast_in_dim3A_173 = vector.broadcast %broadcast_in_dim3A_172 : f32 to vector<1x16xf32>
      %swap3A_174 = arith.constant 3 : index
      %swap3A_175 = arith.constant 48 : index
      %swap3A_176 = vector.load %arg13[%swap3A_174, %swap3A_175] : memref<8x128xf32, #tpu.memory_space<vmem>>, vector<1x16xf32>
      tpu.vector_store %arg13[%swap3A_174, %swap3A_175], %broadcast_in_dim3A_173 {strides = array<i32>} : memref<8x128xf32, #tpu.memory_space<vmem>>, vector<1x16xf32>,
      %get3A_177 = arith.constant 0 : index
      %get3A_178 = arith.constant 0 : index
      %get3A_179 = vector.load %arg9[%get3A_177, %get3A_178] : memref<16x16xf32, #tpu.memory_space<vmem>>, vector<16x16xf32>
      %swap3A_180 = arith.constant 48 : index
      %swap3A_181 = arith.constant 48 : index
      %swap3A_182 = vector.load %arg14[%swap3A_180, %swap3A_181] : memref<128x128xf32, #tpu.memory_space<vmem>>, vector<16x16xf32>
      tpu.vector_store %arg14[%swap3A_180, %swap3A_181], %get3A_179 {strides = array<i32>} : memref<128x128xf32, #tpu.memory_space<vmem>>, vector<16x16xf32>,
      %get3A_183 = arith.constant 0 : index
      %get3A_184 = arith.constant 0 : index
      %get3A_185 = vector.load %arg7[%get3A_183, %get3A_184] : memref<16x1xf32, #tpu.memory_space<vmem>>, vector<16x1xf32>
      %swap3A_186 = arith.constant 64 : index
      %swap3A_187 = arith.constant 4 : index
      %swap3A_188 = vector.load %arg11[%swap3A_186, %swap3A_187] : memref<128x8xf32, #tpu.memory_space<vmem>>, vector<16x1xf32>
      tpu.vector_store %arg11[%swap3A_186, %swap3A_187], %get3A_185 {strides = array<i32>} : memref<128x8xf32, #tpu.memory_space<vmem>>, vector<16x1xf32>,
      %get3A_189 = arith.constant 0 : index
      %get3A_190 = arith.constant 0 : index
      %get3A_191 = vector.load %arg8[%get3A_189, %get3A_190] : memref<16x1xf32, #tpu.memory_space<vmem>>, vector<16x1xf32>
      %swap3A_192 = arith.constant 64 : index
      %swap3A_193 = arith.constant 4 : index
      %swap3A_194 = vector.load %arg12[%swap3A_192, %swap3A_193] : memref<128x8xf32, #tpu.memory_space<vmem>>, vector<16x1xf32>
      tpu.vector_store %arg12[%swap3A_192, %swap3A_193], %get3A_191 {strides = array<i32>} : memref<128x8xf32, #tpu.memory_space<vmem>>, vector<16x1xf32>,
      %broadcast_in_dim3A_195 = arith.constant 1.000000e+00 : f32
      %broadcast_in_dim3A_196 = vector.broadcast %broadcast_in_dim3A_195 : f32 to vector<1x16xf32>
      %swap3A_197 = arith.constant 4 : index
      %swap3A_198 = arith.constant 64 : index
      %swap3A_199 = vector.load %arg13[%swap3A_197, %swap3A_198] : memref<8x128xf32, #tpu.memory_space<vmem>>, vector<1x16xf32>
      tpu.vector_store %arg13[%swap3A_197, %swap3A_198], %broadcast_in_dim3A_196 {strides = array<i32>} : memref<8x128xf32, #tpu.memory_space<vmem>>, vector<1x16xf32>,
      %get3A_200 = arith.constant 0 : index
      %get3A_201 = arith.constant 0 : index
      %get3A_202 = vector.load %arg9[%get3A_200, %get3A_201] : memref<16x16xf32, #tpu.memory_space<vmem>>, vector<16x16xf32>
      %swap3A_203 = arith.constant 64 : index
      %swap3A_204 = arith.constant 64 : index
      %swap3A_205 = vector.load %arg14[%swap3A_203, %swap3A_204] : memref<128x128xf32, #tpu.memory_space<vmem>>, vector<16x16xf32>
      tpu.vector_store %arg14[%swap3A_203, %swap3A_204], %get3A_202 {strides = array<i32>} : memref<128x128xf32, #tpu.memory_space<vmem>>, vector<16x16xf32>,
      %get3A_206 = arith.constant 0 : index
      %get3A_207 = arith.constant 0 : index
      %get3A_208 = vector.load %arg7[%get3A_206, %get3A_207] : memref<16x1xf32, #tpu.memory_space<vmem>>, vector<16x1xf32>
      %swap3A_209 = arith.constant 80 : index
      %swap3A_210 = arith.constant 5 : index
      %swap3A_211 = vector.load %arg11[%swap3A_209, %swap3A_210] : memref<128x8xf32, #tpu.memory_space<vmem>>, vector<16x1xf32>
      tpu.vector_store %arg11[%swap3A_209, %swap3A_210], %get3A_208 {strides = array<i32>} : memref<128x8xf32, #tpu.memory_space<vmem>>, vector<16x1xf32>,
      %get3A_212 = arith.constant 0 : index
      %get3A_213 = arith.constant 0 : index
      %get3A_214 = vector.load %arg8[%get3A_212, %get3A_213] : memref<16x1xf32, #tpu.memory_space<vmem>>, vector<16x1xf32>
      %swap3A_215 = arith.constant 80 : index
      %swap3A_216 = arith.constant 5 : index
      %swap3A_217 = vector.load %arg12[%swap3A_215, %swap3A_216] : memref<128x8xf32, #tpu.memory_space<vmem>>, vector<16x1xf32>
      tpu.vector_store %arg12[%swap3A_215, %swap3A_216], %get3A_214 {strides = array<i32>} : memref<128x8xf32, #tpu.memory_space<vmem>>, vector<16x1xf32>,
      %broadcast_in_dim3A_218 = arith.constant 1.000000e+00 : f32
      %broadcast_in_dim3A_219 = vector.broadcast %broadcast_in_dim3A_218 : f32 to vector<1x16xf32>
      %swap3A_220 = arith.constant 5 : index
      %swap3A_221 = arith.constant 80 : index
      %swap3A_222 = vector.load %arg13[%swap3A_220, %swap3A_221] : memref<8x128xf32, #tpu.memory_space<vmem>>, vector<1x16xf32>
      tpu.vector_store %arg13[%swap3A_220, %swap3A_221], %broadcast_in_dim3A_219 {strides = array<i32>} : memref<8x128xf32, #tpu.memory_space<vmem>>, vector<1x16xf32>,
      %get3A_223 = arith.constant 0 : index
      %get3A_224 = arith.constant 0 : index
      %get3A_225 = vector.load %arg9[%get3A_223, %get3A_224] : memref<16x16xf32, #tpu.memory_space<vmem>>, vector<16x16xf32>
      %swap3A_226 = arith.constant 80 : index
      %swap3A_227 = arith.constant 80 : index
      %swap3A_228 = vector.load %arg14[%swap3A_226, %swap3A_227] : memref<128x128xf32, #tpu.memory_space<vmem>>, vector<16x16xf32>
      tpu.vector_store %arg14[%swap3A_226, %swap3A_227], %get3A_225 {strides = array<i32>} : memref<128x128xf32, #tpu.memory_space<vmem>>, vector<16x16xf32>,
      %get3A_229 = arith.constant 0 : index
      %get3A_230 = arith.constant 0 : index
      %get3A_231 = vector.load %arg7[%get3A_229, %get3A_230] : memref<16x1xf32, #tpu.memory_space<vmem>>, vector<16x1xf32>
      %swap3A_232 = arith.constant 96 : index
      %swap3A_233 = arith.constant 6 : index
      %swap3A_234 = vector.load %arg11[%swap3A_232, %swap3A_233] : memref<128x8xf32, #tpu.memory_space<vmem>>, vector<16x1xf32>
      tpu.vector_store %arg11[%swap3A_232, %swap3A_233], %get3A_231 {strides = array<i32>} : memref<128x8xf32, #tpu.memory_space<vmem>>, vector<16x1xf32>,
      %get3A_235 = arith.constant 0 : index
      %get3A_236 = arith.constant 0 : index
      %get3A_237 = vector.load %arg8[%get3A_235, %get3A_236] : memref<16x1xf32, #tpu.memory_space<vmem>>, vector<16x1xf32>
      %swap3A_238 = arith.constant 96 : index
      %swap3A_239 = arith.constant 6 : index
      %swap3A_240 = vector.load %arg12[%swap3A_238, %swap3A_239] : memref<128x8xf32, #tpu.memory_space<vmem>>, vector<16x1xf32>
      tpu.vector_store %arg12[%swap3A_238, %swap3A_239], %get3A_237 {strides = array<i32>} : memref<128x8xf32, #tpu.memory_space<vmem>>, vector<16x1xf32>,
      %broadcast_in_dim3A_241 = arith.constant 1.000000e+00 : f32
      %broadcast_in_dim3A_242 = vector.broadcast %broadcast_in_dim3A_241 : f32 to vector<1x16xf32>
      %swap3A_243 = arith.constant 6 : index
      %swap3A_244 = arith.constant 96 : index
      %swap3A_245 = vector.load %arg13[%swap3A_243, %swap3A_244] : memref<8x128xf32, #tpu.memory_space<vmem>>, vector<1x16xf32>
      tpu.vector_store %arg13[%swap3A_243, %swap3A_244], %broadcast_in_dim3A_242 {strides = array<i32>} : memref<8x128xf32, #tpu.memory_space<vmem>>, vector<1x16xf32>,
      %get3A_246 = arith.constant 0 : index
      %get3A_247 = arith.constant 0 : index
      %get3A_248 = vector.load %arg9[%get3A_246, %get3A_247] : memref<16x16xf32, #tpu.memory_space<vmem>>, vector<16x16xf32>
      %swap3A_249 = arith.constant 96 : index
      %swap3A_250 = arith.constant 96 : index
      %swap3A_251 = vector.load %arg14[%swap3A_249, %swap3A_250] : memref<128x128xf32, #tpu.memory_space<vmem>>, vector<16x16xf32>
      tpu.vector_store %arg14[%swap3A_249, %swap3A_250], %get3A_248 {strides = array<i32>} : memref<128x128xf32, #tpu.memory_space<vmem>>, vector<16x16xf32>,
      %get3A_252 = arith.constant 0 : index
      %get3A_253 = arith.constant 0 : index
      %get3A_254 = vector.load %arg7[%get3A_252, %get3A_253] : memref<16x1xf32, #tpu.memory_space<vmem>>, vector<16x1xf32>
      %swap3A_255 = arith.constant 112 : index
      %swap3A_256 = arith.constant 7 : index
      %swap3A_257 = vector.load %arg11[%swap3A_255, %swap3A_256] : memref<128x8xf32, #tpu.memory_space<vmem>>, vector<16x1xf32>
      tpu.vector_store %arg11[%swap3A_255, %swap3A_256], %get3A_254 {strides = array<i32>} : memref<128x8xf32, #tpu.memory_space<vmem>>, vector<16x1xf32>,
      %get3A_258 = arith.constant 0 : index
      %get3A_259 = arith.constant 0 : index
      %get3A_260 = vector.load %arg8[%get3A_258, %get3A_259] : memref<16x1xf32, #tpu.memory_space<vmem>>, vector<16x1xf32>
      %swap3A_261 = arith.constant 112 : index
      %swap3A_262 = arith.constant 7 : index
      %swap3A_263 = vector.load %arg12[%swap3A_261, %swap3A_262] : memref<128x8xf32, #tpu.memory_space<vmem>>, vector<16x1xf32>
      tpu.vector_store %arg12[%swap3A_261, %swap3A_262], %get3A_260 {strides = array<i32>} : memref<128x8xf32, #tpu.memory_space<vmem>>, vector<16x1xf32>,
      %broadcast_in_dim3A_264 = arith.constant 1.000000e+00 : f32
      %broadcast_in_dim3A_265 = vector.broadcast %broadcast_in_dim3A_264 : f32 to vector<1x16xf32>
      %swap3A_266 = arith.constant 7 : index
      %swap3A_267 = arith.constant 112 : index
      %swap3A_268 = vector.load %arg13[%swap3A_266, %swap3A_267] : memref<8x128xf32, #tpu.memory_space<vmem>>, vector<1x16xf32>
      tpu.vector_store %arg13[%swap3A_266, %swap3A_267], %broadcast_in_dim3A_265 {strides = array<i32>} : memref<8x128xf32, #tpu.memory_space<vmem>>, vector<1x16xf32>,
      %get3A_269 = arith.constant 0 : index
      %get3A_270 = arith.constant 0 : index
      %get3A_271 = vector.load %arg9[%get3A_269, %get3A_270] : memref<16x16xf32, #tpu.memory_space<vmem>>, vector<16x16xf32>
      %swap3A_272 = arith.constant 112 : index
      %swap3A_273 = arith.constant 112 : index
      %swap3A_274 = vector.load %arg14[%swap3A_272, %swap3A_273] : memref<128x128xf32, #tpu.memory_space<vmem>>, vector<16x16xf32>
      tpu.vector_store %arg14[%swap3A_272, %swap3A_273], %get3A_271 {strides = array<i32>} : memref<128x128xf32, #tpu.memory_space<vmem>>, vector<16x16xf32>,
    } else {
    }
    %get3A = arith.constant 0 : index
    %get3A_2 = arith.constant 0 : index
    %get3A_3 = vector.load %arg4[%get3A, %get3A_2] : memref<160x128xf32, #tpu.memory_space<vmem>>, vector<160x128xf32>
    %get3A_4 = arith.constant 0 : index
    %get3A_5 = arith.constant 0 : index
    %get3A_6 = vector.load %arg1[%get3A_4, %get3A_5] : memref<160x128xf32, #tpu.memory_space<vmem>>, vector<160x128xf32>
    %get3A_7 = arith.constant 0 : index
    %get3A_8 = arith.constant 0 : index
    %get3A_9 = vector.load %arg2[%get3A_7, %get3A_8] : memref<160x128xf32, #tpu.memory_space<vmem>>, vector<160x128xf32>
    %add3A = arith.addf %get3A_6, %get3A_9 : vector<160x128xf32>
    %get3A_10 = arith.constant 0 : index
    %get3A_11 = arith.constant 0 : index
    %get3A_12 = vector.load %arg3[%get3A_10, %get3A_11] : memref<160x128xf32, #tpu.memory_space<vmem>>, vector<160x128xf32>
    %add3A_13 = arith.addf %add3A, %get3A_12 : vector<160x128xf32>
    %mul3A = arith.mulf %get3A_3, %add3A_13 : vector<160x128xf32>
    %get3A_14 = arith.constant 0 : index
    %get3A_15 = arith.constant 0 : index
    %get3A_16 = vector.load %arg6[%get3A_14, %get3A_15] : memref<1x16xf32, #tpu.memory_space<vmem>>, vector<1x16xf32>
    %tile3A = tpu.concatenate %get3A_16, %get3A_16, %get3A_16, %get3A_16, %get3A_16, %get3A_16, %get3A_16, %get3A_16 in 1 : vector<1x16xf32>, vector<1x16xf32>, vector<1x16xf32>, vector<1x16xf32>, vector<1x16xf32>, vector<1x16xf32>, vector<1x16xf32>, vector<1x16xf32> -> vector<1x128xf32>
    %add3A_17 = vector.broadcast %tile3A : vector<1x128xf32> to vector<160x128xf32>
    %add3A_18 = arith.addf %mul3A, %add3A_17 : vector<160x128xf32>
    %max3A = arith.constant 0.000000e+00 : f32
    %max3A_19 = vector.broadcast %max3A : f32 to vector<160x128xf32>
    %max3A_20 = arith.maximumf %add3A_18, %max3A_19 : vector<160x128xf32>
    %get3A_21 = arith.constant 0 : index
    %get3A_22 = arith.constant 0 : index
    %get3A_23 = vector.load %arg5[%get3A_21, %get3A_22] : memref<160x128xf32, #tpu.memory_space<vmem>>, vector<160x128xf32>
    %get3A_24 = arith.constant 0 : index
    %get3A_25 = arith.constant 0 : index
    %get3A_26 = vector.load %arg7[%get3A_24, %get3A_25] : memref<16x1xf32, #tpu.memory_space<vmem>>, vector<16x1xf32>
    %get3A_27 = arith.constant 0 : index
    %get3A_28 = arith.constant 0 : index
    %get3A_29 = vector.load %arg8[%get3A_27, %get3A_28] : memref<16x1xf32, #tpu.memory_space<vmem>>, vector<16x1xf32>
    %mul3A_30 = arith.mulf %get3A_26, %get3A_26 : vector<16x1xf32>
    %reduce_sum3A = vector.shape_cast %mul3A_30 : vector<16x1xf32> to vector<1x16x1xf32>
    %reduce_sum3A_31 = arith.constant dense<0.000000e+00> : vector<1xf32>
    %reduce_sum3A_32 = vector.multi_reduction <add>, %reduce_sum3A, %reduce_sum3A_31 [1, 2] : vector<1x16x1xf32> to vector<1xf32>
    %reduce_sum3A_33 = vector.shape_cast %reduce_sum3A_32 : vector<1xf32> to vector<1x1x1xf32>
    %reduce_sum3A_34 = vector.extract %reduce_sum3A_33[0, 0, 0] : f32 from vector<1x1x1xf32>
    %mul3A_35 = arith.mulf %get3A_29, %get3A_29 : vector<16x1xf32>
    %reduce_sum3A_36 = vector.shape_cast %mul3A_35 : vector<16x1xf32> to vector<1x16x1xf32>
    %reduce_sum3A_37 = arith.constant dense<0.000000e+00> : vector<1xf32>
    %reduce_sum3A_38 = vector.multi_reduction <add>, %reduce_sum3A_36, %reduce_sum3A_37 [1, 2] : vector<1x16x1xf32> to vector<1xf32>
    %reduce_sum3A_39 = vector.shape_cast %reduce_sum3A_38 : vector<1xf32> to vector<1x1x1xf32>
    %reduce_sum3A_40 = vector.extract %reduce_sum3A_39[0, 0, 0] : f32 from vector<1x1x1xf32>
    %add3A_41 = arith.addf %reduce_sum3A_34, %reduce_sum3A_40 : f32
    %rsqrt3A = math.rsqrt %add3A_41 : f32
    %get3A_42 = arith.constant 0 : index
    %get3A_43 = arith.constant 0 : index
    %get3A_44 = vector.load %arg11[%get3A_42, %get3A_43] : memref<128x8xf32, #tpu.memory_space<vmem>>, vector<128x8xf32>
    %dot_general3A = arith.constant dense<0.000000e+00> : vector<160x8xf32>
    %dot_general3A_45 = tpu.matmul %max3A_20, %get3A_44, %dot_general3A {dimension_numbers = #tpu.dot_dimension_numbers<[1], [0], [0], [1], [0, 0, 1, 1], [], []>, transpose_lhs_hint = false} : vector<160x128xf32>, vector<128x8xf32>, vector<160x8xf32> -> vector<160x8xf32>
    %get3A_46 = arith.constant 0 : index
    %get3A_47 = arith.constant 0 : index
    %get3A_48 = vector.load %arg12[%get3A_46, %get3A_47] : memref<128x8xf32, #tpu.memory_space<vmem>>, vector<128x8xf32>
    %dot_general3A_49 = arith.constant dense<0.000000e+00> : vector<160x8xf32>
    %dot_general3A_50 = tpu.matmul %get3A_23, %get3A_48, %dot_general3A_49 {dimension_numbers = #tpu.dot_dimension_numbers<[1], [0], [0], [1], [0, 0, 1, 1], [], []>, transpose_lhs_hint = false} : vector<160x128xf32>, vector<128x8xf32>, vector<160x8xf32> -> vector<160x8xf32>
    %add3A_51 = arith.addf %dot_general3A_45, %dot_general3A_50 : vector<160x8xf32>
    %mul3A_52 = vector.broadcast %rsqrt3A : f32 to vector<160x8xf32>
    %mul3A_53 = arith.mulf %add3A_51, %mul3A_52 : vector<160x8xf32>
    %logistic3A = arith.negf %mul3A_53 : vector<160x8xf32>
    %logistic3A_54 = math.exp %logistic3A : vector<160x8xf32>
    %logistic3A_55 = arith.constant 1.000000e+00 : f32
    %logistic3A_56 = vector.broadcast %logistic3A_55 : f32 to vector<160x8xf32>
    %logistic3A_57 = arith.addf %logistic3A_56, %logistic3A_54 : vector<160x8xf32>
    %logistic3A_58 = arith.divf %logistic3A_56, %logistic3A_57 : vector<160x8xf32>
    %get3A_59 = arith.constant 0 : index
    %get3A_60 = arith.constant 0 : index
    %get3A_61 = vector.load %arg13[%get3A_59, %get3A_60] : memref<8x128xf32, #tpu.memory_space<vmem>>, vector<8x128xf32>
    %dot_general3A_62 = arith.constant dense<0.000000e+00> : vector<160x128xf32>
    %dot_general3A_63 = tpu.matmul %logistic3A_58, %get3A_61, %dot_general3A_62 {dimension_numbers = #tpu.dot_dimension_numbers<[1], [0], [0], [1], [0, 0, 1, 1], [], []>, transpose_lhs_hint = false} : vector<160x8xf32>, vector<8x128xf32>, vector<160x128xf32> -> vector<160x128xf32>
    %mul3A_64 = arith.mulf %dot_general3A_63, %max3A_20 : vector<160x128xf32>
    %sub3A = arith.constant 1.000000e+00 : f32
    %sub3A_65 = vector.broadcast %sub3A : f32 to vector<160x128xf32>
    %sub3A_66 = arith.subf %sub3A_65, %dot_general3A_63 : vector<160x128xf32>
    %mul3A_67 = arith.mulf %sub3A_66, %get3A_23 : vector<160x128xf32>
    %add3A_68 = arith.addf %mul3A_64, %mul3A_67 : vector<160x128xf32>
    %mul3A_69 = arith.mulf %get3A_3, %add3A_68 : vector<160x128xf32>
    %swap3A = arith.constant 0 : index
    %swap3A_70 = arith.constant 0 : index
    %swap3A_71 = vector.load %arg10[%swap3A, %swap3A_70] : memref<160x128xf32, #tpu.memory_space<vmem>>, vector<160x128xf32>
    tpu.vector_store %arg10[%swap3A, %swap3A_70], %mul3A_69 {strides = array<i32>} : memref<160x128xf32, #tpu.memory_space<vmem>>, vector<160x128xf32>,
    return
  }
  func.func @transform_0(%arg0: i32) -> (i32, i32) {
    %c0_i32 = arith.constant 0 : i32
    %c0_i32_0 = arith.constant 0 : i32
    return %arg0, %c0_i32 : i32, i32
  }
  func.func @transform_1(%arg0: i32) -> (i32, i32) {
    %c0_i32 = arith.constant 0 : i32
    %c0_i32_0 = arith.constant 0 : i32
    return %arg0, %c0_i32 : i32, i32
  }
  func.func @transform_2(%arg0: i32) -> (i32, i32) {
    %c0_i32 = arith.constant 0 : i32
    %c0_i32_0 = arith.constant 0 : i32
    return %arg0, %c0_i32 : i32, i32
  }
  func.func @transform_3(%arg0: i32) -> (i32, i32) {
    %c0_i32 = arith.constant 0 : i32
    %c0_i32_0 = arith.constant 0 : i32
    return %arg0, %c0_i32 : i32, i32
  }
  func.func @transform_4(%arg0: i32) -> (i32, i32) {
    %c0_i32 = arith.constant 0 : i32
    %c0_i32_0 = arith.constant 0 : i32
    return %arg0, %c0_i32 : i32, i32
  }
  func.func @transform_5(%arg0: i32) -> (i32, i32) {
    %c0_i32 = arith.constant 0 : i32
    %c0_i32_0 = arith.constant 0 : i32
    %c0_i32_1 = arith.constant 0 : i32
    return %c0_i32, %c0_i32_0 : i32, i32
  }
  func.func @transform_6(%arg0: i32) -> (i32, i32) {
    %c0_i32 = arith.constant 0 : i32
    %c0_i32_0 = arith.constant 0 : i32
    %c0_i32_1 = arith.constant 0 : i32
    return %c0_i32, %c0_i32_0 : i32, i32
  }
  func.func @transform_7(%arg0: i32) -> (i32, i32) {
    %c0_i32 = arith.constant 0 : i32
    %c0_i32_0 = arith.constant 0 : i32
    %c0_i32_1 = arith.constant 0 : i32
    return %c0_i32, %c0_i32_0 : i32, i32
  }
  func.func @transform_8(%arg0: i32) -> (i32, i32) {
    %c0_i32 = arith.constant 0 : i32
    %c0_i32_0 = arith.constant 0 : i32
    %c0_i32_1 = arith.constant 0 : i32
    return %c0_i32, %c0_i32_0 : i32, i32
  }
  func.func @transform_9(%arg0: i32) -> (i32, i32) {
    %c0_i32 = arith.constant 0 : i32
    %c0_i32_0 = arith.constant 0 : i32
    return %arg0, %c0_i32 : i32, i32
  }
}

module attributes {stable_mosaic.version = 14 : i64} {
  func.func @_final_body(%arg0: i32, %arg1: memref<160x128xf32, #tpu.memory_space<vmem>>, %arg2: memref<160x128xf32, #tpu.memory_space<vmem>>, %arg3: memref<160x128xf32, #tpu.memory_space<vmem>>, %arg4: memref<160x128xf32, #tpu.memory_space<vmem>>, %arg5: memref<16x64xf32, #tpu.memory_space<vmem>>, %arg6: memref<1x64xf32, #tpu.memory_space<vmem>>, %arg7: memref<1280x64xf32, #tpu.memory_space<vmem>>, %arg8: memref<128x512xf32, #tpu.memory_space<vmem>>) attributes {dimension_semantics = [#tpu.dimension_semantics<arbitrary>], iteration_bounds = array<i64: 8>, scalar_prefetch = 0 : i64, scratch_operands = 1 : i64, tpu.core_type = #tpu.core_type<tc>, window_params = [{transform_indices = @transform_0, window_bounds = array<i64: 160, 128>}, {transform_indices = @transform_1, window_bounds = array<i64: 160, 128>}, {transform_indices = @transform_2, window_bounds = array<i64: 160, 128>}, {transform_indices = @transform_3, window_bounds = array<i64: 160, 128>}, {pipeline_mode = #tpu.pipeline_mode<synchronous>, transform_indices = @transform_4, window_bounds = array<i64: 16, 64>}, {pipeline_mode = #tpu.pipeline_mode<synchronous>, transform_indices = @transform_5, window_bounds = array<i64: 1, 64>}, {transform_indices = @transform_6, window_bounds = array<i64: 1280, 64>}]} {
    %eq3A = arith.constant 0 : i32
    %eq3A_0 = arith.cmpi eq, %arg0, %eq3A : i32
    %convert_element_type3A = arith.extui %eq3A_0 : i1 to i32
    %cond3A = arith.constant 0 : i32
    %cond3A_1 = arith.cmpi ne, %convert_element_type3A, %cond3A : i32
    scf.if %cond3A_1 {
      %broadcast_in_dim3A_32 = arith.constant 0.000000e+00 : f32
      %broadcast_in_dim3A_33 = vector.broadcast %broadcast_in_dim3A_32 : f32 to vector<128x512xf32>
      %swap3A_34 = arith.constant 0 : index
      %swap3A_35 = arith.constant 0 : index
      %swap3A_36 = vector.load %arg8[%swap3A_34, %swap3A_35] : memref<128x512xf32, #tpu.memory_space<vmem>>, vector<128x512xf32>
      tpu.vector_store %arg8[%swap3A_34, %swap3A_35], %broadcast_in_dim3A_33 {strides = array<i32>} : memref<128x512xf32, #tpu.memory_space<vmem>>, vector<128x512xf32>,
      %get3A_37 = arith.constant 0 : index
      %get3A_38 = arith.constant 0 : index
      %get3A_39 = vector.load %arg5[%get3A_37, %get3A_38] : memref<16x64xf32, #tpu.memory_space<vmem>>, vector<16x64xf32>
      %swap3A_40 = arith.constant 0 : index
      %swap3A_41 = arith.constant 0 : index
      %swap3A_42 = vector.load %arg8[%swap3A_40, %swap3A_41] : memref<128x512xf32, #tpu.memory_space<vmem>>, vector<16x64xf32>
      tpu.vector_store %arg8[%swap3A_40, %swap3A_41], %get3A_39 {strides = array<i32>} : memref<128x512xf32, #tpu.memory_space<vmem>>, vector<16x64xf32>,
      %get3A_43 = arith.constant 0 : index
      %get3A_44 = arith.constant 0 : index
      %get3A_45 = vector.load %arg5[%get3A_43, %get3A_44] : memref<16x64xf32, #tpu.memory_space<vmem>>, vector<16x64xf32>
      %swap3A_46 = arith.constant 16 : index
      %swap3A_47 = arith.constant 64 : index
      %swap3A_48 = vector.load %arg8[%swap3A_46, %swap3A_47] : memref<128x512xf32, #tpu.memory_space<vmem>>, vector<16x64xf32>
      tpu.vector_store %arg8[%swap3A_46, %swap3A_47], %get3A_45 {strides = array<i32>} : memref<128x512xf32, #tpu.memory_space<vmem>>, vector<16x64xf32>,
      %get3A_49 = arith.constant 0 : index
      %get3A_50 = arith.constant 0 : index
      %get3A_51 = vector.load %arg5[%get3A_49, %get3A_50] : memref<16x64xf32, #tpu.memory_space<vmem>>, vector<16x64xf32>
      %swap3A_52 = arith.constant 32 : index
      %swap3A_53 = arith.constant 128 : index
      %swap3A_54 = vector.load %arg8[%swap3A_52, %swap3A_53] : memref<128x512xf32, #tpu.memory_space<vmem>>, vector<16x64xf32>
      tpu.vector_store %arg8[%swap3A_52, %swap3A_53], %get3A_51 {strides = array<i32>} : memref<128x512xf32, #tpu.memory_space<vmem>>, vector<16x64xf32>,
      %get3A_55 = arith.constant 0 : index
      %get3A_56 = arith.constant 0 : index
      %get3A_57 = vector.load %arg5[%get3A_55, %get3A_56] : memref<16x64xf32, #tpu.memory_space<vmem>>, vector<16x64xf32>
      %swap3A_58 = arith.constant 48 : index
      %swap3A_59 = arith.constant 192 : index
      %swap3A_60 = vector.load %arg8[%swap3A_58, %swap3A_59] : memref<128x512xf32, #tpu.memory_space<vmem>>, vector<16x64xf32>
      tpu.vector_store %arg8[%swap3A_58, %swap3A_59], %get3A_57 {strides = array<i32>} : memref<128x512xf32, #tpu.memory_space<vmem>>, vector<16x64xf32>,
      %get3A_61 = arith.constant 0 : index
      %get3A_62 = arith.constant 0 : index
      %get3A_63 = vector.load %arg5[%get3A_61, %get3A_62] : memref<16x64xf32, #tpu.memory_space<vmem>>, vector<16x64xf32>
      %swap3A_64 = arith.constant 64 : index
      %swap3A_65 = arith.constant 256 : index
      %swap3A_66 = vector.load %arg8[%swap3A_64, %swap3A_65] : memref<128x512xf32, #tpu.memory_space<vmem>>, vector<16x64xf32>
      tpu.vector_store %arg8[%swap3A_64, %swap3A_65], %get3A_63 {strides = array<i32>} : memref<128x512xf32, #tpu.memory_space<vmem>>, vector<16x64xf32>,
      %get3A_67 = arith.constant 0 : index
      %get3A_68 = arith.constant 0 : index
      %get3A_69 = vector.load %arg5[%get3A_67, %get3A_68] : memref<16x64xf32, #tpu.memory_space<vmem>>, vector<16x64xf32>
      %swap3A_70 = arith.constant 80 : index
      %swap3A_71 = arith.constant 320 : index
      %swap3A_72 = vector.load %arg8[%swap3A_70, %swap3A_71] : memref<128x512xf32, #tpu.memory_space<vmem>>, vector<16x64xf32>
      tpu.vector_store %arg8[%swap3A_70, %swap3A_71], %get3A_69 {strides = array<i32>} : memref<128x512xf32, #tpu.memory_space<vmem>>, vector<16x64xf32>,
      %get3A_73 = arith.constant 0 : index
      %get3A_74 = arith.constant 0 : index
      %get3A_75 = vector.load %arg5[%get3A_73, %get3A_74] : memref<16x64xf32, #tpu.memory_space<vmem>>, vector<16x64xf32>
      %swap3A_76 = arith.constant 96 : index
      %swap3A_77 = arith.constant 384 : index
      %swap3A_78 = vector.load %arg8[%swap3A_76, %swap3A_77] : memref<128x512xf32, #tpu.memory_space<vmem>>, vector<16x64xf32>
      tpu.vector_store %arg8[%swap3A_76, %swap3A_77], %get3A_75 {strides = array<i32>} : memref<128x512xf32, #tpu.memory_space<vmem>>, vector<16x64xf32>,
      %get3A_79 = arith.constant 0 : index
      %get3A_80 = arith.constant 0 : index
      %get3A_81 = vector.load %arg5[%get3A_79, %get3A_80] : memref<16x64xf32, #tpu.memory_space<vmem>>, vector<16x64xf32>
      %swap3A_82 = arith.constant 112 : index
      %swap3A_83 = arith.constant 448 : index
      %swap3A_84 = vector.load %arg8[%swap3A_82, %swap3A_83] : memref<128x512xf32, #tpu.memory_space<vmem>>, vector<16x64xf32>
      tpu.vector_store %arg8[%swap3A_82, %swap3A_83], %get3A_81 {strides = array<i32>} : memref<128x512xf32, #tpu.memory_space<vmem>>, vector<16x64xf32>,
    } else {
    }
    %get3A = arith.constant 0 : index
    %get3A_2 = arith.constant 0 : index
    %get3A_3 = vector.load %arg4[%get3A, %get3A_2] : memref<160x128xf32, #tpu.memory_space<vmem>>, vector<160x128xf32>
    %get3A_4 = arith.constant 0 : index
    %get3A_5 = arith.constant 0 : index
    %get3A_6 = vector.load %arg1[%get3A_4, %get3A_5] : memref<160x128xf32, #tpu.memory_space<vmem>>, vector<160x128xf32>
    %get3A_7 = arith.constant 0 : index
    %get3A_8 = arith.constant 0 : index
    %get3A_9 = vector.load %arg2[%get3A_7, %get3A_8] : memref<160x128xf32, #tpu.memory_space<vmem>>, vector<160x128xf32>
    %add3A = arith.addf %get3A_6, %get3A_9 : vector<160x128xf32>
    %get3A_10 = arith.constant 0 : index
    %get3A_11 = arith.constant 0 : index
    %get3A_12 = vector.load %arg3[%get3A_10, %get3A_11] : memref<160x128xf32, #tpu.memory_space<vmem>>, vector<160x128xf32>
    %add3A_13 = arith.addf %add3A, %get3A_12 : vector<160x128xf32>
    %mul3A = arith.mulf %get3A_3, %add3A_13 : vector<160x128xf32>
    %get3A_14 = arith.constant 0 : index
    %get3A_15 = arith.constant 0 : index
    %get3A_16 = vector.load %arg8[%get3A_14, %get3A_15] : memref<128x512xf32, #tpu.memory_space<vmem>>, vector<128x512xf32>
    %dot_general3A = arith.constant dense<0.000000e+00> : vector<160x512xf32>
    %dot_general3A_17 = tpu.matmul %mul3A, %get3A_16, %dot_general3A {dimension_numbers = #tpu.dot_dimension_numbers<[1], [0], [0], [1], [0, 0, 1, 1], [], []>, transpose_lhs_hint = false} : vector<160x128xf32>, vector<128x512xf32>, vector<160x512xf32> -> vector<160x512xf32>
    %get3A_18 = arith.constant 0 : index
    %get3A_19 = arith.constant 0 : index
    %get3A_20 = vector.load %arg6[%get3A_18, %get3A_19] : memref<1x64xf32, #tpu.memory_space<vmem>>, vector<1x64xf32>
    %tile3A = tpu.concatenate %get3A_20, %get3A_20, %get3A_20, %get3A_20, %get3A_20, %get3A_20, %get3A_20, %get3A_20 in 1 : vector<1x64xf32>, vector<1x64xf32>, vector<1x64xf32>, vector<1x64xf32>, vector<1x64xf32>, vector<1x64xf32>, vector<1x64xf32>, vector<1x64xf32> -> vector<1x512xf32>
    %add3A_21 = vector.broadcast %tile3A : vector<1x512xf32> to vector<160x512xf32>
    %add3A_22 = arith.addf %dot_general3A_17, %add3A_21 : vector<160x512xf32>
    %reshape3A = vector.shape_cast %add3A_22 : vector<160x512xf32> to vector<160x8x64xf32>
    %reduce_max3A = arith.constant dense<0xFF800000> : vector<160x8xf32>
    %reduce_max3A_23 = vector.multi_reduction <maximumf>, %reshape3A, %reduce_max3A [2] : vector<160x8x64xf32> to vector<160x8xf32>
    %broadcast_in_dim3A = vector.shape_cast %reduce_max3A_23 : vector<160x8xf32> to vector<160x8x1xf32>
    %sub3A = vector.broadcast %broadcast_in_dim3A : vector<160x8x1xf32> to vector<160x8x64xf32>
    %sub3A_24 = arith.subf %reshape3A, %sub3A : vector<160x8x64xf32>
    %exp3A = math.exp %sub3A_24 : vector<160x8x64xf32>
    %reduce_sum3A = arith.constant dense<0.000000e+00> : vector<160x8xf32>
    %reduce_sum3A_25 = vector.multi_reduction <add>, %exp3A, %reduce_sum3A [2] : vector<160x8x64xf32> to vector<160x8xf32>
    %broadcast_in_dim3A_26 = vector.shape_cast %reduce_sum3A_25 : vector<160x8xf32> to vector<160x8x1xf32>
    %log3A = math.log %broadcast_in_dim3A_26 : vector<160x8x1xf32>
    %sub3A_27 = vector.broadcast %log3A : vector<160x8x1xf32> to vector<160x8x64xf32>
    %sub3A_28 = arith.subf %sub3A_24, %sub3A_27 : vector<160x8x64xf32>
    %reshape3A_29 = vector.shape_cast %sub3A_28 : vector<160x8x64xf32> to vector<1280x64xf32>
    %swap3A = arith.constant 0 : index
    %swap3A_30 = arith.constant 0 : index
    %swap3A_31 = vector.load %arg7[%swap3A, %swap3A_30] : memref<1280x64xf32, #tpu.memory_space<vmem>>, vector<1280x64xf32>
    tpu.vector_store %arg7[%swap3A, %swap3A_30], %reshape3A_29 {strides = array<i32>} : memref<1280x64xf32, #tpu.memory_space<vmem>>, vector<1280x64xf32>,
    return
  }
  func.func @transform_0(%arg0: i32) -> (i32, i32) {
    %c0_i32 = arith.constant 0 : i32
    %c0_i32_0 = arith.constant 0 : i32
    return %arg0, %c0_i32 : i32, i32
  }
  func.func @transform_1(%arg0: i32) -> (i32, i32) {
    %c0_i32 = arith.constant 0 : i32
    %c0_i32_0 = arith.constant 0 : i32
    return %arg0, %c0_i32 : i32, i32
  }
  func.func @transform_2(%arg0: i32) -> (i32, i32) {
    %c0_i32 = arith.constant 0 : i32
    %c0_i32_0 = arith.constant 0 : i32
    return %arg0, %c0_i32 : i32, i32
  }
  func.func @transform_3(%arg0: i32) -> (i32, i32) {
    %c0_i32 = arith.constant 0 : i32
    %c0_i32_0 = arith.constant 0 : i32
    return %arg0, %c0_i32 : i32, i32
  }
  func.func @transform_4(%arg0: i32) -> (i32, i32) {
    %c0_i32 = arith.constant 0 : i32
    %c0_i32_0 = arith.constant 0 : i32
    %c0_i32_1 = arith.constant 0 : i32
    return %c0_i32, %c0_i32_0 : i32, i32
  }
  func.func @transform_5(%arg0: i32) -> (i32, i32) {
    %c0_i32 = arith.constant 0 : i32
    %c0_i32_0 = arith.constant 0 : i32
    %c0_i32_1 = arith.constant 0 : i32
    return %c0_i32, %c0_i32_0 : i32, i32
  }
  func.func @transform_6(%arg0: i32) -> (i32, i32) {
    %c0_i32 = arith.constant 0 : i32
    %c0_i32_0 = arith.constant 0 : i32
    return %arg0, %c0_i32 : i32, i32
  }
}

</mosaic_0001>

<sc_bundles>
// kernel: kernel.11.cloned.1.call-start
scs
__scs_entry_jumppad:
0x0: {  	(pc) =	sbr.rel $0x88, $3  }
0x1: {  	(tag) =	ssettag $0x0;
	lr =	simm.s32 $0x1  }
0x2: {  	[smem:$0x3F93] =	sst lr;
	_ =	strace $0xD0000000  }
0x3: {  	_ = 	snop  }
0x4: {  	_ = 	snop  }
0x5: {  	_ = 	snop  }
0x6: {  	_ = 	snop  }
0x7: {  	_ = 	snop  }
__scs_overlays_trampoline_lowered:
0x8: {  	[smem:$0x3FA2] =	sst s0  }
0x9: {  	[smem:$0x3FA3] =	sst s1  }
0xa: {  	[smem:$0x3FA4] =	sst s2  }
0xb: {  	[smem:$0x3FA5] =	sst s3  }
0xc: {  	[smem:$0x3FA6] =	sst s4  }
0xd: {  	[smem:$0x3FA7] =	sst s5  }
0xe: {  	[smem:$0x3FA8] =	sst s6  }
0xf: {  	[smem:$0x3FA9] =	sst s7  }
0x10: {  	[smem:$0x3FAA] =	sst s8  }
0x11: {  	[smem:$0x3FAB] =	sst s9;
	s0 =	simm.s32 @!p0 $0x0  }
0x12: {  	s1 =	sld [smem:$0x3F91];
	s0 =	simm.s32 @p0 $0x1  }
0x13: {  	[smem:$0x3FAC] =	sst s0;
	s0 =	simm.s32 @!p1 $0x0  }
0x14: {  	s2 =	sld [smem:$0x3F90];
	s0 =	simm.s32 @p1 $0x1  }
0x15: {  	[smem:$0x3FAD] =	sst s0;
	s0 =	simm.s32 @!p2 $0x0  }
0x16: {  	s3 =	sld [smem:$0x3FDB];
	s0 =	simm.s32 @p2 $0x1  }
0x17: {  	s4 =	simm.s32 $0x1BF5;
	[smem:$0x3FAF] =	sst s0  }
0x18: {  	s0 =	sld [smem:$0x3F92];
	_ =	swait.ge [sflag:s4], $0x0  }
0x19: {  	s7 =	sld [smem:$0x3F93]  }
0x1a: {  	s8 =	sadd.s32 $0xFFFFE003, lr  }
0x1b: {  	s9 =	sadd.s32 $0xFFFFFEF7, lr;
	s5 =	simm.s32 $0xFFFFFFFF;
	p2 =	slt.u32 s8, $0xFFFFF086  }
0x1c: {  	p1 =	slt.u32 s9, $0xF7A;
	s5 =	simm.s32 @!p2 $0x0  }
0x1d: {  	s5 =	simm.s32 @p1 $0x1;
	p0 =	seq.s32 s7, s2  }
0x1e: {  	s7 =	smul.u32 @!p0 $0xF7A, s2;
	p2 =	seq.s32 @!p0 s5, $0x0  }
0x1f: {  	s9 =	smul.u32 $0xF7A, s1;
	s8 =	simm.s32 @!p0 $0x1BF5;
	p2 =	por !p2, p0  }
0x20: {  	[sflag:s8] =	ssyncset.s32 @!p0 $0xFFFFF086;
	s6 =	sadd.s32 @!p0 s3, s7;
	s7 =	simm.s32 @!p0 $0x108  }
0x21: {  	s3 =	sadd.s32 s3, s9;
	s6 =	sadd.s32 @!p0 $0x88, s6;
	s7 =	simm.s32 @p2 $0x1082  }
0x22: {  	[simem:s7], [sflag:s8] =	dma.local @!p0 [hbm:s6], $0xF7A  }
0x23: {  	s9 =	sor.u32 $0xD0000000, s2;
	s6 =	simm.s32 $0x108;
	_ =	swait.ge @!p0 [sflag:s8], $0x0  }
0x24: {  	s3 =	sadd.s32 $0x88, s3;
	s6 =	simm.s32 @!p1 $0x1082;
	[sflag:s4] =	ssyncset.s32 $0xFFFFF086  }
0x25: {  	[simem:s6], [sflag:s4] =	dma.local [hbm:s3], $0xF7A  }
0x26: {  	[smem:$0x3F93] =	sst s1;
	(tag) =	ssettag s2;
	_ =	strace s9  }
0x27: {  	s1 =	sld [smem:$0x3FA3]  }
0x28: {  	s2 =	sld [smem:$0x3FA4]  }
0x29: {  	s4 =	sld [smem:$0x3FA6]  }
0x2a: {  	p0 =	seq.s32 s5, $0x0;
	s5 =	sld [smem:$0x3FA7]  }
0x2b: {  	s6 =	sld [smem:$0x3FA8]  }
0x2c: {  	s7 =	sld [smem:$0x3FA9]  }
0x2d: {  	s3 =	simm.s32 $0x108;
	s8 =	sld [smem:$0x3FAA]  }
0x2e: {  	s3 =	simm.s32 @!p0 $0x1082;
	s9 =	sld [smem:$0x3FAB]  }
0x2f: {  	lr =	sadd.s32 s0, s3;
	s0 =	sld [smem:$0x3FA2]  }
0x30: {  	s3 =	sld [smem:$0x3FA5]  }
0x31: {  	[smem:$0x3FAE] =	sst s10  }
0x32: {  	s10 =	sld [smem:$0x3FAC];
	_ =	sdelay $0x3  }
0x33: {  	p0 =	seq.s32 s10, $0x1;
	s10 =	sld [smem:$0x3FAE];
	_ =	sdelay $0x3  }
0x34: {  	[smem:$0x3FAE] =	sst s10  }
0x35: {  	s10 =	sld [smem:$0x3FAD];
	_ =	sdelay $0x3  }
0x36: {  	p1 =	seq.s32 s10, $0x1;
	s10 =	sld [smem:$0x3FAE];
	_ =	sdelay $0x3  }
0x37: {  	[smem:$0x3FAE] =	sst s10  }
0x38: {  	s10 =	sld [smem:$0x3FAF]  }
0x39: {  	_ = 	snop;
	(pc) =	sbr.ind lr, $3  }
0x3a: {  	_ = 	snop  }
0x3b: {  	_ = 	snop  }
0x3c: {  	p2 =	seq.s32 s10, $0x1;
	s10 =	sld [smem:$0x3FAE]  }
0x3d: {  	_ =	shalt  }
0x3e: {  	_ =	shalt  }
0x3f: {  	_ =	shalt  }
0x40: {  	_ =	shalt  }
0x41: {  	_ =	shalt  }
0x42: {  	_ =	shalt  }
0x43: {  	_ =	shalt  }
0x44: {  	_ =	shalt  }
0x45: {  	_ =	shalt  }
0x46: {  	_ =	shalt  }
0x47: {  	_ =	shalt  }
0x48: {  	_ =	shalt  }
0x49: {  	_ =	shalt  }
0x4a: {  	_ =	shalt  }
0x4b: {  	_ =	shalt  }
0x4c: {  	_ =	shalt  }
0x4d: {  	_ =	shalt  }
0x4e: {  	_ =	shalt  }
0x4f: {  	_ =	shalt  }
0x50: {  	_ =	shalt  }
0x51: {  	_ =	shalt  }
0x52: {  	_ =	shalt  }
0x53: {  	_ =	shalt  }
0x54: {  	_ =	shalt  }
0x55: {  	_ =	shalt  }
0x56: {  	_ =	shalt  }
0x57: {  	_ =	shalt  }
0x58: {  	_ =	shalt  }
0x59: {  	_ =	shalt  }
0x5a: {  	_ =	shalt  }
0x5b: {  	_ =	shalt  }
0x5c: {  	_ =	shalt  }
0x5d: {  	_ =	shalt  }
0x5e: {  	_ =	shalt  }
0x5f: {  	_ =	shalt  }
0x60: {  	_ =	shalt  }
0x61: {  	_ =	shalt  }
0x62: {  	_ =	shalt  }
0x63: {  	_ =	shalt  }
0x64: {  	_ =	shalt  }
0x65: {  	_ =	shalt  }
0x66: {  	_ =	shalt  }
0x67: {  	_ =	shalt  }
0x68: {  	_ =	shalt  }
0x69: {  	_ =	shalt  }
0x6a: {  	_ =	shalt  }
0x6b: {  	_ =	shalt  }
0x6c: {  	_ =	shalt  }
0x6d: {  	_ =	shalt  }
0x6e: {  	_ =	shalt  }
0x6f: {  	_ =	shalt  }
0x70: {  	_ =	shalt  }
0x71: {  	_ =	shalt  }
0x72: {  	_ =	shalt  }
0x73: {  	_ =	shalt  }
0x74: {  	_ =	shalt  }
0x75: {  	_ =	shalt  }
0x76: {  	_ =	shalt  }
0x77: {  	_ =	shalt  }
0x78: {  	_ =	shalt  }
0x79: {  	_ =	shalt  }
0x7a: {  	_ =	shalt  }
0x7b: {  	_ =	shalt  }
0x7c: {  	_ =	shalt  }
0x7d: {  	_ =	shalt  }
0x7e: {  	_ =	shalt  }
0x7f: {  	_ =	shalt  }
0x80: {  	_ =	shalt  }
0x81: {  	_ =	shalt  }
0x82: {  	_ =	shalt  }
0x83: {  	_ =	shalt  }
0x84: {  	_ =	shalt  }
0x85: {  	_ =	shalt  }
0x86: {  	_ =	shalt  }
0x87: {  	_ =	shalt  }
.Lfunc_end0:
.L_simem_size_0:
called_computation_lowered:
.L_overlay_start_0:
0x88: {  	s2 =	sld [smem:$0x3FD9]  }
0x89: {  	s3 =	sld [smem:$0x3FFE];
	_ =	sdelay $0x1  }
0x8a: {  	s1 =	srdreg.scid  }
0x8b: {  	s0 =	sand.u32 $0x1, s1  }
0x8c: {  	s17 =	sshll.u32 s0, $0xA;
	s2 =	sadd.s32 s3, s2  }
0x8d: {  	s2 =	sadd.s32 s2, s17  }
0x8e: {  	[smem:$0x3FBA] =	sst s2  }
0x8f: {  	_ = 	snop  }
0x90: {  	s2 =	sld [smem:$0x3FD0];
	(tm) =	ssettm $0x1  }
0x91: {  	s18 =	sld [smem:$0x3FFB];
	_ =	sdelay $0x3  }
0x92: {  	_ =	strace s18  }
0x93: {  	s3 =	sld [smem:$0x3FFC];
	_ =	sdelay $0x3  }
0x94: {  	_ =	strace s3  }
0x95: {  	s3 =	sld [smem:$0x3FFD];
	_ =	sdelay $0x3  }
0x96: {  	_ =	strace s3  }
0x97: {  	_ =	strace $0x8FFFFFFF  }
0x98: {  	s19 =	sld [smem:$0x3FDB];
	_ =	sdelay $0x1  }
0x99: {  	s4 =	simm.s32 $_scs_section_size  }
0x9a: {  	s5 =	simm.s32 $_size__tile_overlayer_lowered;
	s6 =	simm.s32 $_tile_overlayer_lowered  }
0x9b: {  	s22 =	simm.s32 $0x1BFF;
	s21 =	sshll.u32 s6, $0x1;
	s3 =	sadd.s32 s4, s19  }
0x9c: {  	s7 =	simm.s32 $0x0;
	s20 =	sshll.u32 s5, $0x1;
	s5 =	sadd.s32 s21, s3  }
0x9d: {  	[timem:s7], [sflag:s22] =	dma.local [hbm:s5], s20  }
0x9e: {  	_ =	swait.ge [sflag:s22], s20  }
0x9f: {  	s4 =	ssub.s32 $0x0, s20;
	[sflag:s22] =	ssyncset.done $0x0  }
0xa0: {  	[sflag:s22] =	ssyncadd.s32 s4;
	_ =	sdelay $0x1  }
0xa1: {  	s23 =	simm.s32 $0x1B8B  }
0xa2: {  	_ =	swait.ge [sflag:s23], $0x1  }
0xa3: {  	[sflag:s23] =	ssyncset.done $0x0  }
0xa4: {  	s25 =	simm.s32 $0x1B8E;
	s24 =	sld [smem:$0x3FFE];
	[sflag:s23] =	ssyncadd.s32 $0xFFFFFFFF  }
0xa5: {  	s26 =	simm.s32 $execute0_lowered;
	[smem:$0x3FD2] =	sst s25  }
0xa6: {  	s5 =	sshll.u32 s26, $0x1;
	_ =	strace $0x80000046;
	[dreg:$0x1] =	wrdreg $0xFFFFFFFF  }
0xa7: {  	s28 =	simm.s32 $_size_execute0_lowered;
	s3 =	sadd.s32 s3, s5;
	[dreg:$0x0] =	wrdreg $0x0  }
0xa8: {  	s5 =	sshll.u32 s28, $0x1;
	[dreg:$0x2] =	wrdreg s3  }
0xa9: {  	[dreg:$0x3] =	wrdreg s5  }
0xaa: {  	[dreg:$0x4] =	wrdreg $0xC0  }
0xab: {  	_ =	task [dreg:s7], $0x5FFFF  }
0xac: {  	[dreg:$0x1] =	wrdreg $0xFFFFFFFF  }
0xad: {  	[dreg:$0x0] =	wrdreg $0x60  }
0xae: {  	[dreg:$0x2] =	wrdreg s24  }
0xaf: {  	[dreg:$0x3] =	wrdreg s2  }
0xb0: {  	[dreg:$0x4] =	wrdreg $0x57D00  }
0xb1: {  	[dreg:$0x5] =	wrdreg $0x9  }
0xb2: {  	_ =	task.clear_ibuf [dreg:s7], $0x6FFFF;
	_ =	strace $0x90000046  }
0xb3: {  	s29 =	simm.s32 $0x9;
	_ =	strace $0x80000048  }
0xb4: {  	_ =	swait.ge [sflag:s29], $0x1  }
0xb5: {  	[sflag:s29] =	ssyncadd.s32 $0xFFFFFFFF  }
0xb6: {  	_ =	strace $0x90000048  }
0xb7: {  	_ =	sfence  }
0xb8: {  	s30 =	sld [smem:$0x0];
	_ =	sdelay $0x2  }
0xb9: {  	s31 =	sshll.u32 s1, $0xD;
	s1 =	sshrl.u32 s1, $0x2  }
0xba: {  	s3 =	sand.u32 $0x4000, s31;
	s1 =	sadd.s32 s1, s30  }
0xbb: {  	s0 =	sor.u32 s3, s0;
	s1 =	sshll.u32 s1, $0x11  }
0xbc: {  	s0 =	sor.u32 s1, s0  }
0xbd: {  	s0 =	sadd.s32 $0x8F2B, s0  }
0xbe: {  	[sflag:s0] =	ssyncadd.remote.s32 $0x1  }
0xbf: {  	_ =	sfence.sel $0xFFFF  }
0xc0: {  	[dreg:$0x0] =	wrdreg $0xFFFFFFFF;
	(pc) =	sbr.abs _section_cstart, $3  }
0xc1: {  	[dreg:$0x1] =	wrdreg $0xFFFFFFFF  }
0xc2: {  	_ =	task.clear_ibuf [dreg:s7], $0x2FFFF;
	_ =	strace $0x9FFFFFFF  }
0xc3: {  	(tm) =	ssettm $0x7FFFFFFF  }
tec
execute0_lowered:
.L_overlay_start_1:
0x0: {  	(tag) =	ssettag $0x1  }
0x1: {  	s5 =	rddreg [dreg:$0x0]  }
0x2: {  	s0 =	srdreg.scid;
	s7 =	rddreg [dreg:$0x1]  }
0x3: {  	s2 =	rddreg [dreg:$0x2];
	s1 =	stileid.u32  }
0x4: {  	s3 =	simm.s32 $0x0;
	s6 =	sand.u32 $0x1, s0;
	s0 =	rddreg [dreg:$0x3]  }
0x5: {  	[smem:$0x7FF] =	sst s3;
	s10 =	smul.u32 $0x2800, s1  }
0x6: {  	s11 =	sadd.s32 $0x1A200, s5;
	s12 =	sshll.u32 s1, $0x6;
	s4 =	sshll.u32 s6, $0x4  }
0x7: {  	s8 =	ssub.s32 $0x2, s6;
	_ =	strace $0x80000047;
	p0 =	seq.s32 s6, $0x1  }
0x8: {  	s12 =	sor.u32 $0x1C01, s12;
	s4 =	sor.u32 s1, s4;
	s9 =	sshrl.u32 s8, $0x1  }
0x9: {  	s31 =	sshrl.u32 s10, $0x3;
	s7 =	smov.u32 @p0 s11;
	s4 =	smul.u32 $0x2800, s4  }
0xa: {  	s11 =	simm.s32 $0x2800;
	s8 =	ssub.s32 s8, s9;
	s7 =	sadd.s32 s7, s31  }
0xb: {  	s9 =	simm.s32 $0x1;
	s6 =	smax.u32 s8, $0x1;
	s30 =	sshrl.u32 s4, $0x3  }
0xc: {  	s8 =	simm.s32 $0x2FD0;
	s4 =	sadd.s32 s10, s2;
	s5 =	sadd.s32 s5, s30  }
0xd: {  	v0 =	vimm.f32 $0.0e+00;
	v1 =	vimm.f32 $1.000000000e+00;
	s10 =	simm.s32 $0x7D;
	s13 =	sshrl.u32 s4, $0x3;
	s5 =	sadd.s32 $0x10200, s5  }
.LBB2_1:
0xe: {  	s14 =	simm.s32 $0x40;
	s15 =	simm.s32 $0x0  }
.LBB2_2:
0xf: {  	p0 =	sne.s32 s14, $0x9FC0;
	[tilespmem:s15+$0x2FD0] =	vst v0;
	s15 =	smov.u32 s14;
	s14 =	sadd.s32 $0x40, s14  }
.Ltmp0:
0x10: {  	(pc) =	sbr.rel @p0 .LBB2_2-.Ltmp0, $2  }
0x11: {  	_ =	sdelay $0x2  }
0x12: {  	s15 =	sshra.s32 s15, $0x2  }
0x13: {  	[tilespmem:s15+$0x2FD0] =	vst v0  }
0x14: {  	[spmem:s4] =	stream.linear.scatter [tilespmem:s8], [sflag:$0x1], $0x2800, $0x38;
	[tilespmem:$0x7FD0] =	vst v63  }
0x15: {  	_ =	swait.ge [sflag:s9], $0x2800  }
0x16: {  	[sflag:s9] =	ssyncset.done $0x0  }
0x17: {  	s14 =	simm.s32 $0x40;
	s15 =	simm.s32 $0x0;
	[sflag:s9] =	ssyncadd.s32 $0xFFFFD800  }
.LBB2_4:
0x18: {  	p0 =	sne.s32 s14, $0x1F00;
	[tilespmem:s15+$0x2800] =	vst v1;
	s15 =	smov.u32 s14;
	s14 =	sadd.s32 $0x40, s14  }
.Ltmp1:
0x19: {  	(pc) =	sbr.rel @p0 .LBB2_4-.Ltmp1, $2  }
0x1a: {  	_ =	sdelay $0x2  }
0x1b: {  	s15 =	sshra.s32 s15, $0x2  }
0x1c: {  	[tilespmem:s15+$0x2800] =	vst v1;
	s14 =	simm.s32 $0x0  }
0x1d: {  	[tilespmem:s14], [sflag:$0x1] =	stream.linear.gather [hbm4b:s5+s14], $0x2800, $0x38;
	[tilespmem:$0x7FD0] =	vst v63  }
0x1e: {  	_ =	swait.ge [sflag:s9], $0x2800  }
0x1f: {  	[sflag:s9] =	ssyncset.done $0x0  }
0x20: {  	[sflag:s9] =	ssyncadd.s32 $0xFFFFD800  }
0x21: {  	s31 =	simm.s32 $0x0;
	[bflag:$0x0] =	sbarrier.arrive $0xFFFF  }
0x22: {  	[spmem:s2] =	stream.indirect.scatter.add.f32 [tilespmem:s11], [sflag:$0x1], $0x10, s31, s10, $0xb8;
	[tilespmem:$0x7FD0] =	vst v63  }
0x23: {  	_ =	swait.ge [sflag:s9], $0x7D0  }
0x24: {  	s14 =	simm.s32 $0x200;
	[sflag:s9] =	ssyncset.done $0x0  }
.LBB2_6:
0x25: {  	s15 =	sshra.s32 s14, $0x2;
	[sflag:s9] =	ssyncadd.s32 $0xFFFFF830;
	p0 =	sne.s32 s14, $0x9E00  }
0x26: {  	[spmem:s2] =	stream.indirect.scatter.add.f32 [tilespmem:s11], [sflag:$0x1], $0x10, s15, s10, $0xb8;
	[tilespmem:$0x7FD0] =	vst v63  }
.Ltmp2:
0x27: {  	_ = 	snop;
	(pc) =	sbr.rel @p0 .LBB2_6-.Ltmp2, $4  }
0x28: {  	_ = 	snop  }
0x29: {  	s14 =	sadd.s32 $0x200, s14  }
0x2a: {  	_ =	swait.ge [sflag:s9], $0x7D0  }
0x2b: {  	[sflag:s9] =	ssyncset.done $0x0  }
0x2c: {  	s3 =	sadd.s32 $0x1, s3  }
0x2d: {  	[sflag:s9] =	ssyncadd.s32 $0xFFFFF830;
	p0 =	sne.s32 s3, s6  }
.Ltmp3:
0x2e: {  	[bflag:$0x0] =	sbarrier.arrive $0xFFFF;
	(pc) =	sbr.rel @p0 .LBB2_1-.Ltmp3, $4  }
0x2f: {  	[hbm:s7], [sflag:s12] =	dma.local [spmem:s13], $0x500  }
0x30: {  	_ =	swait.ge [sflag:s9], $0x500  }
0x31: {  	[sflag:s9] =	ssyncset.done $0x0  }
0x32: {  	[sflag:s9] =	ssyncadd.s32 $0xFFFFFB00  }
0x33: {  	_ =	sfence.sel $0x180000  }
0x34: {  	[bflag:$0x0] =	sbarrier.arrive $0xFFFF  }
0x35: {  	p0 =	sne.s32 s1, $0x0;
	_ =	strace $0x90000047  }
0x36: {  	s0 =	sadd.s32 @!p0 $0x100000, s0;
	[bflag:$0x2] =	sbarrier.arrive $0xFFFF  }
0x37: {  	[sflag:s0] =	ssyncadd.tile.s32 @!p0 $0x1;
	_ =	shalt  }
.Lfunc_end2:
_tile_overlayer_lowered:
.L_overlay_start_2:
0x38: {  	(tag) =	ssettag $0x2  }
0x39: {  	s0 =	rddreg [dreg:$0x0];
	s2 =	stileid.u32  }
0x3a: {  	s1 =	rddreg [dreg:$0x1];
	p0 =	sne.s32 s2, $0x0  }
0x3b: {  	s3 =	rddreg [dreg:$0x2];
	[bflag:$0x3] =	sbarrier.arrive $0xFFFF;
	s2 =	simm.s32 @!p0 $0x1C01  }
0x3c: {  	[timem:s3], [sflag:s2] =	dma.local @!p0 [hbm:s0], s1  }
0x3d: {  	s0 =	simm.s32 @!p0 $0x1  }
0x3e: {  	_ =	swait.ge @!p0 [sflag:s0], s1  }
0x3f: {  	s1 =	ssub.s32 @!p0 $0x0, s1;
	[sflag:s0] =	ssyncset.done @!p0 $0x0  }
0x40: {  	[sflag:s0] =	ssyncadd.s32 @!p0 s1  }
0x41: {  	[bflag:$0x3] =	sbarrier.arrive $0xFFFF  }
0x42: {  	_ =	shalt  }

// kernel: kernel.14.cloned.1.call-start
scs
__scs_entry_jumppad:
0x0: {  	(pc) =	sbr.rel $0x88, $3  }
0x1: {  	(tag) =	ssettag $0x0;
	lr =	simm.s32 $0x1  }
0x2: {  	[smem:$0x3F93] =	sst lr;
	_ =	strace $0xD0000000  }
0x3: {  	_ = 	snop  }
0x4: {  	_ = 	snop  }
0x5: {  	_ = 	snop  }
0x6: {  	_ = 	snop  }
0x7: {  	_ = 	snop  }
__scs_overlays_trampoline_lowered:
0x8: {  	[smem:$0x3FA2] =	sst s0  }
0x9: {  	[smem:$0x3FA3] =	sst s1  }
0xa: {  	[smem:$0x3FA4] =	sst s2  }
0xb: {  	[smem:$0x3FA5] =	sst s3  }
0xc: {  	[smem:$0x3FA6] =	sst s4  }
0xd: {  	[smem:$0x3FA7] =	sst s5  }
0xe: {  	[smem:$0x3FA8] =	sst s6  }
0xf: {  	[smem:$0x3FA9] =	sst s7  }
0x10: {  	[smem:$0x3FAA] =	sst s8  }
0x11: {  	[smem:$0x3FAB] =	sst s9;
	s0 =	simm.s32 @!p0 $0x0  }
0x12: {  	s1 =	sld [smem:$0x3F91];
	s0 =	simm.s32 @p0 $0x1  }
0x13: {  	[smem:$0x3FAC] =	sst s0;
	s0 =	simm.s32 @!p1 $0x0  }
0x14: {  	s2 =	sld [smem:$0x3F90];
	s0 =	simm.s32 @p1 $0x1  }
0x15: {  	[smem:$0x3FAD] =	sst s0;
	s0 =	simm.s32 @!p2 $0x0  }
0x16: {  	s3 =	sld [smem:$0x3FDB];
	s0 =	simm.s32 @p2 $0x1  }
0x17: {  	s4 =	simm.s32 $0x1BF5;
	[smem:$0x3FAF] =	sst s0  }
0x18: {  	s0 =	sld [smem:$0x3F92];
	_ =	swait.ge [sflag:s4], $0x0  }
0x19: {  	s7 =	sld [smem:$0x3F93]  }
0x1a: {  	s8 =	sadd.s32 $0xFFFFE003, lr  }
0x1b: {  	s9 =	sadd.s32 $0xFFFFFEF7, lr;
	s5 =	simm.s32 $0xFFFFFFFF;
	p2 =	slt.u32 s8, $0xFFFFF086  }
0x1c: {  	p1 =	slt.u32 s9, $0xF7A;
	s5 =	simm.s32 @!p2 $0x0  }
0x1d: {  	s5 =	simm.s32 @p1 $0x1;
	p0 =	seq.s32 s7, s2  }
0x1e: {  	s7 =	smul.u32 @!p0 $0xF7A, s2;
	p2 =	seq.s32 @!p0 s5, $0x0  }
0x1f: {  	s9 =	smul.u32 $0xF7A, s1;
	s8 =	simm.s32 @!p0 $0x1BF5;
	p2 =	por !p2, p0  }
0x20: {  	[sflag:s8] =	ssyncset.s32 @!p0 $0xFFFFF086;
	s6 =	sadd.s32 @!p0 s3, s7;
	s7 =	simm.s32 @!p0 $0x108  }
0x21: {  	s3 =	sadd.s32 s3, s9;
	s6 =	sadd.s32 @!p0 $0x88, s6;
	s7 =	simm.s32 @p2 $0x1082  }
0x22: {  	[simem:s7], [sflag:s8] =	dma.local @!p0 [hbm:s6], $0xF7A  }
0x23: {  	s9 =	sor.u32 $0xD0000000, s2;
	s6 =	simm.s32 $0x108;
	_ =	swait.ge @!p0 [sflag:s8], $0x0  }
0x24: {  	s3 =	sadd.s32 $0x88, s3;
	s6 =	simm.s32 @!p1 $0x1082;
	[sflag:s4] =	ssyncset.s32 $0xFFFFF086  }
0x25: {  	[simem:s6], [sflag:s4] =	dma.local [hbm:s3], $0xF7A  }
0x26: {  	[smem:$0x3F93] =	sst s1;
	(tag) =	ssettag s2;
	_ =	strace s9  }
0x27: {  	s1 =	sld [smem:$0x3FA3]  }
0x28: {  	s2 =	sld [smem:$0x3FA4]  }
0x29: {  	s4 =	sld [smem:$0x3FA6]  }
0x2a: {  	p0 =	seq.s32 s5, $0x0;
	s5 =	sld [smem:$0x3FA7]  }
0x2b: {  	s6 =	sld [smem:$0x3FA8]  }
0x2c: {  	s7 =	sld [smem:$0x3FA9]  }
0x2d: {  	s3 =	simm.s32 $0x108;
	s8 =	sld [smem:$0x3FAA]  }
0x2e: {  	s3 =	simm.s32 @!p0 $0x1082;
	s9 =	sld [smem:$0x3FAB]  }
0x2f: {  	lr =	sadd.s32 s0, s3;
	s0 =	sld [smem:$0x3FA2]  }
0x30: {  	s3 =	sld [smem:$0x3FA5]  }
0x31: {  	[smem:$0x3FAE] =	sst s10  }
0x32: {  	s10 =	sld [smem:$0x3FAC];
	_ =	sdelay $0x3  }
0x33: {  	p0 =	seq.s32 s10, $0x1;
	s10 =	sld [smem:$0x3FAE];
	_ =	sdelay $0x3  }
0x34: {  	[smem:$0x3FAE] =	sst s10  }
0x35: {  	s10 =	sld [smem:$0x3FAD];
	_ =	sdelay $0x3  }
0x36: {  	p1 =	seq.s32 s10, $0x1;
	s10 =	sld [smem:$0x3FAE];
	_ =	sdelay $0x3  }
0x37: {  	[smem:$0x3FAE] =	sst s10  }
0x38: {  	s10 =	sld [smem:$0x3FAF]  }
0x39: {  	_ = 	snop;
	(pc) =	sbr.ind lr, $3  }
0x3a: {  	_ = 	snop  }
0x3b: {  	_ = 	snop  }
0x3c: {  	p2 =	seq.s32 s10, $0x1;
	s10 =	sld [smem:$0x3FAE]  }
0x3d: {  	_ =	shalt  }
0x3e: {  	_ =	shalt  }
0x3f: {  	_ =	shalt  }
0x40: {  	_ =	shalt  }
0x41: {  	_ =	shalt  }
0x42: {  	_ =	shalt  }
0x43: {  	_ =	shalt  }
0x44: {  	_ =	shalt  }
0x45: {  	_ =	shalt  }
0x46: {  	_ =	shalt  }
0x47: {  	_ =	shalt  }
0x48: {  	_ =	shalt  }
0x49: {  	_ =	shalt  }
0x4a: {  	_ =	shalt  }
0x4b: {  	_ =	shalt  }
0x4c: {  	_ =	shalt  }
0x4d: {  	_ =	shalt  }
0x4e: {  	_ =	shalt  }
0x4f: {  	_ =	shalt  }
0x50: {  	_ =	shalt  }
0x51: {  	_ =	shalt  }
0x52: {  	_ =	shalt  }
0x53: {  	_ =	shalt  }
0x54: {  	_ =	shalt  }
0x55: {  	_ =	shalt  }
0x56: {  	_ =	shalt  }
0x57: {  	_ =	shalt  }
0x58: {  	_ =	shalt  }
0x59: {  	_ =	shalt  }
0x5a: {  	_ =	shalt  }
0x5b: {  	_ =	shalt  }
0x5c: {  	_ =	shalt  }
0x5d: {  	_ =	shalt  }
0x5e: {  	_ =	shalt  }
0x5f: {  	_ =	shalt  }
0x60: {  	_ =	shalt  }
0x61: {  	_ =	shalt  }
0x62: {  	_ =	shalt  }
0x63: {  	_ =	shalt  }
0x64: {  	_ =	shalt  }
0x65: {  	_ =	shalt  }
0x66: {  	_ =	shalt  }
0x67: {  	_ =	shalt  }
0x68: {  	_ =	shalt  }
0x69: {  	_ =	shalt  }
0x6a: {  	_ =	shalt  }
0x6b: {  	_ =	shalt  }
0x6c: {  	_ =	shalt  }
0x6d: {  	_ =	shalt  }
0x6e: {  	_ =	shalt  }
0x6f: {  	_ =	shalt  }
0x70: {  	_ =	shalt  }
0x71: {  	_ =	shalt  }
0x72: {  	_ =	shalt  }
0x73: {  	_ =	shalt  }
0x74: {  	_ =	shalt  }
0x75: {  	_ =	shalt  }
0x76: {  	_ =	shalt  }
0x77: {  	_ =	shalt  }
0x78: {  	_ =	shalt  }
0x79: {  	_ =	shalt  }
0x7a: {  	_ =	shalt  }
0x7b: {  	_ =	shalt  }
0x7c: {  	_ =	shalt  }
0x7d: {  	_ =	shalt  }
0x7e: {  	_ =	shalt  }
0x7f: {  	_ =	shalt  }
0x80: {  	_ =	shalt  }
0x81: {  	_ =	shalt  }
0x82: {  	_ =	shalt  }
0x83: {  	_ =	shalt  }
0x84: {  	_ =	shalt  }
0x85: {  	_ =	shalt  }
0x86: {  	_ =	shalt  }
0x87: {  	_ =	shalt  }
.Lfunc_end0:
.L_simem_size_0:
called_computation.1_lowered:
.L_overlay_start_0:
0x88: {  	s2 =	sld [smem:$0x3FD9]  }
0x89: {  	s3 =	sld [smem:$0x3FFE];
	_ =	sdelay $0x1  }
0x8a: {  	s1 =	srdreg.scid  }
0x8b: {  	s0 =	sand.u32 $0x1, s1  }
0x8c: {  	s17 =	sshll.u32 s0, $0xA;
	s2 =	sadd.s32 s3, s2  }
0x8d: {  	s2 =	sadd.s32 s2, s17  }
0x8e: {  	[smem:$0x3FBA] =	sst s2  }
0x8f: {  	_ = 	snop  }
0x90: {  	s2 =	sld [smem:$0x3FD0];
	(tm) =	ssettm $0x1  }
0x91: {  	s18 =	sld [smem:$0x3FFB];
	_ =	sdelay $0x3  }
0x92: {  	_ =	strace s18  }
0x93: {  	s3 =	sld [smem:$0x3FFC];
	_ =	sdelay $0x3  }
0x94: {  	_ =	strace s3  }
0x95: {  	s3 =	sld [smem:$0x3FFD];
	_ =	sdelay $0x3  }
0x96: {  	_ =	strace s3  }
0x97: {  	_ =	strace $0x8FFFFFFF  }
0x98: {  	s19 =	sld [smem:$0x3FDB];
	_ =	sdelay $0x1  }
0x99: {  	s4 =	simm.s32 $_scs_section_size  }
0x9a: {  	s5 =	simm.s32 $_size__tile_overlayer_lowered;
	s6 =	simm.s32 $_tile_overlayer_lowered  }
0x9b: {  	s22 =	simm.s32 $0x1BFF;
	s21 =	sshll.u32 s6, $0x1;
	s3 =	sadd.s32 s4, s19  }
0x9c: {  	s7 =	simm.s32 $0x0;
	s20 =	sshll.u32 s5, $0x1;
	s5 =	sadd.s32 s21, s3  }
0x9d: {  	[timem:s7], [sflag:s22] =	dma.local [hbm:s5], s20  }
0x9e: {  	_ =	swait.ge [sflag:s22], s20  }
0x9f: {  	s4 =	ssub.s32 $0x0, s20;
	[sflag:s22] =	ssyncset.done $0x0  }
0xa0: {  	[sflag:s22] =	ssyncadd.s32 s4;
	_ =	sdelay $0x1  }
0xa1: {  	s23 =	simm.s32 $0x1B8B  }
0xa2: {  	_ =	swait.ge [sflag:s23], $0x1  }
0xa3: {  	[sflag:s23] =	ssyncset.done $0x0  }
0xa4: {  	s25 =	simm.s32 $0x1B8E;
	s24 =	sld [smem:$0x3FFE];
	[sflag:s23] =	ssyncadd.s32 $0xFFFFFFFF  }
0xa5: {  	s26 =	simm.s32 $execute0_lowered;
	[smem:$0x3FD2] =	sst s25  }
0xa6: {  	s5 =	sshll.u32 s26, $0x1;
	_ =	strace $0x80000049;
	[dreg:$0x1] =	wrdreg $0xFFFFFFFF  }
0xa7: {  	s28 =	simm.s32 $_size_execute0_lowered;
	s3 =	sadd.s32 s3, s5;
	[dreg:$0x0] =	wrdreg $0x0  }
0xa8: {  	s5 =	sshll.u32 s28, $0x1;
	[dreg:$0x2] =	wrdreg s3  }
0xa9: {  	[dreg:$0x3] =	wrdreg s5  }
0xaa: {  	[dreg:$0x4] =	wrdreg $0xC0  }
0xab: {  	_ =	task [dreg:s7], $0x5FFFF  }
0xac: {  	[dreg:$0x1] =	wrdreg $0xFFFFFFFF  }
0xad: {  	[dreg:$0x0] =	wrdreg $0x60  }
0xae: {  	[dreg:$0x2] =	wrdreg s2  }
0xaf: {  	[dreg:$0x3] =	wrdreg s24  }
0xb0: {  	[dreg:$0x4] =	wrdreg $0x97400  }
0xb1: {  	[dreg:$0x5] =	wrdreg $0xBF400  }
0xb2: {  	[dreg:$0x6] =	wrdreg $0x9  }
0xb3: {  	_ =	task.clear_ibuf [dreg:s7], $0x7FFFF;
	_ =	strace $0x90000049  }
0xb4: {  	s29 =	simm.s32 $0x9;
	_ =	strace $0x8000004B  }
0xb5: {  	_ =	swait.ge [sflag:s29], $0x1  }
0xb6: {  	[sflag:s29] =	ssyncadd.s32 $0xFFFFFFFF  }
0xb7: {  	_ =	strace $0x9000004B  }
0xb8: {  	_ =	sfence  }
0xb9: {  	s30 =	sld [smem:$0x0];
	_ =	sdelay $0x2  }
0xba: {  	s31 =	sshll.u32 s1, $0xD;
	s1 =	sshrl.u32 s1, $0x2  }
0xbb: {  	s3 =	sand.u32 $0x4000, s31;
	s1 =	sadd.s32 s1, s30  }
0xbc: {  	s0 =	sor.u32 s3, s0;
	s1 =	sshll.u32 s1, $0x11  }
0xbd: {  	s0 =	sor.u32 s1, s0  }
0xbe: {  	s0 =	sadd.s32 $0x8F2B, s0  }
0xbf: {  	[sflag:s0] =	ssyncadd.remote.s32 $0x1  }
0xc0: {  	_ =	sfence.sel $0xFFFF  }
0xc1: {  	[dreg:$0x0] =	wrdreg $0xFFFFFFFF;
	(pc) =	sbr.abs _section_cstart, $3  }
0xc2: {  	[dreg:$0x1] =	wrdreg $0xFFFFFFFF  }
0xc3: {  	_ =	task.clear_ibuf [dreg:s7], $0x2FFFF;
	_ =	strace $0x9FFFFFFF  }
0xc4: {  	(tm) =	ssettm $0x7FFFFFFF  }
0xc5: {  	_ =	shalt  }
tec
execute0_lowered:
.L_overlay_start_1:
0x0: {  	(tag) =	ssettag $0x1  }
0x1: {  	s0 =	rddreg [dreg:$0x0]  }
0x2: {  	s8 =	rddreg [dreg:$0x1]  }
0x3: {  	s1 =	srdreg.scid;
	s2 =	rddreg [dreg:$0x2]  }
0x4: {  	s13 =	stileid.u32;
	s3 =	rddreg [dreg:$0x3];
	s15 =	simm.s32 $0x2800  }
0x5: {  	s16 =	simm.s32 $0x7D;
	s17 =	simm.s32 $0x5000;
	s19 =	simm.s32 $0x57D0  }
0x6: {  	s20 =	simm.s32 $0x1;
	s22 =	simm.s32 $0x5FA0;
	s23 =	simm.s32 $0x2880  }
0x7: {  	s24 =	simm.s32 $0x180;
	s25 =	simm.s32 $0x6770;
	s26 =	simm.s32 $0x2  }
0x8: {  	s28 =	simm.s32 $0x0;
	s1 =	sand.u32 $0x1, s1;
	s9 =	smul.u32 $0x2800, s13  }
0x9: {  	s31 =	sshll.u32 s13, $0x6;
	s4 =	sshll.u32 s1, $0x4;
	s6 =	ssub.s32 $0x2, s1  }
0xa: {  	p0 =	seq.s32 s1, $0x1;
	s1 =	simm.s32 $0x1F200;
	s5 =	sor.u32 s13, s4  }
0xb: {  	s4 =	simm.s32 $0x0;
	s7 =	sshrl.u32 s6, $0x1;
	s14 =	sadd.s32 s9, s3  }
0xc: {  	s12 =	sshrl.u32 s9, $0x3;
	s1 =	simm.s32 @!p0 $0x1A200;
	s5 =	smul.u32 $0x2800, s5  }
0xd: {  	s13 =	sor.u32 $0x1C03, s31;
	[smem:$0x7FF] =	sst s4;
	s11 =	ssub.s32 s6, s7  }
0xe: {  	s6 =	sadd.s32 s0, s12;
	s30 =	sadd.s32 s1, s8;
	s5 =	sshrl.u32 s5, $0x3  }
0xf: {  	s14 =	sshrl.u32 s14, $0x3;
	_ =	strace $0x8000004A;
	s10 =	sadd.s32 s5, s8  }
0x10: {  	s5 =	sadd.s32 s9, s2;
	s9 =	smax.u32 s11, $0x1;
	s7 =	sadd.s32 $0x6200, s10  }
0x11: {  	v0 =	vimm.f32 $0.0e+00;
	s8 =	sadd.s32 $0x10200, s10;
	s10 =	sadd.s32 s30, s12;
	s12 =	simm.s32 $0x3  }
.LBB2_1:
0x12: {  	s1 =	simm.s32 $0x40;
	s0 =	simm.s32 $0x0  }
.LBB2_2:
0x13: {  	p0 =	sne.s32 s1, $0x9FC0;
	[tilespmem:s0+$0x6F40] =	vst v0;
	s0 =	smov.u32 s1;
	s1 =	sadd.s32 $0x40, s1  }
.Ltmp0:
0x14: {  	(pc) =	sbr.rel @p0 .LBB2_2-.Ltmp0, $2  }
0x15: {  	_ =	sdelay $0x2  }
0x16: {  	s0 =	sshra.s32 s0, $0x2  }
0x17: {  	[tilespmem:s0+$0x6F40] =	vst v0;
	s1 =	simm.s32 $0x6F40  }
0x18: {  	[spmem:s5] =	stream.linear.scatter [tilespmem:s1], [sflag:$0x3], $0x2800, $0x38;
	[tilespmem:$0xE740] =	vst v63  }
0x19: {  	_ =	swait.ge [sflag:s12], $0x2800  }
0x1a: {  	[sflag:s12] =	ssyncset.done $0x0  }
0x1b: {  	[sflag:s12] =	ssyncadd.s32 $0xFFFFD800  }
0x1c: {  	[spmem:s14], [sflag:s13] =	dma.local [hbm:s6], $0x500  }
0x1d: {  	_ =	swait.ge [sflag:s12], $0x500  }
0x1e: {  	[sflag:s12] =	ssyncset.done $0x0  }
0x1f: {  	[sflag:s12] =	ssyncadd.s32 $0xFFFFFB00  }
0x20: {  	[tilespmem:s4], [sflag:$0x3] =	stream.linear.gather [hbm4b:s7+s4], $0x2800, $0x38;
	[tilespmem:$0xE740] =	vst v63  }
0x21: {  	_ =	swait.ge [sflag:s12], $0x2800  }
0x22: {  	[sflag:s12] =	ssyncset.done $0x0  }
0x23: {  	[sflag:s12] =	ssyncadd.s32 $0xFFFFD800  }
0x24: {  	[tilespmem:s15], [sflag:$0x3] =	stream.linear.gather [hbm4b:s8+s4], $0x2800, $0x38;
	[tilespmem:$0xE740] =	vst v63  }
0x25: {  	_ =	swait.ge [sflag:s12], $0x2800  }
0x26: {  	[sflag:s12] =	ssyncset.done $0x0  }
0x27: {  	[sflag:s12] =	ssyncadd.s32 $0xFFFFD800  }
0x28: {  	[bflag:$0x0] =	sbarrier.arrive $0xFFFF  }
0x29: {  	[tilespmem:s17], [sflag:$0x1] =	stream.indirect.gather [spmem:s3], $0x10, s4, s16, $0xb8;
	[tilespmem:$0xE740] =	vst v63  }
0x2a: {  	s11 =	simm.s32 $0x80  }
0x2b: {  	[tilespmem:s19], [sflag:$0x1] =	stream.indirect.gather [spmem:s3], $0x10, s11, s16, $0xb8;
	[tilespmem:$0xE740] =	vst v63  }
0x2c: {  	_ =	swait.ge [sflag:s20], $0x7D0  }
0x2d: {  	[sflag:s20] =	ssyncset.done $0x0  }
0x2e: {  	[sflag:s20] =	ssyncadd.s32 $0xFFFFF830  }
0x2f: {  	[spmem:s2] =	stream.indirect.scatter.add.f32 [tilespmem:s17], [sflag:$0x2], $0x10, s15, s16, $0xb8;
	[tilespmem:$0xE740] =	vst v63  }
0x30: {  	s18 =	simm.s32 $0x100  }
0x31: {  	[tilespmem:s22], [sflag:$0x1] =	stream.indirect.gather [spmem:s3], $0x10, s18, s16, $0xb8;
	[tilespmem:$0xE740] =	vst v63  }
0x32: {  	_ =	swait.ge [sflag:s20], $0x7D0  }
0x33: {  	s21 =	simm.s32 $0x2;
	[sflag:s20] =	ssyncset.done $0x0  }
0x34: {  	s0 =	sand.u32 $0x3, s21;
	[sflag:s20] =	ssyncadd.s32 $0xFFFFF830  }
0x35: {  	[spmem:s2] =	stream.indirect.scatter.add.f32 [tilespmem:s19], [sflag:$0x2], $0x10, s23, s16, $0xb8;
	[tilespmem:$0xE740] =	vst v63  }
0x36: {  	s29 =	simm.s32 $0x200;
	s0 =	smul.u32 $0x1F40, s0  }
0x37: {  	[tilespmem:s25], [sflag:$0x1] =	stream.indirect.gather [spmem:s3], $0x10, s24, s16, $0xb8;
	[tilespmem:$0xE740] =	vst v63  }
0x38: {  	p0 =	por $0x0, $0x0;
	s1 =	simm.s32 $0x4;
	_ =	swait.ge [sflag:s20], $0x7D0  }
0x39: {  	s1 =	sand.u32 @!p0 $0x3, s1;
	s0 =	sshrl.u32 s0, $0x2;
	[sflag:s20] =	ssyncset.done $0x0  }
0x3a: {  	s0 =	sadd.s32 $0x5000, s0;
	s11 =	simm.s32 $0x2900;
	[sflag:s20] =	ssyncadd.s32 $0xFFFFF830  }
0x3b: {  	[spmem:s2] =	stream.indirect.scatter.add.f32 [tilespmem:s0], [sflag:$0x2], $0x10, s11, s16, $0xb8;
	[tilespmem:$0xE740] =	vst v63  }
0x3c: {  	s30 =	simm.s32 $0x5;
	s0 =	smul.u32 @!p0 $0x1F40, s1;
	_ =	swait.ge [sflag:s26], $0x7D0  }
0x3d: {  	s31 =	simm.s32 $0x280;
	s1 =	simm.s32 $0x2980;
	[sflag:s26] =	ssyncset.done $0x0  }
0x3e: {  	s11 =	sshrl.u32 @!p0 s0, $0x2;
	s0 =	simm.s32 @!p0 $0x7D;
	[sflag:s26] =	ssyncadd.s32 $0xFFFFF830  }
.LBB2_4:
0x3f: {  	s18 =	sadd.s32 $0xFFFFFFFE, s30  }
0x40: {  	s11 =	sadd.s32 @!p0 $0x5000, s11;
	s21 =	smov.u32 s30;
	s30 =	sadd.s32 $0x1, s30  }
0x41: {  	[tilespmem:s11], [sflag:$0x1] =	stream.indirect.gather @!p0 [spmem:s3], $0x10, s29, s0, $0xb8;
	[tilespmem:$0xE740] =	vst v63  }
0x42: {  	s0 =	sand.u32 $0x3, s18;
	p1 =	sne.s32 s30, $0x52;
	s29 =	smov.u32 s31  }
0x43: {  	s0 =	smul.u32 $0x1F40, s0  }
0x44: {  	p0 =	sgt.u32 s18, $0x4D;
	_ =	swait.ge [sflag:s20], $0x7D0  }
0x45: {  	s11 =	sand.u32 @!p0 $0x3, s21;
	s0 =	sshrl.u32 s0, $0x2;
	[sflag:s20] =	ssyncset.done $0x0  }
.Ltmp1:
0x46: {  	s0 =	sadd.s32 $0x5000, s0;
	[sflag:s20] =	ssyncadd.s32 $0xFFFFF830;
	(pc) =	sbr.rel @p1 .LBB2_4-.Ltmp1, $4  }
0x47: {  	[spmem:s2] =	stream.indirect.scatter.add.f32 [tilespmem:s0], [sflag:$0x2], $0x10, s1, s16, $0xb8;
	[tilespmem:$0xE740] =	vst v63  }
0x48: {  	s0 =	smul.u32 @!p0 $0x1F40, s11;
	_ =	swait.ge [sflag:s26], $0x7D0  }
0x49: {  	s31 =	sadd.s32 $0x80, s31;
	s1 =	sadd.s32 $0x80, s1;
	[sflag:s26] =	ssyncset.done $0x0  }
0x4a: {  	s11 =	sshrl.u32 @!p0 s0, $0x2;
	s0 =	simm.s32 @!p0 $0x7D;
	[sflag:s26] =	ssyncadd.s32 $0xFFFFF830  }
0x4b: {  	s1 =	sadd.s32 @!p0 $0x5000, s11  }
0x4c: {  	[tilespmem:s1], [sflag:$0x1] =	stream.indirect.gather @!p0 [spmem:s3], $0x10, s29, s0, $0xb8;
	[tilespmem:$0xE740] =	vst v63  }
0x4d: {  	_ =	swait.ge [sflag:s26], $0x7D0  }
0x4e: {  	[sflag:s26] =	ssyncset.done $0x0  }
0x4f: {  	[sflag:s26] =	ssyncadd.s32 $0xFFFFF830  }
0x50: {  	_ =	swait.ge [sflag:s26], $0x7D0  }
0x51: {  	s28 =	sadd.s32 $0x1, s28;
	[sflag:s26] =	ssyncset.done $0x0  }
0x52: {  	p0 =	sne.s32 s28, s9;
	[sflag:s26] =	ssyncadd.s32 $0xFFFFF830  }
.Ltmp2:
0x53: {  	s31 =	sshrl.u32 s5, $0x3;
	[bflag:$0x0] =	sbarrier.arrive $0xFFFF;
	(pc) =	sbr.rel @p0 .LBB2_1-.Ltmp2, $4  }
0x54: {  	[hbm:s10], [sflag:s13] =	dma.local [spmem:s31], $0x500  }
0x55: {  	_ =	swait.ge [sflag:s12], $0x500  }
0x56: {  	[sflag:s12] =	ssyncset.done $0x0  }
0x57: {  	[sflag:s12] =	ssyncadd.s32 $0xFFFFFB00  }
0x58: {  	_ =	sfence.sel $0x180000  }
0x59: {  	[bflag:$0x0] =	sbarrier.arrive $0xFFFF  }
0x5a: {  	_ =	strace $0x9000004A  }
0x5b: {  	s0 =	stileid.u32;
	[bflag:$0x2] =	sbarrier.arrive $0xFFFF  }
0x5c: {  	p0 =	sne.s32 s0, $0x0;
	s0 =	rddreg [dreg:$0x4]  }
0x5d: {  	s0 =	sadd.s32 @!p0 $0x100000, s0  }
0x5e: {  	[sflag:s0] =	ssyncadd.tile.s32 @!p0 $0x1;
	_ =	shalt  }
.Lfunc_end2:
_tile_overlayer_lowered:
.L_overlay_start_2:
0x5f: {  	(tag) =	ssettag $0x2  }
0x60: {  	s0 =	rddreg [dreg:$0x0];
	s2 =	stileid.u32  }
0x61: {  	s1 =	rddreg [dreg:$0x1];
	p0 =	sne.s32 s2, $0x0  }
0x62: {  	s3 =	rddreg [dreg:$0x2];
	[bflag:$0x3] =	sbarrier.arrive $0xFFFF;
	s2 =	simm.s32 @!p0 $0x1C03  }
0x63: {  	[timem:s3], [sflag:s2] =	dma.local @!p0 [hbm:s0], s1  }
0x64: {  	s0 =	simm.s32 @!p0 $0x3  }
0x65: {  	_ =	swait.ge @!p0 [sflag:s0], s1  }
0x66: {  	s1 =	ssub.s32 @!p0 $0x0, s1;
	[sflag:s0] =	ssyncset.done @!p0 $0x0  }
0x67: {  	[sflag:s0] =	ssyncadd.s32 @!p0 s1  }
0x68: {  	[bflag:$0x3] =	sbarrier.arrive $0xFFFF  }
0x69: {  	_ =	shalt  }

// kernel: kernel.17.cloned.1.call-start
scs
__scs_entry_jumppad:
0x0: {  	(pc) =	sbr.rel $0x88, $3  }
0x1: {  	(tag) =	ssettag $0x0;
	lr =	simm.s32 $0x1  }
0x2: {  	[smem:$0x3F93] =	sst lr;
	_ =	strace $0xD0000000  }
0x3: {  	_ = 	snop  }
0x4: {  	_ = 	snop  }
0x5: {  	_ = 	snop  }
0x6: {  	_ = 	snop  }
0x7: {  	_ = 	snop  }
__scs_overlays_trampoline_lowered:
0x8: {  	[smem:$0x3FA2] =	sst s0  }
0x9: {  	[smem:$0x3FA3] =	sst s1  }
0xa: {  	[smem:$0x3FA4] =	sst s2  }
0xb: {  	[smem:$0x3FA5] =	sst s3  }
0xc: {  	[smem:$0x3FA6] =	sst s4  }
0xd: {  	[smem:$0x3FA7] =	sst s5  }
0xe: {  	[smem:$0x3FA8] =	sst s6  }
0xf: {  	[smem:$0x3FA9] =	sst s7  }
0x10: {  	[smem:$0x3FAA] =	sst s8  }
0x11: {  	[smem:$0x3FAB] =	sst s9;
	s0 =	simm.s32 @!p0 $0x0  }
0x12: {  	s1 =	sld [smem:$0x3F91];
	s0 =	simm.s32 @p0 $0x1  }
0x13: {  	[smem:$0x3FAC] =	sst s0;
	s0 =	simm.s32 @!p1 $0x0  }
0x14: {  	s2 =	sld [smem:$0x3F90];
	s0 =	simm.s32 @p1 $0x1  }
0x15: {  	[smem:$0x3FAD] =	sst s0;
	s0 =	simm.s32 @!p2 $0x0  }
0x16: {  	s3 =	sld [smem:$0x3FDB];
	s0 =	simm.s32 @p2 $0x1  }
0x17: {  	s4 =	simm.s32 $0x1BF5;
	[smem:$0x3FAF] =	sst s0  }
0x18: {  	s0 =	sld [smem:$0x3F92];
	_ =	swait.ge [sflag:s4], $0x0  }
0x19: {  	s7 =	sld [smem:$0x3F93]  }
0x1a: {  	s8 =	sadd.s32 $0xFFFFE003, lr  }
0x1b: {  	s9 =	sadd.s32 $0xFFFFFEF7, lr;
	s5 =	simm.s32 $0xFFFFFFFF;
	p2 =	slt.u32 s8, $0xFFFFF086  }
0x1c: {  	p1 =	slt.u32 s9, $0xF7A;
	s5 =	simm.s32 @!p2 $0x0  }
0x1d: {  	s5 =	simm.s32 @p1 $0x1;
	p0 =	seq.s32 s7, s2  }
0x1e: {  	s7 =	smul.u32 @!p0 $0xF7A, s2;
	p2 =	seq.s32 @!p0 s5, $0x0  }
0x1f: {  	s9 =	smul.u32 $0xF7A, s1;
	s8 =	simm.s32 @!p0 $0x1BF5;
	p2 =	por !p2, p0  }
0x20: {  	[sflag:s8] =	ssyncset.s32 @!p0 $0xFFFFF086;
	s6 =	sadd.s32 @!p0 s3, s7;
	s7 =	simm.s32 @!p0 $0x108  }
0x21: {  	s3 =	sadd.s32 s3, s9;
	s6 =	sadd.s32 @!p0 $0x88, s6;
	s7 =	simm.s32 @p2 $0x1082  }
0x22: {  	[simem:s7], [sflag:s8] =	dma.local @!p0 [hbm:s6], $0xF7A  }
0x23: {  	s9 =	sor.u32 $0xD0000000, s2;
	s6 =	simm.s32 $0x108;
	_ =	swait.ge @!p0 [sflag:s8], $0x0  }
0x24: {  	s3 =	sadd.s32 $0x88, s3;
	s6 =	simm.s32 @!p1 $0x1082;
	[sflag:s4] =	ssyncset.s32 $0xFFFFF086  }
0x25: {  	[simem:s6], [sflag:s4] =	dma.local [hbm:s3], $0xF7A  }
0x26: {  	[smem:$0x3F93] =	sst s1;
	(tag) =	ssettag s2;
	_ =	strace s9  }
0x27: {  	s1 =	sld [smem:$0x3FA3]  }
0x28: {  	s2 =	sld [smem:$0x3FA4]  }
0x29: {  	s4 =	sld [smem:$0x3FA6]  }
0x2a: {  	p0 =	seq.s32 s5, $0x0;
	s5 =	sld [smem:$0x3FA7]  }
0x2b: {  	s6 =	sld [smem:$0x3FA8]  }
0x2c: {  	s7 =	sld [smem:$0x3FA9]  }
0x2d: {  	s3 =	simm.s32 $0x108;
	s8 =	sld [smem:$0x3FAA]  }
0x2e: {  	s3 =	simm.s32 @!p0 $0x1082;
	s9 =	sld [smem:$0x3FAB]  }
0x2f: {  	lr =	sadd.s32 s0, s3;
	s0 =	sld [smem:$0x3FA2]  }
0x30: {  	s3 =	sld [smem:$0x3FA5]  }
0x31: {  	[smem:$0x3FAE] =	sst s10  }
0x32: {  	s10 =	sld [smem:$0x3FAC];
	_ =	sdelay $0x3  }
0x33: {  	p0 =	seq.s32 s10, $0x1;
	s10 =	sld [smem:$0x3FAE];
	_ =	sdelay $0x3  }
0x34: {  	[smem:$0x3FAE] =	sst s10  }
0x35: {  	s10 =	sld [smem:$0x3FAD];
	_ =	sdelay $0x3  }
0x36: {  	p1 =	seq.s32 s10, $0x1;
	s10 =	sld [smem:$0x3FAE];
	_ =	sdelay $0x3  }
0x37: {  	[smem:$0x3FAE] =	sst s10  }
0x38: {  	s10 =	sld [smem:$0x3FAF]  }
0x39: {  	_ = 	snop;
	(pc) =	sbr.ind lr, $3  }
0x3a: {  	_ = 	snop  }
0x3b: {  	_ = 	snop  }
0x3c: {  	p2 =	seq.s32 s10, $0x1;
	s10 =	sld [smem:$0x3FAE]  }
0x3d: {  	_ =	shalt  }
0x3e: {  	_ =	shalt  }
0x3f: {  	_ =	shalt  }
0x40: {  	_ =	shalt  }
0x41: {  	_ =	shalt  }
0x42: {  	_ =	shalt  }
0x43: {  	_ =	shalt  }
0x44: {  	_ =	shalt  }
0x45: {  	_ =	shalt  }
0x46: {  	_ =	shalt  }
0x47: {  	_ =	shalt  }
0x48: {  	_ =	shalt  }
0x49: {  	_ =	shalt  }
0x4a: {  	_ =	shalt  }
0x4b: {  	_ =	shalt  }
0x4c: {  	_ =	shalt  }
0x4d: {  	_ =	shalt  }
0x4e: {  	_ =	shalt  }
0x4f: {  	_ =	shalt  }
0x50: {  	_ =	shalt  }
0x51: {  	_ =	shalt  }
0x52: {  	_ =	shalt  }
0x53: {  	_ =	shalt  }
0x54: {  	_ =	shalt  }
0x55: {  	_ =	shalt  }
0x56: {  	_ =	shalt  }
0x57: {  	_ =	shalt  }
0x58: {  	_ =	shalt  }
0x59: {  	_ =	shalt  }
0x5a: {  	_ =	shalt  }
0x5b: {  	_ =	shalt  }
0x5c: {  	_ =	shalt  }
0x5d: {  	_ =	shalt  }
0x5e: {  	_ =	shalt  }
0x5f: {  	_ =	shalt  }
0x60: {  	_ =	shalt  }
0x61: {  	_ =	shalt  }
0x62: {  	_ =	shalt  }
0x63: {  	_ =	shalt  }
0x64: {  	_ =	shalt  }
0x65: {  	_ =	shalt  }
0x66: {  	_ =	shalt  }
0x67: {  	_ =	shalt  }
0x68: {  	_ =	shalt  }
0x69: {  	_ =	shalt  }
0x6a: {  	_ =	shalt  }
0x6b: {  	_ =	shalt  }
0x6c: {  	_ =	shalt  }
0x6d: {  	_ =	shalt  }
0x6e: {  	_ =	shalt  }
0x6f: {  	_ =	shalt  }
0x70: {  	_ =	shalt  }
0x71: {  	_ =	shalt  }
0x72: {  	_ =	shalt  }
0x73: {  	_ =	shalt  }
0x74: {  	_ =	shalt  }
0x75: {  	_ =	shalt  }
0x76: {  	_ =	shalt  }
0x77: {  	_ =	shalt  }
0x78: {  	_ =	shalt  }
0x79: {  	_ =	shalt  }
0x7a: {  	_ =	shalt  }
0x7b: {  	_ =	shalt  }
0x7c: {  	_ =	shalt  }
0x7d: {  	_ =	shalt  }
0x7e: {  	_ =	shalt  }
0x7f: {  	_ =	shalt  }
0x80: {  	_ =	shalt  }
0x81: {  	_ =	shalt  }
0x82: {  	_ =	shalt  }
0x83: {  	_ =	shalt  }
0x84: {  	_ =	shalt  }
0x85: {  	_ =	shalt  }
0x86: {  	_ =	shalt  }
0x87: {  	_ =	shalt  }
.Lfunc_end0:
.L_simem_size_0:
called_computation.2_lowered:
.L_overlay_start_0:
0x88: {  	s2 =	sld [smem:$0x3FD9]  }
0x89: {  	s3 =	sld [smem:$0x3FFE];
	_ =	sdelay $0x1  }
0x8a: {  	s1 =	srdreg.scid  }
0x8b: {  	s0 =	sand.u32 $0x1, s1  }
0x8c: {  	s17 =	sshll.u32 s0, $0xA;
	s2 =	sadd.s32 s3, s2  }
0x8d: {  	s2 =	sadd.s32 s2, s17  }
0x8e: {  	[smem:$0x3FBA] =	sst s2  }
0x8f: {  	_ = 	snop  }
0x90: {  	s2 =	sld [smem:$0x3FD0];
	(tm) =	ssettm $0x1  }
0x91: {  	s18 =	sld [smem:$0x3FFB];
	_ =	sdelay $0x3  }
0x92: {  	_ =	strace s18  }
0x93: {  	s3 =	sld [smem:$0x3FFC];
	_ =	sdelay $0x3  }
0x94: {  	_ =	strace s3  }
0x95: {  	s3 =	sld [smem:$0x3FFD];
	_ =	sdelay $0x3  }
0x96: {  	_ =	strace s3  }
0x97: {  	_ =	strace $0x8FFFFFFF  }
0x98: {  	s19 =	sld [smem:$0x3FDB];
	_ =	sdelay $0x1  }
0x99: {  	s4 =	simm.s32 $_scs_section_size  }
0x9a: {  	s5 =	simm.s32 $_size__tile_overlayer_lowered;
	s6 =	simm.s32 $_tile_overlayer_lowered  }
0x9b: {  	s22 =	simm.s32 $0x1BFF;
	s21 =	sshll.u32 s6, $0x1;
	s3 =	sadd.s32 s4, s19  }
0x9c: {  	s7 =	simm.s32 $0x0;
	s20 =	sshll.u32 s5, $0x1;
	s5 =	sadd.s32 s21, s3  }
0x9d: {  	[timem:s7], [sflag:s22] =	dma.local [hbm:s5], s20  }
0x9e: {  	_ =	swait.ge [sflag:s22], s20  }
0x9f: {  	s4 =	ssub.s32 $0x0, s20;
	[sflag:s22] =	ssyncset.done $0x0  }
0xa0: {  	[sflag:s22] =	ssyncadd.s32 s4;
	_ =	sdelay $0x1  }
0xa1: {  	s23 =	simm.s32 $0x1B8B  }
0xa2: {  	_ =	swait.ge [sflag:s23], $0x1  }
0xa3: {  	[sflag:s23] =	ssyncset.done $0x0  }
0xa4: {  	s25 =	simm.s32 $0x1B8E;
	s24 =	sld [smem:$0x3FFE];
	[sflag:s23] =	ssyncadd.s32 $0xFFFFFFFF  }
0xa5: {  	s26 =	simm.s32 $execute0_lowered;
	[smem:$0x3FD2] =	sst s25  }
0xa6: {  	s5 =	sshll.u32 s26, $0x1;
	_ =	strace $0x8000004C;
	[dreg:$0x1] =	wrdreg $0xFFFFFFFF  }
0xa7: {  	s28 =	simm.s32 $_size_execute0_lowered;
	s3 =	sadd.s32 s3, s5;
	[dreg:$0x0] =	wrdreg $0x0  }
0xa8: {  	s5 =	sshll.u32 s28, $0x1;
	[dreg:$0x2] =	wrdreg s3  }
0xa9: {  	[dreg:$0x3] =	wrdreg s5  }
0xaa: {  	[dreg:$0x4] =	wrdreg $0xC0  }
0xab: {  	_ =	task [dreg:s7], $0x5FFFF  }
0xac: {  	[dreg:$0x1] =	wrdreg $0xFFFFFFFF  }
0xad: {  	[dreg:$0x0] =	wrdreg $0x60  }
0xae: {  	[dreg:$0x2] =	wrdreg s2  }
0xaf: {  	[dreg:$0x3] =	wrdreg s24  }
0xb0: {  	[dreg:$0x4] =	wrdreg $0x97400  }
0xb1: {  	[dreg:$0x5] =	wrdreg $0xBF400  }
0xb2: {  	[dreg:$0x6] =	wrdreg $0x9  }
0xb3: {  	_ =	task.clear_ibuf [dreg:s7], $0x7FFFF;
	_ =	strace $0x9000004C  }
0xb4: {  	s29 =	simm.s32 $0x9;
	_ =	strace $0x8000004E  }
0xb5: {  	_ =	swait.ge [sflag:s29], $0x1  }
0xb6: {  	[sflag:s29] =	ssyncadd.s32 $0xFFFFFFFF  }
0xb7: {  	_ =	strace $0x9000004E  }
0xb8: {  	_ =	sfence  }
0xb9: {  	s30 =	sld [smem:$0x0];
	_ =	sdelay $0x2  }
0xba: {  	s31 =	sshll.u32 s1, $0xD;
	s1 =	sshrl.u32 s1, $0x2  }
0xbb: {  	s3 =	sand.u32 $0x4000, s31;
	s1 =	sadd.s32 s1, s30  }
0xbc: {  	s0 =	sor.u32 s3, s0;
	s1 =	sshll.u32 s1, $0x11  }
0xbd: {  	s0 =	sor.u32 s1, s0  }
0xbe: {  	s0 =	sadd.s32 $0x8F2B, s0  }
0xbf: {  	[sflag:s0] =	ssyncadd.remote.s32 $0x1  }
0xc0: {  	_ =	sfence.sel $0xFFFF  }
0xc1: {  	[dreg:$0x0] =	wrdreg $0xFFFFFFFF;
	(pc) =	sbr.abs _section_cstart, $3  }
0xc2: {  	[dreg:$0x1] =	wrdreg $0xFFFFFFFF  }
0xc3: {  	_ =	task.clear_ibuf [dreg:s7], $0x2FFFF;
	_ =	strace $0x9FFFFFFF  }
0xc4: {  	(tm) =	ssettm $0x7FFFFFFF  }
0xc5: {  	_ =	shalt  }
tec
execute0_lowered:
.L_overlay_start_1:
0x0: {  	(tag) =	ssettag $0x1  }
0x1: {  	s0 =	rddreg [dreg:$0x0]  }
0x2: {  	s8 =	rddreg [dreg:$0x1]  }
0x3: {  	s1 =	srdreg.scid;
	s2 =	rddreg [dreg:$0x2]  }
0x4: {  	s13 =	stileid.u32;
	s3 =	rddreg [dreg:$0x3];
	s15 =	simm.s32 $0x2800  }
0x5: {  	s16 =	simm.s32 $0x7D;
	s17 =	simm.s32 $0x5000;
	s19 =	simm.s32 $0x57D0  }
0x6: {  	s20 =	simm.s32 $0x1;
	s22 =	simm.s32 $0x5FA0;
	s23 =	simm.s32 $0x2880  }
0x7: {  	s24 =	simm.s32 $0x180;
	s25 =	simm.s32 $0x6770;
	s26 =	simm.s32 $0x2  }
0x8: {  	s28 =	simm.s32 $0x0;
	s1 =	sand.u32 $0x1, s1;
	s9 =	smul.u32 $0x2800, s13  }
0x9: {  	s31 =	sshll.u32 s13, $0x6;
	s4 =	sshll.u32 s1, $0x4;
	s6 =	ssub.s32 $0x2, s1  }
0xa: {  	p0 =	seq.s32 s1, $0x1;
	s1 =	simm.s32 $0x1F200;
	s5 =	sor.u32 s13, s4  }
0xb: {  	s4 =	simm.s32 $0x0;
	s7 =	sshrl.u32 s6, $0x1;
	s14 =	sadd.s32 s9, s3  }
0xc: {  	s12 =	sshrl.u32 s9, $0x3;
	s1 =	simm.s32 @!p0 $0x1A200;
	s5 =	smul.u32 $0x2800, s5  }
0xd: {  	s13 =	sor.u32 $0x1C03, s31;
	[smem:$0x7FF] =	sst s4;
	s11 =	ssub.s32 s6, s7  }
0xe: {  	s6 =	sadd.s32 s0, s12;
	s30 =	sadd.s32 s1, s8;
	s5 =	sshrl.u32 s5, $0x3  }
0xf: {  	s14 =	sshrl.u32 s14, $0x3;
	_ =	strace $0x8000004D;
	s10 =	sadd.s32 s5, s8  }
0x10: {  	s5 =	sadd.s32 s9, s2;
	s9 =	smax.u32 s11, $0x1;
	s7 =	sadd.s32 $0x6200, s10  }
0x11: {  	v0 =	vimm.f32 $0.0e+00;
	s8 =	sadd.s32 $0x10200, s10;
	s10 =	sadd.s32 s30, s12;
	s12 =	simm.s32 $0x3  }
.LBB2_1:
0x12: {  	s1 =	simm.s32 $0x40;
	s0 =	simm.s32 $0x0  }
.LBB2_2:
0x13: {  	p0 =	sne.s32 s1, $0x9FC0;
	[tilespmem:s0+$0x6F40] =	vst v0;
	s0 =	smov.u32 s1;
	s1 =	sadd.s32 $0x40, s1  }
.Ltmp0:
0x14: {  	(pc) =	sbr.rel @p0 .LBB2_2-.Ltmp0, $2  }
0x15: {  	_ =	sdelay $0x2  }
0x16: {  	s0 =	sshra.s32 s0, $0x2  }
0x17: {  	[tilespmem:s0+$0x6F40] =	vst v0;
	s1 =	simm.s32 $0x6F40  }
0x18: {  	[spmem:s5] =	stream.linear.scatter [tilespmem:s1], [sflag:$0x3], $0x2800, $0x38;
	[tilespmem:$0xE740] =	vst v63  }
0x19: {  	_ =	swait.ge [sflag:s12], $0x2800  }
0x1a: {  	[sflag:s12] =	ssyncset.done $0x0  }
0x1b: {  	[sflag:s12] =	ssyncadd.s32 $0xFFFFD800  }
0x1c: {  	[spmem:s14], [sflag:s13] =	dma.local [hbm:s6], $0x500  }
0x1d: {  	_ =	swait.ge [sflag:s12], $0x500  }
0x1e: {  	[sflag:s12] =	ssyncset.done $0x0  }
0x1f: {  	[sflag:s12] =	ssyncadd.s32 $0xFFFFFB00  }
0x20: {  	[tilespmem:s4], [sflag:$0x3] =	stream.linear.gather [hbm4b:s7+s4], $0x2800, $0x38;
	[tilespmem:$0xE740] =	vst v63  }
0x21: {  	_ =	swait.ge [sflag:s12], $0x2800  }
0x22: {  	[sflag:s12] =	ssyncset.done $0x0  }
0x23: {  	[sflag:s12] =	ssyncadd.s32 $0xFFFFD800  }
0x24: {  	[tilespmem:s15], [sflag:$0x3] =	stream.linear.gather [hbm4b:s8+s4], $0x2800, $0x38;
	[tilespmem:$0xE740] =	vst v63  }
0x25: {  	_ =	swait.ge [sflag:s12], $0x2800  }
0x26: {  	[sflag:s12] =	ssyncset.done $0x0  }
0x27: {  	[sflag:s12] =	ssyncadd.s32 $0xFFFFD800  }
0x28: {  	[bflag:$0x0] =	sbarrier.arrive $0xFFFF  }
0x29: {  	[tilespmem:s17], [sflag:$0x1] =	stream.indirect.gather [spmem:s3], $0x10, s4, s16, $0xb8;
	[tilespmem:$0xE740] =	vst v63  }
0x2a: {  	s11 =	simm.s32 $0x80  }
0x2b: {  	[tilespmem:s19], [sflag:$0x1] =	stream.indirect.gather [spmem:s3], $0x10, s11, s16, $0xb8;
	[tilespmem:$0xE740] =	vst v63  }
0x2c: {  	_ =	swait.ge [sflag:s20], $0x7D0  }
0x2d: {  	[sflag:s20] =	ssyncset.done $0x0  }
0x2e: {  	[sflag:s20] =	ssyncadd.s32 $0xFFFFF830  }
0x2f: {  	[spmem:s2] =	stream.indirect.scatter.add.f32 [tilespmem:s17], [sflag:$0x2], $0x10, s15, s16, $0xb8;
	[tilespmem:$0xE740] =	vst v63  }
0x30: {  	s18 =	simm.s32 $0x100  }
0x31: {  	[tilespmem:s22], [sflag:$0x1] =	stream.indirect.gather [spmem:s3], $0x10, s18, s16, $0xb8;
	[tilespmem:$0xE740] =	vst v63  }
0x32: {  	_ =	swait.ge [sflag:s20], $0x7D0  }
0x33: {  	s21 =	simm.s32 $0x2;
	[sflag:s20] =	ssyncset.done $0x0  }
0x34: {  	s0 =	sand.u32 $0x3, s21;
	[sflag:s20] =	ssyncadd.s32 $0xFFFFF830  }
0x35: {  	[spmem:s2] =	stream.indirect.scatter.add.f32 [tilespmem:s19], [sflag:$0x2], $0x10, s23, s16, $0xb8;
	[tilespmem:$0xE740] =	vst v63  }
0x36: {  	s29 =	simm.s32 $0x200;
	s0 =	smul.u32 $0x1F40, s0  }
0x37: {  	[tilespmem:s25], [sflag:$0x1] =	stream.indirect.gather [spmem:s3], $0x10, s24, s16, $0xb8;
	[tilespmem:$0xE740] =	vst v63  }
0x38: {  	p0 =	por $0x0, $0x0;
	s1 =	simm.s32 $0x4;
	_ =	swait.ge [sflag:s20], $0x7D0  }
0x39: {  	s1 =	sand.u32 @!p0 $0x3, s1;
	s0 =	sshrl.u32 s0, $0x2;
	[sflag:s20] =	ssyncset.done $0x0  }
0x3a: {  	s0 =	sadd.s32 $0x5000, s0;
	s11 =	simm.s32 $0x2900;
	[sflag:s20] =	ssyncadd.s32 $0xFFFFF830  }
0x3b: {  	[spmem:s2] =	stream.indirect.scatter.add.f32 [tilespmem:s0], [sflag:$0x2], $0x10, s11, s16, $0xb8;
	[tilespmem:$0xE740] =	vst v63  }
0x3c: {  	s30 =	simm.s32 $0x5;
	s0 =	smul.u32 @!p0 $0x1F40, s1;
	_ =	swait.ge [sflag:s26], $0x7D0  }
0x3d: {  	s31 =	simm.s32 $0x280;
	s1 =	simm.s32 $0x2980;
	[sflag:s26] =	ssyncset.done $0x0  }
0x3e: {  	s11 =	sshrl.u32 @!p0 s0, $0x2;
	s0 =	simm.s32 @!p0 $0x7D;
	[sflag:s26] =	ssyncadd.s32 $0xFFFFF830  }
.LBB2_4:
0x3f: {  	s18 =	sadd.s32 $0xFFFFFFFE, s30  }
0x40: {  	s11 =	sadd.s32 @!p0 $0x5000, s11;
	s21 =	smov.u32 s30;
	s30 =	sadd.s32 $0x1, s30  }
0x41: {  	[tilespmem:s11], [sflag:$0x1] =	stream.indirect.gather @!p0 [spmem:s3], $0x10, s29, s0, $0xb8;
	[tilespmem:$0xE740] =	vst v63  }
0x42: {  	s0 =	sand.u32 $0x3, s18;
	p1 =	sne.s32 s30, $0x52;
	s29 =	smov.u32 s31  }
0x43: {  	s0 =	smul.u32 $0x1F40, s0  }
0x44: {  	p0 =	sgt.u32 s18, $0x4D;
	_ =	swait.ge [sflag:s20], $0x7D0  }
0x45: {  	s11 =	sand.u32 @!p0 $0x3, s21;
	s0 =	sshrl.u32 s0, $0x2;
	[sflag:s20] =	ssyncset.done $0x0  }
.Ltmp1:
0x46: {  	s0 =	sadd.s32 $0x5000, s0;
	[sflag:s20] =	ssyncadd.s32 $0xFFFFF830;
	(pc) =	sbr.rel @p1 .LBB2_4-.Ltmp1, $4  }
0x47: {  	[spmem:s2] =	stream.indirect.scatter.add.f32 [tilespmem:s0], [sflag:$0x2], $0x10, s1, s16, $0xb8;
	[tilespmem:$0xE740] =	vst v63  }
0x48: {  	s0 =	smul.u32 @!p0 $0x1F40, s11;
	_ =	swait.ge [sflag:s26], $0x7D0  }
0x49: {  	s31 =	sadd.s32 $0x80, s31;
	s1 =	sadd.s32 $0x80, s1;
	[sflag:s26] =	ssyncset.done $0x0  }
0x4a: {  	s11 =	sshrl.u32 @!p0 s0, $0x2;
	s0 =	simm.s32 @!p0 $0x7D;
	[sflag:s26] =	ssyncadd.s32 $0xFFFFF830  }
0x4b: {  	s1 =	sadd.s32 @!p0 $0x5000, s11  }
0x4c: {  	[tilespmem:s1], [sflag:$0x1] =	stream.indirect.gather @!p0 [spmem:s3], $0x10, s29, s0, $0xb8;
	[tilespmem:$0xE740] =	vst v63  }
0x4d: {  	_ =	swait.ge [sflag:s26], $0x7D0  }
0x4e: {  	[sflag:s26] =	ssyncset.done $0x0  }
0x4f: {  	[sflag:s26] =	ssyncadd.s32 $0xFFFFF830  }
0x50: {  	_ =	swait.ge [sflag:s26], $0x7D0  }
0x51: {  	s28 =	sadd.s32 $0x1, s28;
	[sflag:s26] =	ssyncset.done $0x0  }
0x52: {  	p0 =	sne.s32 s28, s9;
	[sflag:s26] =	ssyncadd.s32 $0xFFFFF830  }
.Ltmp2:
0x53: {  	s31 =	sshrl.u32 s5, $0x3;
	[bflag:$0x0] =	sbarrier.arrive $0xFFFF;
	(pc) =	sbr.rel @p0 .LBB2_1-.Ltmp2, $4  }
0x54: {  	[hbm:s10], [sflag:s13] =	dma.local [spmem:s31], $0x500  }
0x55: {  	_ =	swait.ge [sflag:s12], $0x500  }
0x56: {  	[sflag:s12] =	ssyncset.done $0x0  }
0x57: {  	[sflag:s12] =	ssyncadd.s32 $0xFFFFFB00  }
0x58: {  	_ =	sfence.sel $0x180000  }
0x59: {  	[bflag:$0x0] =	sbarrier.arrive $0xFFFF  }
0x5a: {  	_ =	strace $0x9000004D  }
0x5b: {  	s0 =	stileid.u32;
	[bflag:$0x2] =	sbarrier.arrive $0xFFFF  }
0x5c: {  	p0 =	sne.s32 s0, $0x0;
	s0 =	rddreg [dreg:$0x4]  }
0x5d: {  	s0 =	sadd.s32 @!p0 $0x100000, s0  }
0x5e: {  	[sflag:s0] =	ssyncadd.tile.s32 @!p0 $0x1;
	_ =	shalt  }
.Lfunc_end2:
_tile_overlayer_lowered:
.L_overlay_start_2:
0x5f: {  	(tag) =	ssettag $0x2  }
0x60: {  	s0 =	rddreg [dreg:$0x0];
	s2 =	stileid.u32  }
0x61: {  	s1 =	rddreg [dreg:$0x1];
	p0 =	sne.s32 s2, $0x0  }
0x62: {  	s3 =	rddreg [dreg:$0x2];
	[bflag:$0x3] =	sbarrier.arrive $0xFFFF;
	s2 =	simm.s32 @!p0 $0x1C03  }
0x63: {  	[timem:s3], [sflag:s2] =	dma.local @!p0 [hbm:s0], s1  }
0x64: {  	s0 =	simm.s32 @!p0 $0x3  }
0x65: {  	_ =	swait.ge @!p0 [sflag:s0], s1  }
0x66: {  	s1 =	ssub.s32 @!p0 $0x0, s1;
	[sflag:s0] =	ssyncset.done @!p0 $0x0  }
0x67: {  	[sflag:s0] =	ssyncadd.s32 @!p0 s1  }
0x68: {  	[bflag:$0x3] =	sbarrier.arrive $0xFFFF  }
0x69: {  	_ =	shalt  }

// kernel: kernel.20.cloned.1.call-start
scs
__scs_entry_jumppad:
0x0: {  	(pc) =	sbr.rel $0x88, $3  }
0x1: {  	(tag) =	ssettag $0x0;
	lr =	simm.s32 $0x1  }
0x2: {  	[smem:$0x3F93] =	sst lr;
	_ =	strace $0xD0000000  }
0x3: {  	_ = 	snop  }
0x4: {  	_ = 	snop  }
0x5: {  	_ = 	snop  }
0x6: {  	_ = 	snop  }
0x7: {  	_ = 	snop  }
__scs_overlays_trampoline_lowered:
0x8: {  	[smem:$0x3FA2] =	sst s0  }
0x9: {  	[smem:$0x3FA3] =	sst s1  }
0xa: {  	[smem:$0x3FA4] =	sst s2  }
0xb: {  	[smem:$0x3FA5] =	sst s3  }
0xc: {  	[smem:$0x3FA6] =	sst s4  }
0xd: {  	[smem:$0x3FA7] =	sst s5  }
0xe: {  	[smem:$0x3FA8] =	sst s6  }
0xf: {  	[smem:$0x3FA9] =	sst s7  }
0x10: {  	[smem:$0x3FAA] =	sst s8  }
0x11: {  	[smem:$0x3FAB] =	sst s9;
	s0 =	simm.s32 @!p0 $0x0  }
0x12: {  	s1 =	sld [smem:$0x3F91];
	s0 =	simm.s32 @p0 $0x1  }
0x13: {  	[smem:$0x3FAC] =	sst s0;
	s0 =	simm.s32 @!p1 $0x0  }
0x14: {  	s2 =	sld [smem:$0x3F90];
	s0 =	simm.s32 @p1 $0x1  }
0x15: {  	[smem:$0x3FAD] =	sst s0;
	s0 =	simm.s32 @!p2 $0x0  }
0x16: {  	s3 =	sld [smem:$0x3FDB];
	s0 =	simm.s32 @p2 $0x1  }
0x17: {  	s4 =	simm.s32 $0x1BF5;
	[smem:$0x3FAF] =	sst s0  }
0x18: {  	s0 =	sld [smem:$0x3F92];
	_ =	swait.ge [sflag:s4], $0x0  }
0x19: {  	s7 =	sld [smem:$0x3F93]  }
0x1a: {  	s8 =	sadd.s32 $0xFFFFE003, lr  }
0x1b: {  	s9 =	sadd.s32 $0xFFFFFEF7, lr;
	s5 =	simm.s32 $0xFFFFFFFF;
	p2 =	slt.u32 s8, $0xFFFFF086  }
0x1c: {  	p1 =	slt.u32 s9, $0xF7A;
	s5 =	simm.s32 @!p2 $0x0  }
0x1d: {  	s5 =	simm.s32 @p1 $0x1;
	p0 =	seq.s32 s7, s2  }
0x1e: {  	s7 =	smul.u32 @!p0 $0xF7A, s2;
	p2 =	seq.s32 @!p0 s5, $0x0  }
0x1f: {  	s9 =	smul.u32 $0xF7A, s1;
	s8 =	simm.s32 @!p0 $0x1BF5;
	p2 =	por !p2, p0  }
0x20: {  	[sflag:s8] =	ssyncset.s32 @!p0 $0xFFFFF086;
	s6 =	sadd.s32 @!p0 s3, s7;
	s7 =	simm.s32 @!p0 $0x108  }
0x21: {  	s3 =	sadd.s32 s3, s9;
	s6 =	sadd.s32 @!p0 $0x88, s6;
	s7 =	simm.s32 @p2 $0x1082  }
0x22: {  	[simem:s7], [sflag:s8] =	dma.local @!p0 [hbm:s6], $0xF7A  }
0x23: {  	s9 =	sor.u32 $0xD0000000, s2;
	s6 =	simm.s32 $0x108;
	_ =	swait.ge @!p0 [sflag:s8], $0x0  }
0x24: {  	s3 =	sadd.s32 $0x88, s3;
	s6 =	simm.s32 @!p1 $0x1082;
	[sflag:s4] =	ssyncset.s32 $0xFFFFF086  }
0x25: {  	[simem:s6], [sflag:s4] =	dma.local [hbm:s3], $0xF7A  }
0x26: {  	[smem:$0x3F93] =	sst s1;
	(tag) =	ssettag s2;
	_ =	strace s9  }
0x27: {  	s1 =	sld [smem:$0x3FA3]  }
0x28: {  	s2 =	sld [smem:$0x3FA4]  }
0x29: {  	s4 =	sld [smem:$0x3FA6]  }
0x2a: {  	p0 =	seq.s32 s5, $0x0;
	s5 =	sld [smem:$0x3FA7]  }
0x2b: {  	s6 =	sld [smem:$0x3FA8]  }
0x2c: {  	s7 =	sld [smem:$0x3FA9]  }
0x2d: {  	s3 =	simm.s32 $0x108;
	s8 =	sld [smem:$0x3FAA]  }
0x2e: {  	s3 =	simm.s32 @!p0 $0x1082;
	s9 =	sld [smem:$0x3FAB]  }
0x2f: {  	lr =	sadd.s32 s0, s3;
	s0 =	sld [smem:$0x3FA2]  }
0x30: {  	s3 =	sld [smem:$0x3FA5]  }
0x31: {  	[smem:$0x3FAE] =	sst s10  }
0x32: {  	s10 =	sld [smem:$0x3FAC];
	_ =	sdelay $0x3  }
0x33: {  	p0 =	seq.s32 s10, $0x1;
	s10 =	sld [smem:$0x3FAE];
	_ =	sdelay $0x3  }
0x34: {  	[smem:$0x3FAE] =	sst s10  }
0x35: {  	s10 =	sld [smem:$0x3FAD];
	_ =	sdelay $0x3  }
0x36: {  	p1 =	seq.s32 s10, $0x1;
	s10 =	sld [smem:$0x3FAE];
	_ =	sdelay $0x3  }
0x37: {  	[smem:$0x3FAE] =	sst s10  }
0x38: {  	s10 =	sld [smem:$0x3FAF]  }
0x39: {  	_ = 	snop;
	(pc) =	sbr.ind lr, $3  }
0x3a: {  	_ = 	snop  }
0x3b: {  	_ = 	snop  }
0x3c: {  	p2 =	seq.s32 s10, $0x1;
	s10 =	sld [smem:$0x3FAE]  }
0x3d: {  	_ =	shalt  }
0x3e: {  	_ =	shalt  }
0x3f: {  	_ =	shalt  }
0x40: {  	_ =	shalt  }
0x41: {  	_ =	shalt  }
0x42: {  	_ =	shalt  }
0x43: {  	_ =	shalt  }
0x44: {  	_ =	shalt  }
0x45: {  	_ =	shalt  }
0x46: {  	_ =	shalt  }
0x47: {  	_ =	shalt  }
0x48: {  	_ =	shalt  }
0x49: {  	_ =	shalt  }
0x4a: {  	_ =	shalt  }
0x4b: {  	_ =	shalt  }
0x4c: {  	_ =	shalt  }
0x4d: {  	_ =	shalt  }
0x4e: {  	_ =	shalt  }
0x4f: {  	_ =	shalt  }
0x50: {  	_ =	shalt  }
0x51: {  	_ =	shalt  }
0x52: {  	_ =	shalt  }
0x53: {  	_ =	shalt  }
0x54: {  	_ =	shalt  }
0x55: {  	_ =	shalt  }
0x56: {  	_ =	shalt  }
0x57: {  	_ =	shalt  }
0x58: {  	_ =	shalt  }
0x59: {  	_ =	shalt  }
0x5a: {  	_ =	shalt  }
0x5b: {  	_ =	shalt  }
0x5c: {  	_ =	shalt  }
0x5d: {  	_ =	shalt  }
0x5e: {  	_ =	shalt  }
0x5f: {  	_ =	shalt  }
0x60: {  	_ =	shalt  }
0x61: {  	_ =	shalt  }
0x62: {  	_ =	shalt  }
0x63: {  	_ =	shalt  }
0x64: {  	_ =	shalt  }
0x65: {  	_ =	shalt  }
0x66: {  	_ =	shalt  }
0x67: {  	_ =	shalt  }
0x68: {  	_ =	shalt  }
0x69: {  	_ =	shalt  }
0x6a: {  	_ =	shalt  }
0x6b: {  	_ =	shalt  }
0x6c: {  	_ =	shalt  }
0x6d: {  	_ =	shalt  }
0x6e: {  	_ =	shalt  }
0x6f: {  	_ =	shalt  }
0x70: {  	_ =	shalt  }
0x71: {  	_ =	shalt  }
0x72: {  	_ =	shalt  }
0x73: {  	_ =	shalt  }
0x74: {  	_ =	shalt  }
0x75: {  	_ =	shalt  }
0x76: {  	_ =	shalt  }
0x77: {  	_ =	shalt  }
0x78: {  	_ =	shalt  }
0x79: {  	_ =	shalt  }
0x7a: {  	_ =	shalt  }
0x7b: {  	_ =	shalt  }
0x7c: {  	_ =	shalt  }
0x7d: {  	_ =	shalt  }
0x7e: {  	_ =	shalt  }
0x7f: {  	_ =	shalt  }
0x80: {  	_ =	shalt  }
0x81: {  	_ =	shalt  }
0x82: {  	_ =	shalt  }
0x83: {  	_ =	shalt  }
0x84: {  	_ =	shalt  }
0x85: {  	_ =	shalt  }
0x86: {  	_ =	shalt  }
0x87: {  	_ =	shalt  }
.Lfunc_end0:
.L_simem_size_0:
called_computation.3_lowered:
.L_overlay_start_0:
0x88: {  	s2 =	sld [smem:$0x3FD9]  }
0x89: {  	s3 =	sld [smem:$0x3FFE];
	_ =	sdelay $0x1  }
0x8a: {  	s1 =	srdreg.scid  }
0x8b: {  	s0 =	sand.u32 $0x1, s1  }
0x8c: {  	s17 =	sshll.u32 s0, $0xA;
	s2 =	sadd.s32 s3, s2  }
0x8d: {  	s2 =	sadd.s32 s2, s17  }
0x8e: {  	[smem:$0x3FBA] =	sst s2  }
0x8f: {  	_ = 	snop  }
0x90: {  	s2 =	sld [smem:$0x3FD0];
	(tm) =	ssettm $0x1  }
0x91: {  	s18 =	sld [smem:$0x3FFB];
	_ =	sdelay $0x3  }
0x92: {  	_ =	strace s18  }
0x93: {  	s3 =	sld [smem:$0x3FFC];
	_ =	sdelay $0x3  }
0x94: {  	_ =	strace s3  }
0x95: {  	s3 =	sld [smem:$0x3FFD];
	_ =	sdelay $0x3  }
0x96: {  	_ =	strace s3  }
0x97: {  	_ =	strace $0x8FFFFFFF  }
0x98: {  	s19 =	sld [smem:$0x3FDB];
	_ =	sdelay $0x1  }
0x99: {  	s4 =	simm.s32 $_scs_section_size  }
0x9a: {  	s5 =	simm.s32 $_size__tile_overlayer_lowered;
	s6 =	simm.s32 $_tile_overlayer_lowered  }
0x9b: {  	s22 =	simm.s32 $0x1BFF;
	s21 =	sshll.u32 s6, $0x1;
	s3 =	sadd.s32 s4, s19  }
0x9c: {  	s7 =	simm.s32 $0x0;
	s20 =	sshll.u32 s5, $0x1;
	s5 =	sadd.s32 s21, s3  }
0x9d: {  	[timem:s7], [sflag:s22] =	dma.local [hbm:s5], s20  }
0x9e: {  	_ =	swait.ge [sflag:s22], s20  }
0x9f: {  	s4 =	ssub.s32 $0x0, s20;
	[sflag:s22] =	ssyncset.done $0x0  }
0xa0: {  	[sflag:s22] =	ssyncadd.s32 s4;
	_ =	sdelay $0x1  }
0xa1: {  	s23 =	simm.s32 $0x1B8B  }
0xa2: {  	_ =	swait.ge [sflag:s23], $0x1  }
0xa3: {  	[sflag:s23] =	ssyncset.done $0x0  }
0xa4: {  	s25 =	simm.s32 $0x1B8E;
	s24 =	sld [smem:$0x3FFE];
	[sflag:s23] =	ssyncadd.s32 $0xFFFFFFFF  }
0xa5: {  	s26 =	simm.s32 $execute0_lowered;
	[smem:$0x3FD2] =	sst s25  }
0xa6: {  	s5 =	sshll.u32 s26, $0x1;
	_ =	strace $0x8000004F;
	[dreg:$0x1] =	wrdreg $0xFFFFFFFF  }
0xa7: {  	s28 =	simm.s32 $_size_execute0_lowered;
	s3 =	sadd.s32 s3, s5;
	[dreg:$0x0] =	wrdreg $0x0  }
0xa8: {  	s5 =	sshll.u32 s28, $0x1;
	[dreg:$0x2] =	wrdreg s3  }
0xa9: {  	[dreg:$0x3] =	wrdreg s5  }
0xaa: {  	[dreg:$0x4] =	wrdreg $0xC0  }
0xab: {  	_ =	task [dreg:s7], $0x5FFFF  }
0xac: {  	[dreg:$0x1] =	wrdreg $0xFFFFFFFF  }
0xad: {  	[dreg:$0x0] =	wrdreg $0x60  }
0xae: {  	[dreg:$0x2] =	wrdreg s2  }
0xaf: {  	[dreg:$0x3] =	wrdreg s24  }
0xb0: {  	[dreg:$0x4] =	wrdreg $0x97400  }
0xb1: {  	[dreg:$0x5] =	wrdreg $0xBF400  }
0xb2: {  	[dreg:$0x6] =	wrdreg $0x9  }
0xb3: {  	_ =	task.clear_ibuf [dreg:s7], $0x7FFFF;
	_ =	strace $0x9000004F  }
0xb4: {  	s29 =	simm.s32 $0x9;
	_ =	strace $0x80000051  }
0xb5: {  	_ =	swait.ge [sflag:s29], $0x1  }
0xb6: {  	[sflag:s29] =	ssyncadd.s32 $0xFFFFFFFF  }
0xb7: {  	_ =	strace $0x90000051  }
0xb8: {  	_ =	sfence  }
0xb9: {  	s30 =	sld [smem:$0x0];
	_ =	sdelay $0x2  }
0xba: {  	s31 =	sshll.u32 s1, $0xD;
	s1 =	sshrl.u32 s1, $0x2  }
0xbb: {  	s3 =	sand.u32 $0x4000, s31;
	s1 =	sadd.s32 s1, s30  }
0xbc: {  	s0 =	sor.u32 s3, s0;
	s1 =	sshll.u32 s1, $0x11  }
0xbd: {  	s0 =	sor.u32 s1, s0  }
0xbe: {  	s0 =	sadd.s32 $0x8F2B, s0  }
0xbf: {  	[sflag:s0] =	ssyncadd.remote.s32 $0x1  }
0xc0: {  	_ =	sfence.sel $0xFFFF  }
0xc1: {  	[dreg:$0x0] =	wrdreg $0xFFFFFFFF;
	(pc) =	sbr.abs _section_cstart, $3  }
0xc2: {  	[dreg:$0x1] =	wrdreg $0xFFFFFFFF  }
0xc3: {  	_ =	task.clear_ibuf [dreg:s7], $0x2FFFF;
	_ =	strace $0x9FFFFFFF  }
0xc4: {  	(tm) =	ssettm $0x7FFFFFFF  }
0xc5: {  	_ =	shalt  }
tec
execute0_lowered:
.L_overlay_start_1:
0x0: {  	(tag) =	ssettag $0x1  }
0x1: {  	s0 =	rddreg [dreg:$0x0]  }
0x2: {  	s8 =	rddreg [dreg:$0x1]  }
0x3: {  	s1 =	srdreg.scid;
	s2 =	rddreg [dreg:$0x2]  }
0x4: {  	s13 =	stileid.u32;
	s3 =	rddreg [dreg:$0x3];
	s15 =	simm.s32 $0x2800  }
0x5: {  	s16 =	simm.s32 $0x7D;
	s17 =	simm.s32 $0x5000;
	s19 =	simm.s32 $0x57D0  }
0x6: {  	s20 =	simm.s32 $0x1;
	s22 =	simm.s32 $0x5FA0;
	s23 =	simm.s32 $0x2880  }
0x7: {  	s24 =	simm.s32 $0x180;
	s25 =	simm.s32 $0x6770;
	s26 =	simm.s32 $0x2  }
0x8: {  	s28 =	simm.s32 $0x0;
	s1 =	sand.u32 $0x1, s1;
	s9 =	smul.u32 $0x2800, s13  }
0x9: {  	s31 =	sshll.u32 s13, $0x6;
	s4 =	sshll.u32 s1, $0x4;
	s6 =	ssub.s32 $0x2, s1  }
0xa: {  	p0 =	seq.s32 s1, $0x1;
	s1 =	simm.s32 $0x1F200;
	s5 =	sor.u32 s13, s4  }
0xb: {  	s4 =	simm.s32 $0x0;
	s7 =	sshrl.u32 s6, $0x1;
	s14 =	sadd.s32 s9, s3  }
0xc: {  	s12 =	sshrl.u32 s9, $0x3;
	s1 =	simm.s32 @!p0 $0x1A200;
	s5 =	smul.u32 $0x2800, s5  }
0xd: {  	s13 =	sor.u32 $0x1C03, s31;
	[smem:$0x7FF] =	sst s4;
	s11 =	ssub.s32 s6, s7  }
0xe: {  	s6 =	sadd.s32 s0, s12;
	s30 =	sadd.s32 s1, s8;
	s5 =	sshrl.u32 s5, $0x3  }
0xf: {  	s14 =	sshrl.u32 s14, $0x3;
	_ =	strace $0x80000050;
	s10 =	sadd.s32 s5, s8  }
0x10: {  	s5 =	sadd.s32 s9, s2;
	s9 =	smax.u32 s11, $0x1;
	s7 =	sadd.s32 $0x6200, s10  }
0x11: {  	v0 =	vimm.f32 $0.0e+00;
	s8 =	sadd.s32 $0x10200, s10;
	s10 =	sadd.s32 s30, s12;
	s12 =	simm.s32 $0x3  }
.LBB2_1:
0x12: {  	s1 =	simm.s32 $0x40;
	s0 =	simm.s32 $0x0  }
.LBB2_2:
0x13: {  	p0 =	sne.s32 s1, $0x9FC0;
	[tilespmem:s0+$0x6F40] =	vst v0;
	s0 =	smov.u32 s1;
	s1 =	sadd.s32 $0x40, s1  }
.Ltmp0:
0x14: {  	(pc) =	sbr.rel @p0 .LBB2_2-.Ltmp0, $2  }
0x15: {  	_ =	sdelay $0x2  }
0x16: {  	s0 =	sshra.s32 s0, $0x2  }
0x17: {  	[tilespmem:s0+$0x6F40] =	vst v0;
	s1 =	simm.s32 $0x6F40  }
0x18: {  	[spmem:s5] =	stream.linear.scatter [tilespmem:s1], [sflag:$0x3], $0x2800, $0x38;
	[tilespmem:$0xE740] =	vst v63  }
0x19: {  	_ =	swait.ge [sflag:s12], $0x2800  }
0x1a: {  	[sflag:s12] =	ssyncset.done $0x0  }
0x1b: {  	[sflag:s12] =	ssyncadd.s32 $0xFFFFD800  }
0x1c: {  	[spmem:s14], [sflag:s13] =	dma.local [hbm:s6], $0x500  }
0x1d: {  	_ =	swait.ge [sflag:s12], $0x500  }
0x1e: {  	[sflag:s12] =	ssyncset.done $0x0  }
0x1f: {  	[sflag:s12] =	ssyncadd.s32 $0xFFFFFB00  }
0x20: {  	[tilespmem:s4], [sflag:$0x3] =	stream.linear.gather [hbm4b:s7+s4], $0x2800, $0x38;
	[tilespmem:$0xE740] =	vst v63  }
0x21: {  	_ =	swait.ge [sflag:s12], $0x2800  }
0x22: {  	[sflag:s12] =	ssyncset.done $0x0  }
0x23: {  	[sflag:s12] =	ssyncadd.s32 $0xFFFFD800  }
0x24: {  	[tilespmem:s15], [sflag:$0x3] =	stream.linear.gather [hbm4b:s8+s4], $0x2800, $0x38;
	[tilespmem:$0xE740] =	vst v63  }
0x25: {  	_ =	swait.ge [sflag:s12], $0x2800  }
0x26: {  	[sflag:s12] =	ssyncset.done $0x0  }
0x27: {  	[sflag:s12] =	ssyncadd.s32 $0xFFFFD800  }
0x28: {  	[bflag:$0x0] =	sbarrier.arrive $0xFFFF  }
0x29: {  	[tilespmem:s17], [sflag:$0x1] =	stream.indirect.gather [spmem:s3], $0x10, s4, s16, $0xb8;
	[tilespmem:$0xE740] =	vst v63  }
0x2a: {  	s11 =	simm.s32 $0x80  }
0x2b: {  	[tilespmem:s19], [sflag:$0x1] =	stream.indirect.gather [spmem:s3], $0x10, s11, s16, $0xb8;
	[tilespmem:$0xE740] =	vst v63  }
0x2c: {  	_ =	swait.ge [sflag:s20], $0x7D0  }
0x2d: {  	[sflag:s20] =	ssyncset.done $0x0  }
0x2e: {  	[sflag:s20] =	ssyncadd.s32 $0xFFFFF830  }
0x2f: {  	[spmem:s2] =	stream.indirect.scatter.add.f32 [tilespmem:s17], [sflag:$0x2], $0x10, s15, s16, $0xb8;
	[tilespmem:$0xE740] =	vst v63  }
0x30: {  	s18 =	simm.s32 $0x100  }
0x31: {  	[tilespmem:s22], [sflag:$0x1] =	stream.indirect.gather [spmem:s3], $0x10, s18, s16, $0xb8;
	[tilespmem:$0xE740] =	vst v63  }
0x32: {  	_ =	swait.ge [sflag:s20], $0x7D0  }
0x33: {  	s21 =	simm.s32 $0x2;
	[sflag:s20] =	ssyncset.done $0x0  }
0x34: {  	s0 =	sand.u32 $0x3, s21;
	[sflag:s20] =	ssyncadd.s32 $0xFFFFF830  }
0x35: {  	[spmem:s2] =	stream.indirect.scatter.add.f32 [tilespmem:s19], [sflag:$0x2], $0x10, s23, s16, $0xb8;
	[tilespmem:$0xE740] =	vst v63  }
0x36: {  	s29 =	simm.s32 $0x200;
	s0 =	smul.u32 $0x1F40, s0  }
0x37: {  	[tilespmem:s25], [sflag:$0x1] =	stream.indirect.gather [spmem:s3], $0x10, s24, s16, $0xb8;
	[tilespmem:$0xE740] =	vst v63  }
0x38: {  	p0 =	por $0x0, $0x0;
	s1 =	simm.s32 $0x4;
	_ =	swait.ge [sflag:s20], $0x7D0  }
0x39: {  	s1 =	sand.u32 @!p0 $0x3, s1;
	s0 =	sshrl.u32 s0, $0x2;
	[sflag:s20] =	ssyncset.done $0x0  }
0x3a: {  	s0 =	sadd.s32 $0x5000, s0;
	s11 =	simm.s32 $0x2900;
	[sflag:s20] =	ssyncadd.s32 $0xFFFFF830  }
0x3b: {  	[spmem:s2] =	stream.indirect.scatter.add.f32 [tilespmem:s0], [sflag:$0x2], $0x10, s11, s16, $0xb8;
	[tilespmem:$0xE740] =	vst v63  }
0x3c: {  	s30 =	simm.s32 $0x5;
	s0 =	smul.u32 @!p0 $0x1F40, s1;
	_ =	swait.ge [sflag:s26], $0x7D0  }
0x3d: {  	s31 =	simm.s32 $0x280;
	s1 =	simm.s32 $0x2980;
	[sflag:s26] =	ssyncset.done $0x0  }
0x3e: {  	s11 =	sshrl.u32 @!p0 s0, $0x2;
	s0 =	simm.s32 @!p0 $0x7D;
	[sflag:s26] =	ssyncadd.s32 $0xFFFFF830  }
.LBB2_4:
0x3f: {  	s18 =	sadd.s32 $0xFFFFFFFE, s30  }
0x40: {  	s11 =	sadd.s32 @!p0 $0x5000, s11;
	s21 =	smov.u32 s30;
	s30 =	sadd.s32 $0x1, s30  }
0x41: {  	[tilespmem:s11], [sflag:$0x1] =	stream.indirect.gather @!p0 [spmem:s3], $0x10, s29, s0, $0xb8;
	[tilespmem:$0xE740] =	vst v63  }
0x42: {  	s0 =	sand.u32 $0x3, s18;
	p1 =	sne.s32 s30, $0x52;
	s29 =	smov.u32 s31  }
0x43: {  	s0 =	smul.u32 $0x1F40, s0  }
0x44: {  	p0 =	sgt.u32 s18, $0x4D;
	_ =	swait.ge [sflag:s20], $0x7D0  }
0x45: {  	s11 =	sand.u32 @!p0 $0x3, s21;
	s0 =	sshrl.u32 s0, $0x2;
	[sflag:s20] =	ssyncset.done $0x0  }
.Ltmp1:
0x46: {  	s0 =	sadd.s32 $0x5000, s0;
	[sflag:s20] =	ssyncadd.s32 $0xFFFFF830;
	(pc) =	sbr.rel @p1 .LBB2_4-.Ltmp1, $4  }
0x47: {  	[spmem:s2] =	stream.indirect.scatter.add.f32 [tilespmem:s0], [sflag:$0x2], $0x10, s1, s16, $0xb8;
	[tilespmem:$0xE740] =	vst v63  }
0x48: {  	s0 =	smul.u32 @!p0 $0x1F40, s11;
	_ =	swait.ge [sflag:s26], $0x7D0  }
0x49: {  	s31 =	sadd.s32 $0x80, s31;
	s1 =	sadd.s32 $0x80, s1;
	[sflag:s26] =	ssyncset.done $0x0  }
0x4a: {  	s11 =	sshrl.u32 @!p0 s0, $0x2;
	s0 =	simm.s32 @!p0 $0x7D;
	[sflag:s26] =	ssyncadd.s32 $0xFFFFF830  }
0x4b: {  	s1 =	sadd.s32 @!p0 $0x5000, s11  }
0x4c: {  	[tilespmem:s1], [sflag:$0x1] =	stream.indirect.gather @!p0 [spmem:s3], $0x10, s29, s0, $0xb8;
	[tilespmem:$0xE740] =	vst v63  }
0x4d: {  	_ =	swait.ge [sflag:s26], $0x7D0  }
0x4e: {  	[sflag:s26] =	ssyncset.done $0x0  }
0x4f: {  	[sflag:s26] =	ssyncadd.s32 $0xFFFFF830  }
0x50: {  	_ =	swait.ge [sflag:s26], $0x7D0  }
0x51: {  	s28 =	sadd.s32 $0x1, s28;
	[sflag:s26] =	ssyncset.done $0x0  }
0x52: {  	p0 =	sne.s32 s28, s9;
	[sflag:s26] =	ssyncadd.s32 $0xFFFFF830  }
.Ltmp2:
0x53: {  	s31 =	sshrl.u32 s5, $0x3;
	[bflag:$0x0] =	sbarrier.arrive $0xFFFF;
	(pc) =	sbr.rel @p0 .LBB2_1-.Ltmp2, $4  }
0x54: {  	[hbm:s10], [sflag:s13] =	dma.local [spmem:s31], $0x500  }
0x55: {  	_ =	swait.ge [sflag:s12], $0x500  }
0x56: {  	[sflag:s12] =	ssyncset.done $0x0  }
0x57: {  	[sflag:s12] =	ssyncadd.s32 $0xFFFFFB00  }
0x58: {  	_ =	sfence.sel $0x180000  }
0x59: {  	[bflag:$0x0] =	sbarrier.arrive $0xFFFF  }
0x5a: {  	_ =	strace $0x90000050  }
0x5b: {  	s0 =	stileid.u32;
	[bflag:$0x2] =	sbarrier.arrive $0xFFFF  }
0x5c: {  	p0 =	sne.s32 s0, $0x0;
	s0 =	rddreg [dreg:$0x4]  }
0x5d: {  	s0 =	sadd.s32 @!p0 $0x100000, s0  }
0x5e: {  	[sflag:s0] =	ssyncadd.tile.s32 @!p0 $0x1;
	_ =	shalt  }
.Lfunc_end2:
_tile_overlayer_lowered:
.L_overlay_start_2:
0x5f: {  	(tag) =	ssettag $0x2  }
0x60: {  	s0 =	rddreg [dreg:$0x0];
	s2 =	stileid.u32  }
0x61: {  	s1 =	rddreg [dreg:$0x1];
	p0 =	sne.s32 s2, $0x0  }
0x62: {  	s3 =	rddreg [dreg:$0x2];
	[bflag:$0x3] =	sbarrier.arrive $0xFFFF;
	s2 =	simm.s32 @!p0 $0x1C03  }
0x63: {  	[timem:s3], [sflag:s2] =	dma.local @!p0 [hbm:s0], s1  }
0x64: {  	s0 =	simm.s32 @!p0 $0x3  }
0x65: {  	_ =	swait.ge @!p0 [sflag:s0], s1  }
0x66: {  	s1 =	ssub.s32 @!p0 $0x0, s1;
	[sflag:s0] =	ssyncset.done @!p0 $0x0  }
0x67: {  	[sflag:s0] =	ssyncadd.s32 @!p0 s1  }
0x68: {  	[bflag:$0x3] =	sbarrier.arrive $0xFFFF  }
0x69: {  	_ =	shalt  }

</sc_bundles>
